<compile_context>
chip_gen: v7x
topology: tpu7x:2x2x1
jax: 0.10.2.dev20260603
libtpu: 0.0.44.dev20260713+nightly
codegen_flags: <defaults>
</compile_context>

<pallas_src>
import functools

import jax
import jax.numpy as jnp
from jax import lax
from jax.experimental import pallas as pl
from jax.experimental.pallas import tpu as pltpu
from jax.experimental.pallas import tpu_sc as plsc

_N = 320000
_D = 128
_C = 4
_L = 16
_NC = 2
_NS = 16
_NW = _NC * _NS

_N_SC = 179200
_N_TC = _N - _N_SC
_ROWS_W = _N_SC // _NW
_CH = 80
_NCHUNK = _ROWS_W // _CH
_RING = 5
_BLK = 3200
_TC_NBLK = _N_TC // _BLK


def _sc_partials(features, labels_i32):
    mesh = plsc.VectorSubcoreMesh(core_axis_name="c", subcore_axis_name="s")

    @functools.partial(
        pl.kernel,
        out_type=[
            jax.ShapeDtypeStruct((_NW * _C, _D), jnp.float32),
            jax.ShapeDtypeStruct((_NW * _C, _L), jnp.float32),
        ],
        mesh=mesh,
        scratch_types=[
            pltpu.VMEM((_RING, _CH, _D), jnp.float32),
            pltpu.VMEM((_ROWS_W,), jnp.int32),
            pltpu.VMEM((_RING, _CH), jnp.int32),
            pltpu.VMEM((_C, _D), jnp.float32),
            pltpu.VMEM((_C, _L), jnp.float32),
            pltpu.VMEM_SHARED((_NS * _C, _D), jnp.float32),
            pltpu.SemaphoreType.DMA,
            pltpu.SemaphoreType.DMA,
            pltpu.SemaphoreType.DMA,
            pltpu.SemaphoreType.DMA,
            pltpu.SemaphoreType.DMA,
            pltpu.SemaphoreType.DMA,
            pltpu.SemaphoreType.DMA,
            pltpu.SemaphoreType.DMA,
            pltpu.SemaphoreType.DMA,
            pltpu.SemaphoreType.DMA,
            pltpu.SemaphoreType.DMA,
        ],
    )
    def k(feat_hbm, lab_hbm, sums_hbm, cnt_hbm, fbuf, lab_all, lidx, zbuf,
          cnt, shared_acc, lsem, i0, i1, i2, i3, i4, s0, s1, s2, s3, s4):
        cid = lax.axis_index("c")
        sid = lax.axis_index("s")
        wid = cid * _NS + sid
        base = _N_TC + wid * _ROWS_W
        bank = sid * _C
        isems = (i0, i1, i2, i3, i4)
        ssems = (s0, s1, s2, s3, s4)
        zero = jnp.zeros((_L,), jnp.float32)

        pltpu.async_copy(lab_hbm.at[pl.ds(base, _ROWS_W)], lab_all, lsem)
        for r in range(_C):
            for j in range(_D // _L):
                zbuf[r, pl.ds(j * _L, _L)] = zero
            cnt[r, :] = zero
        pltpu.sync_copy(zbuf, shared_acc.at[pl.ds(bank, _C)])
        pltpu.make_async_copy(lab_hbm.at[pl.ds(base, _ROWS_W)], lab_all,
                              lsem).wait()

        def issue_input(i, buf):
            pltpu.async_copy(feat_hbm.at[pl.ds(base + i * _CH, _CH)],
                             fbuf.at[buf], isems[buf])

        def wait_input(i, buf):
            pltpu.make_async_copy(feat_hbm.at[pl.ds(base + i * _CH, _CH)],
                                  fbuf.at[buf], isems[buf]).wait()

        def issue_scatter(i, buf):
            for g in range(_CH // _L):
                lidx[buf, pl.ds(g * _L, _L)] = (
                    lab_all[pl.ds(i * _CH + g * _L, _L)] + bank)
            pltpu.async_copy(fbuf.at[buf], shared_acc.at[lidx.at[buf]],
                             ssems[buf], add=True)

        def wait_scatter(i, buf):
            pltpu.make_async_copy(fbuf.at[buf], shared_acc.at[lidx.at[buf]],
                                  ssems[buf]).wait()

        issue_input(0, 0)

        def prep(j, carry):
            for g in range(5):
                lv = lab_all[pl.ds((j * 5 + g) * _L, _L)]
                for r in range(_C):
                    cnt[r, :] += jnp.where(lv == r, 1.0, 0.0)
            return carry
        lax.fori_loop(0, _ROWS_W // (_L * 5), prep, 0)


        for i in range(3):
            issue_input(i + 1, (i + 1) % _RING)
            wait_input(i, i % _RING)
            if i >= 1:
                wait_scatter(i - 1, (i - 1) % _RING)
            issue_scatter(i, i % _RING)

        def outer(o, carry):
            for b in range(_RING):
                i = 3 + o * _RING + b
                issue_input(i + 1, (4 + b) % _RING)
                wait_input(i, (3 + b) % _RING)
                wait_scatter(i - 1, (2 + b) % _RING)
                issue_scatter(i, (3 + b) % _RING)
            return carry
        lax.fori_loop(0, (_NCHUNK - _RING) // _RING, outer, 0)

        for i in range(_NCHUNK - 2, _NCHUNK):
            if i + 1 < _NCHUNK:
                issue_input(i + 1, (i + 1) % _RING)
            wait_input(i, i % _RING)
            wait_scatter(i - 1, (i - 1) % _RING)
            issue_scatter(i, i % _RING)
        wait_scatter(_NCHUNK - 1, (_NCHUNK - 1) % _RING)

        pltpu.sync_copy(shared_acc.at[pl.ds(bank, _C)],
                        sums_hbm.at[pl.ds(wid * _C, _C)])
        pltpu.sync_copy(cnt, cnt_hbm.at[pl.ds(wid * _C, _C)])

    return k(features, labels_i32)


def _tc_part_body(lab_ref, feat_ref, sums_ref, cnt_ref, acc_ref, csm_ref):
    i = pl.program_id(0)

    @pl.when(i == 0)
    def _init():
        acc_ref[...] = jnp.zeros_like(acc_ref)
        for c in range(_C):
            csm_ref[0, c] = 0.0

    lab = lab_ref[0, 0, :]
    feat = feat_ref[...]
    lab_col = lab[:, None]
    for c in range(_C):
        acc_ref[c, :] += jnp.sum(jnp.where(lab_col == c, feat, 0.0), axis=0)
        csm_ref[0, c] += jnp.sum((lab == c).astype(jnp.float32))

    @pl.when(i == _TC_NBLK - 1)
    def _fin():
        sums_ref[...] = acc_ref[...]
        for c in range(_C):
            cnt_ref[c, :] = jnp.full((_D,), csm_ref[0, c], jnp.float32)


def _tc_partials(features, labels_i32):
    lab3 = labels_i32[:_N_TC].reshape(_TC_NBLK, 1, _BLK)
    return pl.pallas_call(
        _tc_part_body,
        grid=(_TC_NBLK,),
        in_specs=[
            pl.BlockSpec((1, 1, _BLK), lambda i: (i, 0, 0)),
            pl.BlockSpec((_BLK, _D), lambda i: (i, 0)),
        ],
        out_specs=[
            pl.BlockSpec((_C, _D), lambda i: (0, 0)),
            pl.BlockSpec((_C, _D), lambda i: (0, 0)),
        ],
        out_shape=[
            jax.ShapeDtypeStruct((_C, _D), jnp.float32),
            jax.ShapeDtypeStruct((_C, _D), jnp.float32),
        ],
        scratch_shapes=[
            pltpu.VMEM((_C, _D), jnp.float32),
            pltpu.SMEM((1, _C), jnp.float32),
        ],
    )(lab3, features)


def _fin_body(ss_ref, sc_ref, ts_ref, tcnt_ref, out_ref):
    tot = ts_ref[...]
    for w in range(_NW):
        tot += ss_ref[w * _C:(w + 1) * _C, :]
    ctot = sc_ref[0:_C, :]
    for w in range(1, _NW):
        ctot += sc_ref[w * _C:(w + 1) * _C, :]
    for cl in range(_C):
        n_cl = jnp.sum(ctot[cl, :]) + tcnt_ref[cl, 0]
        mean = tot[cl, :] / jnp.maximum(n_cl, 1.0)
        nrm = jnp.sqrt(jnp.sum(mean * mean))
        out_ref[cl, :] = mean / jnp.maximum(nrm, 1e-12)


def _finalize(sc_sums, sc_cnts, tc_sums, tc_cnt):
    return pl.pallas_call(
        _fin_body,
        out_shape=jax.ShapeDtypeStruct((_C, _D), jnp.float32),
    )(sc_sums, sc_cnts, tc_sums, tc_cnt)


def kernel(features, labels):
    labels_i32 = labels.astype(jnp.int32)
    sc_sums, sc_cnts = _sc_partials(features, labels_i32)
    tc_sums, tc_cnt = _tc_partials(features, labels_i32)
    fea_center = _finalize(sc_sums, sc_cnts, tc_sums, tc_cnt)
    target = jnp.array([0, 1, 2, 3], dtype=jnp.int64)
    return (fea_center, target)

# --- scband reference (transcript-rebuilt; emitter-appended) ---
"""Pipeline reference for scband-centercompute-38027640439207 (READ-ONLY COPY).

The authoritative reference and input builder live on the scoring server;
editing this copy changes nothing except your own understanding.
"""

import jax, jax.numpy as jnp
import numpy as np


def setup_inputs(seed: int = 0) -> dict:
    key = jax.random.key(seed)
    k1, k2 = jax.random.split(key)
    features = jax.random.normal(k1, (320000, 128), dtype=jnp.float32)
    labels = jax.random.randint(k2, (320000,), 0, 4, dtype=jnp.int64)
    return {"features": features, "labels": labels}


def reference(features, labels):
    num_classes = 4
    # per-class sum via segment reduce (scatter-add)
    sums = jax.ops.segment_sum(features, labels, num_segments=num_classes)
    counts = jax.ops.segment_sum(jnp.ones((labels.shape[0],), dtype=features.dtype), labels, num_segments=num_classes)
    fea_center = sums / counts[:, None]
    # F.normalize(dim=1): x / max(||x||_2, eps)
    norm = jnp.linalg.norm(fea_center, axis=1, keepdims=True)
    fea_center = fea_center / jnp.maximum(norm, 1e-12)
    target = jnp.array([0, 1, 2, 3], dtype=jnp.int64)
    return (fea_center, target)

if __name__ == "__main__":
    import jax
    _d = setup_inputs()
    print(jax.jit(kernel)(*tuple(_d.values())))

</pallas_src>

<mosaic_0001>
#map = affine_map<(d0, d1) -> (0, 0)>
#map1 = affine_map<(d0, d1) -> (0)>
module attributes {stable_mosaic.version = 14 : i64} {
  func.func @k(%arg0: i32, %arg1: i32, %arg2: memref<320000x128xf32, #tpu.memory_space<hbm>>, %arg3: memref<320000xi32, #tpu.memory_space<hbm>>, %arg4: memref<128x128xf32, #tpu.memory_space<hbm>>, %arg5: memref<128x16xf32, #tpu.memory_space<hbm>>, %arg6: memref<5x80x128xf32, #tpu.memory_space<vmem>>, %arg7: memref<5600xi32, #tpu.memory_space<vmem>>, %arg8: memref<5x80xi32, #tpu.memory_space<vmem>>, %arg9: memref<4x128xf32, #tpu.memory_space<vmem>>, %arg10: memref<4x16xf32, #tpu.memory_space<vmem>>, %arg11: memref<64x128xf32, #tpu.memory_space<vmem_shared>>, %arg12: memref<!tpu.dma_semaphore, #tpu.memory_space<semaphore_mem>>, %arg13: memref<!tpu.dma_semaphore, #tpu.memory_space<semaphore_mem>>, %arg14: memref<!tpu.dma_semaphore, #tpu.memory_space<semaphore_mem>>, %arg15: memref<!tpu.dma_semaphore, #tpu.memory_space<semaphore_mem>>, %arg16: memref<!tpu.dma_semaphore, #tpu.memory_space<semaphore_mem>>, %arg17: memref<!tpu.dma_semaphore, #tpu.memory_space<semaphore_mem>>, %arg18: memref<!tpu.dma_semaphore, #tpu.memory_space<semaphore_mem>>, %arg19: memref<!tpu.dma_semaphore, #tpu.memory_space<semaphore_mem>>, %arg20: memref<!tpu.dma_semaphore, #tpu.memory_space<semaphore_mem>>, %arg21: memref<!tpu.dma_semaphore, #tpu.memory_space<semaphore_mem>>, %arg22: memref<!tpu.dma_semaphore, #tpu.memory_space<semaphore_mem>>) attributes {dimension_semantics = [#tpu.dimension_semantics<core_parallel>, #tpu.dimension_semantics<subcore_parallel>], iteration_bounds = array<i64: 2, 16>, scalar_prefetch = 0 : i64, scratch_operands = 17 : i64, tpu.core_type = #tpu.core_type<sc_vector_subcore>, window_params = [{transform_indices = #map}, {transform_indices = #map1}, {transform_indices = #map}, {transform_indices = #map}]} {
    %mul3A = arith.constant 16 : i32
    %mul3A_0 = arith.muli %arg0, %mul3A : i32
    %add3A = arith.addi %mul3A_0, %arg1 : i32
    %mul3A_1 = arith.constant 5600 : i32
    %mul3A_2 = arith.muli %add3A, %mul3A_1 : i32
    %add3A_3 = arith.constant 140800 : i32
    %add3A_4 = arith.addi %add3A_3, %mul3A_2 : i32
    %mul3A_5 = arith.constant 4 : i32
    %mul3A_6 = arith.muli %arg1, %mul3A_5 : i32
    %broadcast_in_dim3A = arith.constant 0.000000e+00 : f32
    %broadcast_in_dim3A_7 = vector.broadcast %broadcast_in_dim3A : f32 to vector<16xf32>
    %dma_start3A = tpu.memref_slice %arg3[%add3A_4] : memref<320000xi32, #tpu.memory_space<hbm>> -> memref<5600xi32, #tpu.memory_space<hbm>>
    %dma_start3A_8 = tpu.memref_slice %arg3[%add3A_4] : memref<320000xi32, #tpu.memory_space<hbm>> -> memref<5600xi32, #tpu.memory_space<hbm>>
    tpu.enqueue_dma source(%dma_start3A_8 : memref<5600xi32, #tpu.memory_space<hbm>>) target(%arg7 : memref<5600xi32, #tpu.memory_space<vmem>>) target_semaphore(%arg12 : memref<!tpu.dma_semaphore, #tpu.memory_space<semaphore_mem>>)
    %swap3A = arith.constant 0 : i32
    %swap3A_9 = arith.index_cast %swap3A : i32 to index
    %swap3A_10 = arith.constant 0 : index
    %swap3A_11 = tpu.vector_load %arg9[%swap3A_9, %swap3A_10] {strides = array<i32>} : memref<4x128xf32, #tpu.memory_space<vmem>>, vector<1x16xf32>,
    %swap3A_12 = vector.shape_cast %swap3A_11 : vector<1x16xf32> to vector<16xf32>
    %swap3A_13 = vector.shape_cast %broadcast_in_dim3A_7 : vector<16xf32> to vector<1x16xf32>
    tpu.vector_store %arg9[%swap3A_9, %swap3A_10], %swap3A_13 {strides = array<i32>} : memref<4x128xf32, #tpu.memory_space<vmem>>, vector<1x16xf32>,
    %swap3A_14 = arith.constant 0 : i32
    %swap3A_15 = arith.index_cast %swap3A_14 : i32 to index
    %swap3A_16 = arith.constant 16 : index
    %swap3A_17 = tpu.vector_load %arg9[%swap3A_15, %swap3A_16] {strides = array<i32>} : memref<4x128xf32, #tpu.memory_space<vmem>>, vector<1x16xf32>,
    %swap3A_18 = vector.shape_cast %swap3A_17 : vector<1x16xf32> to vector<16xf32>
    %swap3A_19 = vector.shape_cast %broadcast_in_dim3A_7 : vector<16xf32> to vector<1x16xf32>
    tpu.vector_store %arg9[%swap3A_15, %swap3A_16], %swap3A_19 {strides = array<i32>} : memref<4x128xf32, #tpu.memory_space<vmem>>, vector<1x16xf32>,
    %swap3A_20 = arith.constant 0 : i32
    %swap3A_21 = arith.index_cast %swap3A_20 : i32 to index
    %swap3A_22 = arith.constant 32 : index
    %swap3A_23 = tpu.vector_load %arg9[%swap3A_21, %swap3A_22] {strides = array<i32>} : memref<4x128xf32, #tpu.memory_space<vmem>>, vector<1x16xf32>,
    %swap3A_24 = vector.shape_cast %swap3A_23 : vector<1x16xf32> to vector<16xf32>
    %swap3A_25 = vector.shape_cast %broadcast_in_dim3A_7 : vector<16xf32> to vector<1x16xf32>
    tpu.vector_store %arg9[%swap3A_21, %swap3A_22], %swap3A_25 {strides = array<i32>} : memref<4x128xf32, #tpu.memory_space<vmem>>, vector<1x16xf32>,
    %swap3A_26 = arith.constant 0 : i32
    %swap3A_27 = arith.index_cast %swap3A_26 : i32 to index
    %swap3A_28 = arith.constant 48 : index
    %swap3A_29 = tpu.vector_load %arg9[%swap3A_27, %swap3A_28] {strides = array<i32>} : memref<4x128xf32, #tpu.memory_space<vmem>>, vector<1x16xf32>,
    %swap3A_30 = vector.shape_cast %swap3A_29 : vector<1x16xf32> to vector<16xf32>
    %swap3A_31 = vector.shape_cast %broadcast_in_dim3A_7 : vector<16xf32> to vector<1x16xf32>
    tpu.vector_store %arg9[%swap3A_27, %swap3A_28], %swap3A_31 {strides = array<i32>} : memref<4x128xf32, #tpu.memory_space<vmem>>, vector<1x16xf32>,
    %swap3A_32 = arith.constant 0 : i32
    %swap3A_33 = arith.index_cast %swap3A_32 : i32 to index
    %swap3A_34 = arith.constant 64 : index
    %swap3A_35 = tpu.vector_load %arg9[%swap3A_33, %swap3A_34] {strides = array<i32>} : memref<4x128xf32, #tpu.memory_space<vmem>>, vector<1x16xf32>,
    %swap3A_36 = vector.shape_cast %swap3A_35 : vector<1x16xf32> to vector<16xf32>
    %swap3A_37 = vector.shape_cast %broadcast_in_dim3A_7 : vector<16xf32> to vector<1x16xf32>
    tpu.vector_store %arg9[%swap3A_33, %swap3A_34], %swap3A_37 {strides = array<i32>} : memref<4x128xf32, #tpu.memory_space<vmem>>, vector<1x16xf32>,
    %swap3A_38 = arith.constant 0 : i32
    %swap3A_39 = arith.index_cast %swap3A_38 : i32 to index
    %swap3A_40 = arith.constant 80 : index
    %swap3A_41 = tpu.vector_load %arg9[%swap3A_39, %swap3A_40] {strides = array<i32>} : memref<4x128xf32, #tpu.memory_space<vmem>>, vector<1x16xf32>,
    %swap3A_42 = vector.shape_cast %swap3A_41 : vector<1x16xf32> to vector<16xf32>
    %swap3A_43 = vector.shape_cast %broadcast_in_dim3A_7 : vector<16xf32> to vector<1x16xf32>
    tpu.vector_store %arg9[%swap3A_39, %swap3A_40], %swap3A_43 {strides = array<i32>} : memref<4x128xf32, #tpu.memory_space<vmem>>, vector<1x16xf32>,
    %swap3A_44 = arith.constant 0 : i32
    %swap3A_45 = arith.index_cast %swap3A_44 : i32 to index
    %swap3A_46 = arith.constant 96 : index
    %swap3A_47 = tpu.vector_load %arg9[%swap3A_45, %swap3A_46] {strides = array<i32>} : memref<4x128xf32, #tpu.memory_space<vmem>>, vector<1x16xf32>,
    %swap3A_48 = vector.shape_cast %swap3A_47 : vector<1x16xf32> to vector<16xf32>
    %swap3A_49 = vector.shape_cast %broadcast_in_dim3A_7 : vector<16xf32> to vector<1x16xf32>
    tpu.vector_store %arg9[%swap3A_45, %swap3A_46], %swap3A_49 {strides = array<i32>} : memref<4x128xf32, #tpu.memory_space<vmem>>, vector<1x16xf32>,
    %swap3A_50 = arith.constant 0 : i32
    %swap3A_51 = arith.index_cast %swap3A_50 : i32 to index
    %swap3A_52 = arith.constant 112 : index
    %swap3A_53 = tpu.vector_load %arg9[%swap3A_51, %swap3A_52] {strides = array<i32>} : memref<4x128xf32, #tpu.memory_space<vmem>>, vector<1x16xf32>,
    %swap3A_54 = vector.shape_cast %swap3A_53 : vector<1x16xf32> to vector<16xf32>
    %swap3A_55 = vector.shape_cast %broadcast_in_dim3A_7 : vector<16xf32> to vector<1x16xf32>
    tpu.vector_store %arg9[%swap3A_51, %swap3A_52], %swap3A_55 {strides = array<i32>} : memref<4x128xf32, #tpu.memory_space<vmem>>, vector<1x16xf32>,
    %swap3A_56 = arith.constant 0 : i32
    %swap3A_57 = arith.index_cast %swap3A_56 : i32 to index
    %swap3A_58 = arith.constant 0 : index
    %swap3A_59 = tpu.vector_load %arg10[%swap3A_57, %swap3A_58] {strides = array<i32>} : memref<4x16xf32, #tpu.memory_space<vmem>>, vector<1x16xf32>,
    %swap3A_60 = vector.shape_cast %swap3A_59 : vector<1x16xf32> to vector<16xf32>
    %swap3A_61 = vector.shape_cast %broadcast_in_dim3A_7 : vector<16xf32> to vector<1x16xf32>
    tpu.vector_store %arg10[%swap3A_57, %swap3A_58], %swap3A_61 {strides = array<i32>} : memref<4x16xf32, #tpu.memory_space<vmem>>, vector<1x16xf32>,
    %swap3A_62 = arith.constant 1 : i32
    %swap3A_63 = arith.index_cast %swap3A_62 : i32 to index
    %swap3A_64 = arith.constant 0 : index
    %swap3A_65 = tpu.vector_load %arg9[%swap3A_63, %swap3A_64] {strides = array<i32>} : memref<4x128xf32, #tpu.memory_space<vmem>>, vector<1x16xf32>,
    %swap3A_66 = vector.shape_cast %swap3A_65 : vector<1x16xf32> to vector<16xf32>
    %swap3A_67 = vector.shape_cast %broadcast_in_dim3A_7 : vector<16xf32> to vector<1x16xf32>
    tpu.vector_store %arg9[%swap3A_63, %swap3A_64], %swap3A_67 {strides = array<i32>} : memref<4x128xf32, #tpu.memory_space<vmem>>, vector<1x16xf32>,
    %swap3A_68 = arith.constant 1 : i32
    %swap3A_69 = arith.index_cast %swap3A_68 : i32 to index
    %swap3A_70 = arith.constant 16 : index
    %swap3A_71 = tpu.vector_load %arg9[%swap3A_69, %swap3A_70] {strides = array<i32>} : memref<4x128xf32, #tpu.memory_space<vmem>>, vector<1x16xf32>,
    %swap3A_72 = vector.shape_cast %swap3A_71 : vector<1x16xf32> to vector<16xf32>
    %swap3A_73 = vector.shape_cast %broadcast_in_dim3A_7 : vector<16xf32> to vector<1x16xf32>
    tpu.vector_store %arg9[%swap3A_69, %swap3A_70], %swap3A_73 {strides = array<i32>} : memref<4x128xf32, #tpu.memory_space<vmem>>, vector<1x16xf32>,
    %swap3A_74 = arith.constant 1 : i32
    %swap3A_75 = arith.index_cast %swap3A_74 : i32 to index
    %swap3A_76 = arith.constant 32 : index
    %swap3A_77 = tpu.vector_load %arg9[%swap3A_75, %swap3A_76] {strides = array<i32>} : memref<4x128xf32, #tpu.memory_space<vmem>>, vector<1x16xf32>,
    %swap3A_78 = vector.shape_cast %swap3A_77 : vector<1x16xf32> to vector<16xf32>
    %swap3A_79 = vector.shape_cast %broadcast_in_dim3A_7 : vector<16xf32> to vector<1x16xf32>
    tpu.vector_store %arg9[%swap3A_75, %swap3A_76], %swap3A_79 {strides = array<i32>} : memref<4x128xf32, #tpu.memory_space<vmem>>, vector<1x16xf32>,
    %swap3A_80 = arith.constant 1 : i32
    %swap3A_81 = arith.index_cast %swap3A_80 : i32 to index
    %swap3A_82 = arith.constant 48 : index
    %swap3A_83 = tpu.vector_load %arg9[%swap3A_81, %swap3A_82] {strides = array<i32>} : memref<4x128xf32, #tpu.memory_space<vmem>>, vector<1x16xf32>,
    %swap3A_84 = vector.shape_cast %swap3A_83 : vector<1x16xf32> to vector<16xf32>
    %swap3A_85 = vector.shape_cast %broadcast_in_dim3A_7 : vector<16xf32> to vector<1x16xf32>
    tpu.vector_store %arg9[%swap3A_81, %swap3A_82], %swap3A_85 {strides = array<i32>} : memref<4x128xf32, #tpu.memory_space<vmem>>, vector<1x16xf32>,
    %swap3A_86 = arith.constant 1 : i32
    %swap3A_87 = arith.index_cast %swap3A_86 : i32 to index
    %swap3A_88 = arith.constant 64 : index
    %swap3A_89 = tpu.vector_load %arg9[%swap3A_87, %swap3A_88] {strides = array<i32>} : memref<4x128xf32, #tpu.memory_space<vmem>>, vector<1x16xf32>,
    %swap3A_90 = vector.shape_cast %swap3A_89 : vector<1x16xf32> to vector<16xf32>
    %swap3A_91 = vector.shape_cast %broadcast_in_dim3A_7 : vector<16xf32> to vector<1x16xf32>
    tpu.vector_store %arg9[%swap3A_87, %swap3A_88], %swap3A_91 {strides = array<i32>} : memref<4x128xf32, #tpu.memory_space<vmem>>, vector<1x16xf32>,
    %swap3A_92 = arith.constant 1 : i32
    %swap3A_93 = arith.index_cast %swap3A_92 : i32 to index
    %swap3A_94 = arith.constant 80 : index
    %swap3A_95 = tpu.vector_load %arg9[%swap3A_93, %swap3A_94] {strides = array<i32>} : memref<4x128xf32, #tpu.memory_space<vmem>>, vector<1x16xf32>,
    %swap3A_96 = vector.shape_cast %swap3A_95 : vector<1x16xf32> to vector<16xf32>
    %swap3A_97 = vector.shape_cast %broadcast_in_dim3A_7 : vector<16xf32> to vector<1x16xf32>
    tpu.vector_store %arg9[%swap3A_93, %swap3A_94], %swap3A_97 {strides = array<i32>} : memref<4x128xf32, #tpu.memory_space<vmem>>, vector<1x16xf32>,
    %swap3A_98 = arith.constant 1 : i32
    %swap3A_99 = arith.index_cast %swap3A_98 : i32 to index
    %swap3A_100 = arith.constant 96 : index
    %swap3A_101 = tpu.vector_load %arg9[%swap3A_99, %swap3A_100] {strides = array<i32>} : memref<4x128xf32, #tpu.memory_space<vmem>>, vector<1x16xf32>,
    %swap3A_102 = vector.shape_cast %swap3A_101 : vector<1x16xf32> to vector<16xf32>
    %swap3A_103 = vector.shape_cast %broadcast_in_dim3A_7 : vector<16xf32> to vector<1x16xf32>
    tpu.vector_store %arg9[%swap3A_99, %swap3A_100], %swap3A_103 {strides = array<i32>} : memref<4x128xf32, #tpu.memory_space<vmem>>, vector<1x16xf32>,
    %swap3A_104 = arith.constant 1 : i32
    %swap3A_105 = arith.index_cast %swap3A_104 : i32 to index
    %swap3A_106 = arith.constant 112 : index
    %swap3A_107 = tpu.vector_load %arg9[%swap3A_105, %swap3A_106] {strides = array<i32>} : memref<4x128xf32, #tpu.memory_space<vmem>>, vector<1x16xf32>,
    %swap3A_108 = vector.shape_cast %swap3A_107 : vector<1x16xf32> to vector<16xf32>
    %swap3A_109 = vector.shape_cast %broadcast_in_dim3A_7 : vector<16xf32> to vector<1x16xf32>
    tpu.vector_store %arg9[%swap3A_105, %swap3A_106], %swap3A_109 {strides = array<i32>} : memref<4x128xf32, #tpu.memory_space<vmem>>, vector<1x16xf32>,
    %swap3A_110 = arith.constant 1 : i32
    %swap3A_111 = arith.index_cast %swap3A_110 : i32 to index
    %swap3A_112 = arith.constant 0 : index
    %swap3A_113 = tpu.vector_load %arg10[%swap3A_111, %swap3A_112] {strides = array<i32>} : memref<4x16xf32, #tpu.memory_space<vmem>>, vector<1x16xf32>,
    %swap3A_114 = vector.shape_cast %swap3A_113 : vector<1x16xf32> to vector<16xf32>
    %swap3A_115 = vector.shape_cast %broadcast_in_dim3A_7 : vector<16xf32> to vector<1x16xf32>
    tpu.vector_store %arg10[%swap3A_111, %swap3A_112], %swap3A_115 {strides = array<i32>} : memref<4x16xf32, #tpu.memory_space<vmem>>, vector<1x16xf32>,
    %swap3A_116 = arith.constant 2 : i32
    %swap3A_117 = arith.index_cast %swap3A_116 : i32 to index
    %swap3A_118 = arith.constant 0 : index
    %swap3A_119 = tpu.vector_load %arg9[%swap3A_117, %swap3A_118] {strides = array<i32>} : memref<4x128xf32, #tpu.memory_space<vmem>>, vector<1x16xf32>,
    %swap3A_120 = vector.shape_cast %swap3A_119 : vector<1x16xf32> to vector<16xf32>
    %swap3A_121 = vector.shape_cast %broadcast_in_dim3A_7 : vector<16xf32> to vector<1x16xf32>
    tpu.vector_store %arg9[%swap3A_117, %swap3A_118], %swap3A_121 {strides = array<i32>} : memref<4x128xf32, #tpu.memory_space<vmem>>, vector<1x16xf32>,
    %swap3A_122 = arith.constant 2 : i32
    %swap3A_123 = arith.index_cast %swap3A_122 : i32 to index
    %swap3A_124 = arith.constant 16 : index
    %swap3A_125 = tpu.vector_load %arg9[%swap3A_123, %swap3A_124] {strides = array<i32>} : memref<4x128xf32, #tpu.memory_space<vmem>>, vector<1x16xf32>,
    %swap3A_126 = vector.shape_cast %swap3A_125 : vector<1x16xf32> to vector<16xf32>
    %swap3A_127 = vector.shape_cast %broadcast_in_dim3A_7 : vector<16xf32> to vector<1x16xf32>
    tpu.vector_store %arg9[%swap3A_123, %swap3A_124], %swap3A_127 {strides = array<i32>} : memref<4x128xf32, #tpu.memory_space<vmem>>, vector<1x16xf32>,
    %swap3A_128 = arith.constant 2 : i32
    %swap3A_129 = arith.index_cast %swap3A_128 : i32 to index
    %swap3A_130 = arith.constant 32 : index
    %swap3A_131 = tpu.vector_load %arg9[%swap3A_129, %swap3A_130] {strides = array<i32>} : memref<4x128xf32, #tpu.memory_space<vmem>>, vector<1x16xf32>,
    %swap3A_132 = vector.shape_cast %swap3A_131 : vector<1x16xf32> to vector<16xf32>
    %swap3A_133 = vector.shape_cast %broadcast_in_dim3A_7 : vector<16xf32> to vector<1x16xf32>
    tpu.vector_store %arg9[%swap3A_129, %swap3A_130], %swap3A_133 {strides = array<i32>} : memref<4x128xf32, #tpu.memory_space<vmem>>, vector<1x16xf32>,
    %swap3A_134 = arith.constant 2 : i32
    %swap3A_135 = arith.index_cast %swap3A_134 : i32 to index
    %swap3A_136 = arith.constant 48 : index
    %swap3A_137 = tpu.vector_load %arg9[%swap3A_135, %swap3A_136] {strides = array<i32>} : memref<4x128xf32, #tpu.memory_space<vmem>>, vector<1x16xf32>,
    %swap3A_138 = vector.shape_cast %swap3A_137 : vector<1x16xf32> to vector<16xf32>
    %swap3A_139 = vector.shape_cast %broadcast_in_dim3A_7 : vector<16xf32> to vector<1x16xf32>
    tpu.vector_store %arg9[%swap3A_135, %swap3A_136], %swap3A_139 {strides = array<i32>} : memref<4x128xf32, #tpu.memory_space<vmem>>, vector<1x16xf32>,
    %swap3A_140 = arith.constant 2 : i32
    %swap3A_141 = arith.index_cast %swap3A_140 : i32 to index
    %swap3A_142 = arith.constant 64 : index
    %swap3A_143 = tpu.vector_load %arg9[%swap3A_141, %swap3A_142] {strides = array<i32>} : memref<4x128xf32, #tpu.memory_space<vmem>>, vector<1x16xf32>,
    %swap3A_144 = vector.shape_cast %swap3A_143 : vector<1x16xf32> to vector<16xf32>
    %swap3A_145 = vector.shape_cast %broadcast_in_dim3A_7 : vector<16xf32> to vector<1x16xf32>
    tpu.vector_store %arg9[%swap3A_141, %swap3A_142], %swap3A_145 {strides = array<i32>} : memref<4x128xf32, #tpu.memory_space<vmem>>, vector<1x16xf32>,
    %swap3A_146 = arith.constant 2 : i32
    %swap3A_147 = arith.index_cast %swap3A_146 : i32 to index
    %swap3A_148 = arith.constant 80 : index
    %swap3A_149 = tpu.vector_load %arg9[%swap3A_147, %swap3A_148] {strides = array<i32>} : memref<4x128xf32, #tpu.memory_space<vmem>>, vector<1x16xf32>,
    %swap3A_150 = vector.shape_cast %swap3A_149 : vector<1x16xf32> to vector<16xf32>
    %swap3A_151 = vector.shape_cast %broadcast_in_dim3A_7 : vector<16xf32> to vector<1x16xf32>
    tpu.vector_store %arg9[%swap3A_147, %swap3A_148], %swap3A_151 {strides = array<i32>} : memref<4x128xf32, #tpu.memory_space<vmem>>, vector<1x16xf32>,
    %swap3A_152 = arith.constant 2 : i32
    %swap3A_153 = arith.index_cast %swap3A_152 : i32 to index
    %swap3A_154 = arith.constant 96 : index
    %swap3A_155 = tpu.vector_load %arg9[%swap3A_153, %swap3A_154] {strides = array<i32>} : memref<4x128xf32, #tpu.memory_space<vmem>>, vector<1x16xf32>,
    %swap3A_156 = vector.shape_cast %swap3A_155 : vector<1x16xf32> to vector<16xf32>
    %swap3A_157 = vector.shape_cast %broadcast_in_dim3A_7 : vector<16xf32> to vector<1x16xf32>
    tpu.vector_store %arg9[%swap3A_153, %swap3A_154], %swap3A_157 {strides = array<i32>} : memref<4x128xf32, #tpu.memory_space<vmem>>, vector<1x16xf32>,
    %swap3A_158 = arith.constant 2 : i32
    %swap3A_159 = arith.index_cast %swap3A_158 : i32 to index
    %swap3A_160 = arith.constant 112 : index
    %swap3A_161 = tpu.vector_load %arg9[%swap3A_159, %swap3A_160] {strides = array<i32>} : memref<4x128xf32, #tpu.memory_space<vmem>>, vector<1x16xf32>,
    %swap3A_162 = vector.shape_cast %swap3A_161 : vector<1x16xf32> to vector<16xf32>
    %swap3A_163 = vector.shape_cast %broadcast_in_dim3A_7 : vector<16xf32> to vector<1x16xf32>
    tpu.vector_store %arg9[%swap3A_159, %swap3A_160], %swap3A_163 {strides = array<i32>} : memref<4x128xf32, #tpu.memory_space<vmem>>, vector<1x16xf32>,
    %swap3A_164 = arith.constant 2 : i32
    %swap3A_165 = arith.index_cast %swap3A_164 : i32 to index
    %swap3A_166 = arith.constant 0 : index
    %swap3A_167 = tpu.vector_load %arg10[%swap3A_165, %swap3A_166] {strides = array<i32>} : memref<4x16xf32, #tpu.memory_space<vmem>>, vector<1x16xf32>,
    %swap3A_168 = vector.shape_cast %swap3A_167 : vector<1x16xf32> to vector<16xf32>
    %swap3A_169 = vector.shape_cast %broadcast_in_dim3A_7 : vector<16xf32> to vector<1x16xf32>
    tpu.vector_store %arg10[%swap3A_165, %swap3A_166], %swap3A_169 {strides = array<i32>} : memref<4x16xf32, #tpu.memory_space<vmem>>, vector<1x16xf32>,
    %swap3A_170 = arith.constant 3 : i32
    %swap3A_171 = arith.index_cast %swap3A_170 : i32 to index
    %swap3A_172 = arith.constant 0 : index
    %swap3A_173 = tpu.vector_load %arg9[%swap3A_171, %swap3A_172] {strides = array<i32>} : memref<4x128xf32, #tpu.memory_space<vmem>>, vector<1x16xf32>,
    %swap3A_174 = vector.shape_cast %swap3A_173 : vector<1x16xf32> to vector<16xf32>
    %swap3A_175 = vector.shape_cast %broadcast_in_dim3A_7 : vector<16xf32> to vector<1x16xf32>
    tpu.vector_store %arg9[%swap3A_171, %swap3A_172], %swap3A_175 {strides = array<i32>} : memref<4x128xf32, #tpu.memory_space<vmem>>, vector<1x16xf32>,
    %swap3A_176 = arith.constant 3 : i32
    %swap3A_177 = arith.index_cast %swap3A_176 : i32 to index
    %swap3A_178 = arith.constant 16 : index
    %swap3A_179 = tpu.vector_load %arg9[%swap3A_177, %swap3A_178] {strides = array<i32>} : memref<4x128xf32, #tpu.memory_space<vmem>>, vector<1x16xf32>,
    %swap3A_180 = vector.shape_cast %swap3A_179 : vector<1x16xf32> to vector<16xf32>
    %swap3A_181 = vector.shape_cast %broadcast_in_dim3A_7 : vector<16xf32> to vector<1x16xf32>
    tpu.vector_store %arg9[%swap3A_177, %swap3A_178], %swap3A_181 {strides = array<i32>} : memref<4x128xf32, #tpu.memory_space<vmem>>, vector<1x16xf32>,
    %swap3A_182 = arith.constant 3 : i32
    %swap3A_183 = arith.index_cast %swap3A_182 : i32 to index
    %swap3A_184 = arith.constant 32 : index
    %swap3A_185 = tpu.vector_load %arg9[%swap3A_183, %swap3A_184] {strides = array<i32>} : memref<4x128xf32, #tpu.memory_space<vmem>>, vector<1x16xf32>,
    %swap3A_186 = vector.shape_cast %swap3A_185 : vector<1x16xf32> to vector<16xf32>
    %swap3A_187 = vector.shape_cast %broadcast_in_dim3A_7 : vector<16xf32> to vector<1x16xf32>
    tpu.vector_store %arg9[%swap3A_183, %swap3A_184], %swap3A_187 {strides = array<i32>} : memref<4x128xf32, #tpu.memory_space<vmem>>, vector<1x16xf32>,
    %swap3A_188 = arith.constant 3 : i32
    %swap3A_189 = arith.index_cast %swap3A_188 : i32 to index
    %swap3A_190 = arith.constant 48 : index
    %swap3A_191 = tpu.vector_load %arg9[%swap3A_189, %swap3A_190] {strides = array<i32>} : memref<4x128xf32, #tpu.memory_space<vmem>>, vector<1x16xf32>,
    %swap3A_192 = vector.shape_cast %swap3A_191 : vector<1x16xf32> to vector<16xf32>
    %swap3A_193 = vector.shape_cast %broadcast_in_dim3A_7 : vector<16xf32> to vector<1x16xf32>
    tpu.vector_store %arg9[%swap3A_189, %swap3A_190], %swap3A_193 {strides = array<i32>} : memref<4x128xf32, #tpu.memory_space<vmem>>, vector<1x16xf32>,
    %swap3A_194 = arith.constant 3 : i32
    %swap3A_195 = arith.index_cast %swap3A_194 : i32 to index
    %swap3A_196 = arith.constant 64 : index
    %swap3A_197 = tpu.vector_load %arg9[%swap3A_195, %swap3A_196] {strides = array<i32>} : memref<4x128xf32, #tpu.memory_space<vmem>>, vector<1x16xf32>,
    %swap3A_198 = vector.shape_cast %swap3A_197 : vector<1x16xf32> to vector<16xf32>
    %swap3A_199 = vector.shape_cast %broadcast_in_dim3A_7 : vector<16xf32> to vector<1x16xf32>
    tpu.vector_store %arg9[%swap3A_195, %swap3A_196], %swap3A_199 {strides = array<i32>} : memref<4x128xf32, #tpu.memory_space<vmem>>, vector<1x16xf32>,
    %swap3A_200 = arith.constant 3 : i32
    %swap3A_201 = arith.index_cast %swap3A_200 : i32 to index
    %swap3A_202 = arith.constant 80 : index
    %swap3A_203 = tpu.vector_load %arg9[%swap3A_201, %swap3A_202] {strides = array<i32>} : memref<4x128xf32, #tpu.memory_space<vmem>>, vector<1x16xf32>,
    %swap3A_204 = vector.shape_cast %swap3A_203 : vector<1x16xf32> to vector<16xf32>
    %swap3A_205 = vector.shape_cast %broadcast_in_dim3A_7 : vector<16xf32> to vector<1x16xf32>
    tpu.vector_store %arg9[%swap3A_201, %swap3A_202], %swap3A_205 {strides = array<i32>} : memref<4x128xf32, #tpu.memory_space<vmem>>, vector<1x16xf32>,
    %swap3A_206 = arith.constant 3 : i32
    %swap3A_207 = arith.index_cast %swap3A_206 : i32 to index
    %swap3A_208 = arith.constant 96 : index
    %swap3A_209 = tpu.vector_load %arg9[%swap3A_207, %swap3A_208] {strides = array<i32>} : memref<4x128xf32, #tpu.memory_space<vmem>>, vector<1x16xf32>,
    %swap3A_210 = vector.shape_cast %swap3A_209 : vector<1x16xf32> to vector<16xf32>
    %swap3A_211 = vector.shape_cast %broadcast_in_dim3A_7 : vector<16xf32> to vector<1x16xf32>
    tpu.vector_store %arg9[%swap3A_207, %swap3A_208], %swap3A_211 {strides = array<i32>} : memref<4x128xf32, #tpu.memory_space<vmem>>, vector<1x16xf32>,
    %swap3A_212 = arith.constant 3 : i32
    %swap3A_213 = arith.index_cast %swap3A_212 : i32 to index
    %swap3A_214 = arith.constant 112 : index
    %swap3A_215 = tpu.vector_load %arg9[%swap3A_213, %swap3A_214] {strides = array<i32>} : memref<4x128xf32, #tpu.memory_space<vmem>>, vector<1x16xf32>,
    %swap3A_216 = vector.shape_cast %swap3A_215 : vector<1x16xf32> to vector<16xf32>
    %swap3A_217 = vector.shape_cast %broadcast_in_dim3A_7 : vector<16xf32> to vector<1x16xf32>
    tpu.vector_store %arg9[%swap3A_213, %swap3A_214], %swap3A_217 {strides = array<i32>} : memref<4x128xf32, #tpu.memory_space<vmem>>, vector<1x16xf32>,
    %swap3A_218 = arith.constant 3 : i32
    %swap3A_219 = arith.index_cast %swap3A_218 : i32 to index
    %swap3A_220 = arith.constant 0 : index
    %swap3A_221 = tpu.vector_load %arg10[%swap3A_219, %swap3A_220] {strides = array<i32>} : memref<4x16xf32, #tpu.memory_space<vmem>>, vector<1x16xf32>,
    %swap3A_222 = vector.shape_cast %swap3A_221 : vector<1x16xf32> to vector<16xf32>
    %swap3A_223 = vector.shape_cast %broadcast_in_dim3A_7 : vector<16xf32> to vector<1x16xf32>
    tpu.vector_store %arg10[%swap3A_219, %swap3A_220], %swap3A_223 {strides = array<i32>} : memref<4x16xf32, #tpu.memory_space<vmem>>, vector<1x16xf32>,
    "tpu.region"() ({
      %run_scoped3A = tpu.sem_alloc : memref<!tpu.dma_semaphore, #tpu.memory_space<semaphore_mem>>
      %dma_start3A_784 = arith.constant 0 : i32
      %dma_start3A_785 = tpu.memref_slice %arg11[%mul3A_6, %dma_start3A_784] : memref<64x128xf32, #tpu.memory_space<vmem_shared>> -> memref<4x128xf32, #tpu.memory_space<vmem_shared>>
      %dma_start3A_786 = arith.constant 0 : i32
      %dma_start3A_787 = tpu.memref_slice %arg11[%mul3A_6, %dma_start3A_786] : memref<64x128xf32, #tpu.memory_space<vmem_shared>> -> memref<4x128xf32, #tpu.memory_space<vmem_shared>>
      tpu.enqueue_dma source(%arg9 : memref<4x128xf32, #tpu.memory_space<vmem>>) target(%dma_start3A_787 : memref<4x128xf32, #tpu.memory_space<vmem_shared>>) target_semaphore(%run_scoped3A : memref<!tpu.dma_semaphore, #tpu.memory_space<semaphore_mem>>)
      %dma_wait3A_788 = arith.constant 0 : i32
      %dma_wait3A_789 = tpu.memref_slice %arg11[%mul3A_6, %dma_wait3A_788] : memref<64x128xf32, #tpu.memory_space<vmem_shared>> -> memref<4x128xf32, #tpu.memory_space<vmem_shared>>
      %dma_wait3A_790 = arith.constant 0 : i32
      %dma_wait3A_791 = tpu.memref_slice %arg11[%mul3A_6, %dma_wait3A_790] : memref<64x128xf32, #tpu.memory_space<vmem_shared>> -> memref<4x128xf32, #tpu.memory_space<vmem_shared>>
      tpu.wait_dma2 semaphore(%run_scoped3A : memref<!tpu.dma_semaphore, #tpu.memory_space<semaphore_mem>>) src(%arg9 : memref<4x128xf32, #tpu.memory_space<vmem>>) dst(%dma_wait3A_791 : memref<4x128xf32, #tpu.memory_space<vmem_shared>>)
      tpu.yield
    }) : () -> ()
    %dma_wait3A = tpu.memref_slice %arg3[%add3A_4] : memref<320000xi32, #tpu.memory_space<hbm>> -> memref<5600xi32, #tpu.memory_space<hbm>>
    %dma_wait3A_224 = tpu.memref_slice %arg3[%add3A_4] : memref<320000xi32, #tpu.memory_space<hbm>> -> memref<5600xi32, #tpu.memory_space<hbm>>
    tpu.wait_dma2 semaphore(%arg12 : memref<!tpu.dma_semaphore, #tpu.memory_space<semaphore_mem>>) src(%dma_wait3A_224 : memref<5600xi32, #tpu.memory_space<hbm>>) dst(%arg7 : memref<5600xi32, #tpu.memory_space<vmem>>)
    %add3A_225 = arith.constant 0 : i32
    %add3A_226 = arith.addi %add3A_4, %add3A_225 : i32
    %dma_start3A_227 = arith.constant 0 : i32
    %dma_start3A_228 = arith.constant 0 : i32
    %dma_start3A_229 = arith.constant 0 : i32
    %dma_start3A_230 = tpu.memref_slice %arg6[%dma_start3A_227, %dma_start3A_228, %dma_start3A_229] : memref<5x80x128xf32, #tpu.memory_space<vmem>> -> memref<1x80x128xf32, #tpu.memory_space<vmem>>
    %dma_start3A_231 = tpu.memref_squeeze %dma_start3A_230 : memref<1x80x128xf32, #tpu.memory_space<vmem>> -> memref<80x128xf32, #tpu.memory_space<vmem>>
    %dma_start3A_232 = arith.constant 0 : i32
    %dma_start3A_233 = tpu.memref_slice %arg2[%add3A_226, %dma_start3A_232] : memref<320000x128xf32, #tpu.memory_space<hbm>> -> memref<80x128xf32, #tpu.memory_space<hbm>>
    %dma_start3A_234 = arith.constant 0 : i32
    %dma_start3A_235 = arith.constant 0 : i32
    %dma_start3A_236 = tpu.memref_slice %arg6[%dma_start3A_227, %dma_start3A_234, %dma_start3A_235] : memref<5x80x128xf32, #tpu.memory_space<vmem>> -> memref<1x80x128xf32, #tpu.memory_space<vmem>>
    %dma_start3A_237 = tpu.memref_squeeze %dma_start3A_236 : memref<1x80x128xf32, #tpu.memory_space<vmem>> -> memref<80x128xf32, #tpu.memory_space<vmem>>
    %dma_start3A_238 = arith.constant 0 : i32
    %dma_start3A_239 = tpu.memref_slice %arg2[%add3A_226, %dma_start3A_238] : memref<320000x128xf32, #tpu.memory_space<hbm>> -> memref<80x128xf32, #tpu.memory_space<hbm>>
    tpu.enqueue_dma source(%dma_start3A_239 : memref<80x128xf32, #tpu.memory_space<hbm>>) target(%dma_start3A_237 : memref<80x128xf32, #tpu.memory_space<vmem>>) target_semaphore(%arg13 : memref<!tpu.dma_semaphore, #tpu.memory_space<semaphore_mem>>)
    %scan3A = arith.constant 0 : i32
    %scan3A_240 = arith.constant 0 : i32
    %scan3A_241 = arith.constant 70 : i32
    %scan3A_242 = arith.addi %scan3A_240, %scan3A_241 : i32
    %scan3A_243 = arith.constant 1 : i32
    scf.for %scan3A_784 = %scan3A_240 to %scan3A_242 step %scan3A_243  : i32 {
      %mul3A_785 = arith.constant 5 : i32
      %mul3A_786 = arith.muli %scan3A_784, %mul3A_785 : i32
      %add3A_787 = arith.constant 0 : i32
      %add3A_788 = arith.addi %mul3A_786, %add3A_787 : i32
      %mul3A_789 = arith.constant 16 : i32
      %mul3A_790 = arith.muli %add3A_788, %mul3A_789 : i32
      %get3A_791 = arith.index_cast %mul3A_790 : i32 to index
      %get3A_792 = tpu.vector_load %arg7[%get3A_791] {strides = array<i32>} : memref<5600xi32, #tpu.memory_space<vmem>>, vector<16xi32>,
      %get3A_793 = vector.shape_cast %get3A_792 : vector<16xi32> to vector<16xi32>
      %get3A_794 = arith.constant 0 : i32
      %get3A_795 = arith.index_cast %get3A_794 : i32 to index
      %get3A_796 = arith.constant 0 : index
      %get3A_797 = tpu.vector_load %arg10[%get3A_795, %get3A_796] {strides = array<i32>} : memref<4x16xf32, #tpu.memory_space<vmem>>, vector<1x16xf32>,
      %get3A_798 = vector.shape_cast %get3A_797 : vector<1x16xf32> to vector<16xf32>
      %eq3A = arith.constant 0 : i32
      %eq3A_799 = vector.broadcast %eq3A : i32 to vector<16xi32>
      %eq3A_800 = arith.cmpi eq, %get3A_793, %eq3A_799 : vector<16xi32>
      %jit3A = arith.constant 1.000000e+00 : f32
      %jit3A_801 = arith.constant 0.000000e+00 : f32
      %broadcast_in_dim3A_802 = vector.broadcast %jit3A : f32 to vector<16xf32>
      %broadcast_in_dim3A_803 = vector.broadcast %jit3A_801 : f32 to vector<16xf32>
      %select_n3A = arith.select %eq3A_800, %broadcast_in_dim3A_802, %broadcast_in_dim3A_803 : vector<16xi1>, vector<16xf32>
      %add3A_804 = arith.addf %get3A_798, %select_n3A : vector<16xf32>
      %swap3A_805 = arith.constant 0 : i32
      %swap3A_806 = arith.index_cast %swap3A_805 : i32 to index
      %swap3A_807 = arith.constant 0 : index
      %swap3A_808 = tpu.vector_load %arg10[%swap3A_806, %swap3A_807] {strides = array<i32>} : memref<4x16xf32, #tpu.memory_space<vmem>>, vector<1x16xf32>,
      %swap3A_809 = vector.shape_cast %swap3A_808 : vector<1x16xf32> to vector<16xf32>
      %swap3A_810 = vector.shape_cast %add3A_804 : vector<16xf32> to vector<1x16xf32>
      tpu.vector_store %arg10[%swap3A_806, %swap3A_807], %swap3A_810 {strides = array<i32>} : memref<4x16xf32, #tpu.memory_space<vmem>>, vector<1x16xf32>,
      %get3A_811 = arith.constant 1 : i32
      %get3A_812 = arith.index_cast %get3A_811 : i32 to index
      %get3A_813 = arith.constant 0 : index
      %get3A_814 = tpu.vector_load %arg10[%get3A_812, %get3A_813] {strides = array<i32>} : memref<4x16xf32, #tpu.memory_space<vmem>>, vector<1x16xf32>,
      %get3A_815 = vector.shape_cast %get3A_814 : vector<1x16xf32> to vector<16xf32>
      %eq3A_816 = arith.constant 1 : i32
      %eq3A_817 = vector.broadcast %eq3A_816 : i32 to vector<16xi32>
      %eq3A_818 = arith.cmpi eq, %get3A_793, %eq3A_817 : vector<16xi32>
      %jit3A_819 = arith.constant 1.000000e+00 : f32
      %jit3A_820 = arith.constant 0.000000e+00 : f32
      %broadcast_in_dim3A_821 = vector.broadcast %jit3A_819 : f32 to vector<16xf32>
      %broadcast_in_dim3A_822 = vector.broadcast %jit3A_820 : f32 to vector<16xf32>
      %select_n3A_823 = arith.select %eq3A_818, %broadcast_in_dim3A_821, %broadcast_in_dim3A_822 : vector<16xi1>, vector<16xf32>
      %add3A_824 = arith.addf %get3A_815, %select_n3A_823 : vector<16xf32>
      %swap3A_825 = arith.constant 1 : i32
      %swap3A_826 = arith.index_cast %swap3A_825 : i32 to index
      %swap3A_827 = arith.constant 0 : index
      %swap3A_828 = tpu.vector_load %arg10[%swap3A_826, %swap3A_827] {strides = array<i32>} : memref<4x16xf32, #tpu.memory_space<vmem>>, vector<1x16xf32>,
      %swap3A_829 = vector.shape_cast %swap3A_828 : vector<1x16xf32> to vector<16xf32>
      %swap3A_830 = vector.shape_cast %add3A_824 : vector<16xf32> to vector<1x16xf32>
      tpu.vector_store %arg10[%swap3A_826, %swap3A_827], %swap3A_830 {strides = array<i32>} : memref<4x16xf32, #tpu.memory_space<vmem>>, vector<1x16xf32>,
      %get3A_831 = arith.constant 2 : i32
      %get3A_832 = arith.index_cast %get3A_831 : i32 to index
      %get3A_833 = arith.constant 0 : index
      %get3A_834 = tpu.vector_load %arg10[%get3A_832, %get3A_833] {strides = array<i32>} : memref<4x16xf32, #tpu.memory_space<vmem>>, vector<1x16xf32>,
      %get3A_835 = vector.shape_cast %get3A_834 : vector<1x16xf32> to vector<16xf32>
      %eq3A_836 = arith.constant 2 : i32
      %eq3A_837 = vector.broadcast %eq3A_836 : i32 to vector<16xi32>
      %eq3A_838 = arith.cmpi eq, %get3A_793, %eq3A_837 : vector<16xi32>
      %jit3A_839 = arith.constant 1.000000e+00 : f32
      %jit3A_840 = arith.constant 0.000000e+00 : f32
      %broadcast_in_dim3A_841 = vector.broadcast %jit3A_839 : f32 to vector<16xf32>
      %broadcast_in_dim3A_842 = vector.broadcast %jit3A_840 : f32 to vector<16xf32>
      %select_n3A_843 = arith.select %eq3A_838, %broadcast_in_dim3A_841, %broadcast_in_dim3A_842 : vector<16xi1>, vector<16xf32>
      %add3A_844 = arith.addf %get3A_835, %select_n3A_843 : vector<16xf32>
      %swap3A_845 = arith.constant 2 : i32
      %swap3A_846 = arith.index_cast %swap3A_845 : i32 to index
      %swap3A_847 = arith.constant 0 : index
      %swap3A_848 = tpu.vector_load %arg10[%swap3A_846, %swap3A_847] {strides = array<i32>} : memref<4x16xf32, #tpu.memory_space<vmem>>, vector<1x16xf32>,
      %swap3A_849 = vector.shape_cast %swap3A_848 : vector<1x16xf32> to vector<16xf32>
      %swap3A_850 = vector.shape_cast %add3A_844 : vector<16xf32> to vector<1x16xf32>
      tpu.vector_store %arg10[%swap3A_846, %swap3A_847], %swap3A_850 {strides = array<i32>} : memref<4x16xf32, #tpu.memory_space<vmem>>, vector<1x16xf32>,
      %get3A_851 = arith.constant 3 : i32
      %get3A_852 = arith.index_cast %get3A_851 : i32 to index
      %get3A_853 = arith.constant 0 : index
      %get3A_854 = tpu.vector_load %arg10[%get3A_852, %get3A_853] {strides = array<i32>} : memref<4x16xf32, #tpu.memory_space<vmem>>, vector<1x16xf32>,
      %get3A_855 = vector.shape_cast %get3A_854 : vector<1x16xf32> to vector<16xf32>
      %eq3A_856 = arith.constant 3 : i32
      %eq3A_857 = vector.broadcast %eq3A_856 : i32 to vector<16xi32>
      %eq3A_858 = arith.cmpi eq, %get3A_793, %eq3A_857 : vector<16xi32>
      %jit3A_859 = arith.constant 1.000000e+00 : f32
      %jit3A_860 = arith.constant 0.000000e+00 : f32
      %broadcast_in_dim3A_861 = vector.broadcast %jit3A_859 : f32 to vector<16xf32>
      %broadcast_in_dim3A_862 = vector.broadcast %jit3A_860 : f32 to vector<16xf32>
      %select_n3A_863 = arith.select %eq3A_858, %broadcast_in_dim3A_861, %broadcast_in_dim3A_862 : vector<16xi1>, vector<16xf32>
      %add3A_864 = arith.addf %get3A_855, %select_n3A_863 : vector<16xf32>
      %swap3A_865 = arith.constant 3 : i32
      %swap3A_866 = arith.index_cast %swap3A_865 : i32 to index
      %swap3A_867 = arith.constant 0 : index
      %swap3A_868 = tpu.vector_load %arg10[%swap3A_866, %swap3A_867] {strides = array<i32>} : memref<4x16xf32, #tpu.memory_space<vmem>>, vector<1x16xf32>,
      %swap3A_869 = vector.shape_cast %swap3A_868 : vector<1x16xf32> to vector<16xf32>
      %swap3A_870 = vector.shape_cast %add3A_864 : vector<16xf32> to vector<1x16xf32>
      tpu.vector_store %arg10[%swap3A_866, %swap3A_867], %swap3A_870 {strides = array<i32>} : memref<4x16xf32, #tpu.memory_space<vmem>>, vector<1x16xf32>,
      %mul3A_871 = arith.constant 5 : i32
      %mul3A_872 = arith.muli %scan3A_784, %mul3A_871 : i32
      %add3A_873 = arith.constant 1 : i32
      %add3A_874 = arith.addi %mul3A_872, %add3A_873 : i32
      %mul3A_875 = arith.constant 16 : i32
      %mul3A_876 = arith.muli %add3A_874, %mul3A_875 : i32
      %get3A_877 = arith.index_cast %mul3A_876 : i32 to index
      %get3A_878 = tpu.vector_load %arg7[%get3A_877] {strides = array<i32>} : memref<5600xi32, #tpu.memory_space<vmem>>, vector<16xi32>,
      %get3A_879 = vector.shape_cast %get3A_878 : vector<16xi32> to vector<16xi32>
      %get3A_880 = arith.constant 0 : i32
      %get3A_881 = arith.index_cast %get3A_880 : i32 to index
      %get3A_882 = arith.constant 0 : index
      %get3A_883 = tpu.vector_load %arg10[%get3A_881, %get3A_882] {strides = array<i32>} : memref<4x16xf32, #tpu.memory_space<vmem>>, vector<1x16xf32>,
      %get3A_884 = vector.shape_cast %get3A_883 : vector<1x16xf32> to vector<16xf32>
      %eq3A_885 = arith.constant 0 : i32
      %eq3A_886 = vector.broadcast %eq3A_885 : i32 to vector<16xi32>
      %eq3A_887 = arith.cmpi eq, %get3A_879, %eq3A_886 : vector<16xi32>
      %jit3A_888 = arith.constant 1.000000e+00 : f32
      %jit3A_889 = arith.constant 0.000000e+00 : f32
      %broadcast_in_dim3A_890 = vector.broadcast %jit3A_888 : f32 to vector<16xf32>
      %broadcast_in_dim3A_891 = vector.broadcast %jit3A_889 : f32 to vector<16xf32>
      %select_n3A_892 = arith.select %eq3A_887, %broadcast_in_dim3A_890, %broadcast_in_dim3A_891 : vector<16xi1>, vector<16xf32>
      %add3A_893 = arith.addf %get3A_884, %select_n3A_892 : vector<16xf32>
      %swap3A_894 = arith.constant 0 : i32
      %swap3A_895 = arith.index_cast %swap3A_894 : i32 to index
      %swap3A_896 = arith.constant 0 : index
      %swap3A_897 = tpu.vector_load %arg10[%swap3A_895, %swap3A_896] {strides = array<i32>} : memref<4x16xf32, #tpu.memory_space<vmem>>, vector<1x16xf32>,
      %swap3A_898 = vector.shape_cast %swap3A_897 : vector<1x16xf32> to vector<16xf32>
      %swap3A_899 = vector.shape_cast %add3A_893 : vector<16xf32> to vector<1x16xf32>
      tpu.vector_store %arg10[%swap3A_895, %swap3A_896], %swap3A_899 {strides = array<i32>} : memref<4x16xf32, #tpu.memory_space<vmem>>, vector<1x16xf32>,
      %get3A_900 = arith.constant 1 : i32
      %get3A_901 = arith.index_cast %get3A_900 : i32 to index
      %get3A_902 = arith.constant 0 : index
      %get3A_903 = tpu.vector_load %arg10[%get3A_901, %get3A_902] {strides = array<i32>} : memref<4x16xf32, #tpu.memory_space<vmem>>, vector<1x16xf32>,
      %get3A_904 = vector.shape_cast %get3A_903 : vector<1x16xf32> to vector<16xf32>
      %eq3A_905 = arith.constant 1 : i32
      %eq3A_906 = vector.broadcast %eq3A_905 : i32 to vector<16xi32>
      %eq3A_907 = arith.cmpi eq, %get3A_879, %eq3A_906 : vector<16xi32>
      %jit3A_908 = arith.constant 1.000000e+00 : f32
      %jit3A_909 = arith.constant 0.000000e+00 : f32
      %broadcast_in_dim3A_910 = vector.broadcast %jit3A_908 : f32 to vector<16xf32>
      %broadcast_in_dim3A_911 = vector.broadcast %jit3A_909 : f32 to vector<16xf32>
      %select_n3A_912 = arith.select %eq3A_907, %broadcast_in_dim3A_910, %broadcast_in_dim3A_911 : vector<16xi1>, vector<16xf32>
      %add3A_913 = arith.addf %get3A_904, %select_n3A_912 : vector<16xf32>
      %swap3A_914 = arith.constant 1 : i32
      %swap3A_915 = arith.index_cast %swap3A_914 : i32 to index
      %swap3A_916 = arith.constant 0 : index
      %swap3A_917 = tpu.vector_load %arg10[%swap3A_915, %swap3A_916] {strides = array<i32>} : memref<4x16xf32, #tpu.memory_space<vmem>>, vector<1x16xf32>,
      %swap3A_918 = vector.shape_cast %swap3A_917 : vector<1x16xf32> to vector<16xf32>
      %swap3A_919 = vector.shape_cast %add3A_913 : vector<16xf32> to vector<1x16xf32>
      tpu.vector_store %arg10[%swap3A_915, %swap3A_916], %swap3A_919 {strides = array<i32>} : memref<4x16xf32, #tpu.memory_space<vmem>>, vector<1x16xf32>,
      %get3A_920 = arith.constant 2 : i32
      %get3A_921 = arith.index_cast %get3A_920 : i32 to index
      %get3A_922 = arith.constant 0 : index
      %get3A_923 = tpu.vector_load %arg10[%get3A_921, %get3A_922] {strides = array<i32>} : memref<4x16xf32, #tpu.memory_space<vmem>>, vector<1x16xf32>,
      %get3A_924 = vector.shape_cast %get3A_923 : vector<1x16xf32> to vector<16xf32>
      %eq3A_925 = arith.constant 2 : i32
      %eq3A_926 = vector.broadcast %eq3A_925 : i32 to vector<16xi32>
      %eq3A_927 = arith.cmpi eq, %get3A_879, %eq3A_926 : vector<16xi32>
      %jit3A_928 = arith.constant 1.000000e+00 : f32
      %jit3A_929 = arith.constant 0.000000e+00 : f32
      %broadcast_in_dim3A_930 = vector.broadcast %jit3A_928 : f32 to vector<16xf32>
      %broadcast_in_dim3A_931 = vector.broadcast %jit3A_929 : f32 to vector<16xf32>
      %select_n3A_932 = arith.select %eq3A_927, %broadcast_in_dim3A_930, %broadcast_in_dim3A_931 : vector<16xi1>, vector<16xf32>
      %add3A_933 = arith.addf %get3A_924, %select_n3A_932 : vector<16xf32>
      %swap3A_934 = arith.constant 2 : i32
      %swap3A_935 = arith.index_cast %swap3A_934 : i32 to index
      %swap3A_936 = arith.constant 0 : index
      %swap3A_937 = tpu.vector_load %arg10[%swap3A_935, %swap3A_936] {strides = array<i32>} : memref<4x16xf32, #tpu.memory_space<vmem>>, vector<1x16xf32>,
      %swap3A_938 = vector.shape_cast %swap3A_937 : vector<1x16xf32> to vector<16xf32>
      %swap3A_939 = vector.shape_cast %add3A_933 : vector<16xf32> to vector<1x16xf32>
      tpu.vector_store %arg10[%swap3A_935, %swap3A_936], %swap3A_939 {strides = array<i32>} : memref<4x16xf32, #tpu.memory_space<vmem>>, vector<1x16xf32>,
      %get3A_940 = arith.constant 3 : i32
      %get3A_941 = arith.index_cast %get3A_940 : i32 to index
      %get3A_942 = arith.constant 0 : index
      %get3A_943 = tpu.vector_load %arg10[%get3A_941, %get3A_942] {strides = array<i32>} : memref<4x16xf32, #tpu.memory_space<vmem>>, vector<1x16xf32>,
      %get3A_944 = vector.shape_cast %get3A_943 : vector<1x16xf32> to vector<16xf32>
      %eq3A_945 = arith.constant 3 : i32
      %eq3A_946 = vector.broadcast %eq3A_945 : i32 to vector<16xi32>
      %eq3A_947 = arith.cmpi eq, %get3A_879, %eq3A_946 : vector<16xi32>
      %jit3A_948 = arith.constant 1.000000e+00 : f32
      %jit3A_949 = arith.constant 0.000000e+00 : f32
      %broadcast_in_dim3A_950 = vector.broadcast %jit3A_948 : f32 to vector<16xf32>
      %broadcast_in_dim3A_951 = vector.broadcast %jit3A_949 : f32 to vector<16xf32>
      %select_n3A_952 = arith.select %eq3A_947, %broadcast_in_dim3A_950, %broadcast_in_dim3A_951 : vector<16xi1>, vector<16xf32>
      %add3A_953 = arith.addf %get3A_944, %select_n3A_952 : vector<16xf32>
      %swap3A_954 = arith.constant 3 : i32
      %swap3A_955 = arith.index_cast %swap3A_954 : i32 to index
      %swap3A_956 = arith.constant 0 : index
      %swap3A_957 = tpu.vector_load %arg10[%swap3A_955, %swap3A_956] {strides = array<i32>} : memref<4x16xf32, #tpu.memory_space<vmem>>, vector<1x16xf32>,
      %swap3A_958 = vector.shape_cast %swap3A_957 : vector<1x16xf32> to vector<16xf32>
      %swap3A_959 = vector.shape_cast %add3A_953 : vector<16xf32> to vector<1x16xf32>
      tpu.vector_store %arg10[%swap3A_955, %swap3A_956], %swap3A_959 {strides = array<i32>} : memref<4x16xf32, #tpu.memory_space<vmem>>, vector<1x16xf32>,
      %mul3A_960 = arith.constant 5 : i32
      %mul3A_961 = arith.muli %scan3A_784, %mul3A_960 : i32
      %add3A_962 = arith.constant 2 : i32
      %add3A_963 = arith.addi %mul3A_961, %add3A_962 : i32
      %mul3A_964 = arith.constant 16 : i32
      %mul3A_965 = arith.muli %add3A_963, %mul3A_964 : i32
      %get3A_966 = arith.index_cast %mul3A_965 : i32 to index
      %get3A_967 = tpu.vector_load %arg7[%get3A_966] {strides = array<i32>} : memref<5600xi32, #tpu.memory_space<vmem>>, vector<16xi32>,
      %get3A_968 = vector.shape_cast %get3A_967 : vector<16xi32> to vector<16xi32>
      %get3A_969 = arith.constant 0 : i32
      %get3A_970 = arith.index_cast %get3A_969 : i32 to index
      %get3A_971 = arith.constant 0 : index
      %get3A_972 = tpu.vector_load %arg10[%get3A_970, %get3A_971] {strides = array<i32>} : memref<4x16xf32, #tpu.memory_space<vmem>>, vector<1x16xf32>,
      %get3A_973 = vector.shape_cast %get3A_972 : vector<1x16xf32> to vector<16xf32>
      %eq3A_974 = arith.constant 0 : i32
      %eq3A_975 = vector.broadcast %eq3A_974 : i32 to vector<16xi32>
      %eq3A_976 = arith.cmpi eq, %get3A_968, %eq3A_975 : vector<16xi32>
      %jit3A_977 = arith.constant 1.000000e+00 : f32
      %jit3A_978 = arith.constant 0.000000e+00 : f32
      %broadcast_in_dim3A_979 = vector.broadcast %jit3A_977 : f32 to vector<16xf32>
      %broadcast_in_dim3A_980 = vector.broadcast %jit3A_978 : f32 to vector<16xf32>
      %select_n3A_981 = arith.select %eq3A_976, %broadcast_in_dim3A_979, %broadcast_in_dim3A_980 : vector<16xi1>, vector<16xf32>
      %add3A_982 = arith.addf %get3A_973, %select_n3A_981 : vector<16xf32>
      %swap3A_983 = arith.constant 0 : i32
      %swap3A_984 = arith.index_cast %swap3A_983 : i32 to index
      %swap3A_985 = arith.constant 0 : index
      %swap3A_986 = tpu.vector_load %arg10[%swap3A_984, %swap3A_985] {strides = array<i32>} : memref<4x16xf32, #tpu.memory_space<vmem>>, vector<1x16xf32>,
      %swap3A_987 = vector.shape_cast %swap3A_986 : vector<1x16xf32> to vector<16xf32>
      %swap3A_988 = vector.shape_cast %add3A_982 : vector<16xf32> to vector<1x16xf32>
      tpu.vector_store %arg10[%swap3A_984, %swap3A_985], %swap3A_988 {strides = array<i32>} : memref<4x16xf32, #tpu.memory_space<vmem>>, vector<1x16xf32>,
      %get3A_989 = arith.constant 1 : i32
      %get3A_990 = arith.index_cast %get3A_989 : i32 to index
      %get3A_991 = arith.constant 0 : index
      %get3A_992 = tpu.vector_load %arg10[%get3A_990, %get3A_991] {strides = array<i32>} : memref<4x16xf32, #tpu.memory_space<vmem>>, vector<1x16xf32>,
      %get3A_993 = vector.shape_cast %get3A_992 : vector<1x16xf32> to vector<16xf32>
      %eq3A_994 = arith.constant 1 : i32
      %eq3A_995 = vector.broadcast %eq3A_994 : i32 to vector<16xi32>
      %eq3A_996 = arith.cmpi eq, %get3A_968, %eq3A_995 : vector<16xi32>
      %jit3A_997 = arith.constant 1.000000e+00 : f32
      %jit3A_998 = arith.constant 0.000000e+00 : f32
      %broadcast_in_dim3A_999 = vector.broadcast %jit3A_997 : f32 to vector<16xf32>
      %broadcast_in_dim3A_1000 = vector.broadcast %jit3A_998 : f32 to vector<16xf32>
      %select_n3A_1001 = arith.select %eq3A_996, %broadcast_in_dim3A_999, %broadcast_in_dim3A_1000 : vector<16xi1>, vector<16xf32>
      %add3A_1002 = arith.addf %get3A_993, %select_n3A_1001 : vector<16xf32>
      %swap3A_1003 = arith.constant 1 : i32
      %swap3A_1004 = arith.index_cast %swap3A_1003 : i32 to index
      %swap3A_1005 = arith.constant 0 : index
      %swap3A_1006 = tpu.vector_load %arg10[%swap3A_1004, %swap3A_1005] {strides = array<i32>} : memref<4x16xf32, #tpu.memory_space<vmem>>, vector<1x16xf32>,
      %swap3A_1007 = vector.shape_cast %swap3A_1006 : vector<1x16xf32> to vector<16xf32>
      %swap3A_1008 = vector.shape_cast %add3A_1002 : vector<16xf32> to vector<1x16xf32>
      tpu.vector_store %arg10[%swap3A_1004, %swap3A_1005], %swap3A_1008 {strides = array<i32>} : memref<4x16xf32, #tpu.memory_space<vmem>>, vector<1x16xf32>,
      %get3A_1009 = arith.constant 2 : i32
      %get3A_1010 = arith.index_cast %get3A_1009 : i32 to index
      %get3A_1011 = arith.constant 0 : index
      %get3A_1012 = tpu.vector_load %arg10[%get3A_1010, %get3A_1011] {strides = array<i32>} : memref<4x16xf32, #tpu.memory_space<vmem>>, vector<1x16xf32>,
      %get3A_1013 = vector.shape_cast %get3A_1012 : vector<1x16xf32> to vector<16xf32>
      %eq3A_1014 = arith.constant 2 : i32
      %eq3A_1015 = vector.broadcast %eq3A_1014 : i32 to vector<16xi32>
      %eq3A_1016 = arith.cmpi eq, %get3A_968, %eq3A_1015 : vector<16xi32>
      %jit3A_1017 = arith.constant 1.000000e+00 : f32
      %jit3A_1018 = arith.constant 0.000000e+00 : f32
      %broadcast_in_dim3A_1019 = vector.broadcast %jit3A_1017 : f32 to vector<16xf32>
      %broadcast_in_dim3A_1020 = vector.broadcast %jit3A_1018 : f32 to vector<16xf32>
      %select_n3A_1021 = arith.select %eq3A_1016, %broadcast_in_dim3A_1019, %broadcast_in_dim3A_1020 : vector<16xi1>, vector<16xf32>
      %add3A_1022 = arith.addf %get3A_1013, %select_n3A_1021 : vector<16xf32>
      %swap3A_1023 = arith.constant 2 : i32
      %swap3A_1024 = arith.index_cast %swap3A_1023 : i32 to index
      %swap3A_1025 = arith.constant 0 : index
      %swap3A_1026 = tpu.vector_load %arg10[%swap3A_1024, %swap3A_1025] {strides = array<i32>} : memref<4x16xf32, #tpu.memory_space<vmem>>, vector<1x16xf32>,
      %swap3A_1027 = vector.shape_cast %swap3A_1026 : vector<1x16xf32> to vector<16xf32>
      %swap3A_1028 = vector.shape_cast %add3A_1022 : vector<16xf32> to vector<1x16xf32>
      tpu.vector_store %arg10[%swap3A_1024, %swap3A_1025], %swap3A_1028 {strides = array<i32>} : memref<4x16xf32, #tpu.memory_space<vmem>>, vector<1x16xf32>,
      %get3A_1029 = arith.constant 3 : i32
      %get3A_1030 = arith.index_cast %get3A_1029 : i32 to index
      %get3A_1031 = arith.constant 0 : index
      %get3A_1032 = tpu.vector_load %arg10[%get3A_1030, %get3A_1031] {strides = array<i32>} : memref<4x16xf32, #tpu.memory_space<vmem>>, vector<1x16xf32>,
      %get3A_1033 = vector.shape_cast %get3A_1032 : vector<1x16xf32> to vector<16xf32>
      %eq3A_1034 = arith.constant 3 : i32
      %eq3A_1035 = vector.broadcast %eq3A_1034 : i32 to vector<16xi32>
      %eq3A_1036 = arith.cmpi eq, %get3A_968, %eq3A_1035 : vector<16xi32>
      %jit3A_1037 = arith.constant 1.000000e+00 : f32
      %jit3A_1038 = arith.constant 0.000000e+00 : f32
      %broadcast_in_dim3A_1039 = vector.broadcast %jit3A_1037 : f32 to vector<16xf32>
      %broadcast_in_dim3A_1040 = vector.broadcast %jit3A_1038 : f32 to vector<16xf32>
      %select_n3A_1041 = arith.select %eq3A_1036, %broadcast_in_dim3A_1039, %broadcast_in_dim3A_1040 : vector<16xi1>, vector<16xf32>
      %add3A_1042 = arith.addf %get3A_1033, %select_n3A_1041 : vector<16xf32>
      %swap3A_1043 = arith.constant 3 : i32
      %swap3A_1044 = arith.index_cast %swap3A_1043 : i32 to index
      %swap3A_1045 = arith.constant 0 : index
      %swap3A_1046 = tpu.vector_load %arg10[%swap3A_1044, %swap3A_1045] {strides = array<i32>} : memref<4x16xf32, #tpu.memory_space<vmem>>, vector<1x16xf32>,
      %swap3A_1047 = vector.shape_cast %swap3A_1046 : vector<1x16xf32> to vector<16xf32>
      %swap3A_1048 = vector.shape_cast %add3A_1042 : vector<16xf32> to vector<1x16xf32>
      tpu.vector_store %arg10[%swap3A_1044, %swap3A_1045], %swap3A_1048 {strides = array<i32>} : memref<4x16xf32, #tpu.memory_space<vmem>>, vector<1x16xf32>,
      %mul3A_1049 = arith.constant 5 : i32
      %mul3A_1050 = arith.muli %scan3A_784, %mul3A_1049 : i32
      %add3A_1051 = arith.constant 3 : i32
      %add3A_1052 = arith.addi %mul3A_1050, %add3A_1051 : i32
      %mul3A_1053 = arith.constant 16 : i32
      %mul3A_1054 = arith.muli %add3A_1052, %mul3A_1053 : i32
      %get3A_1055 = arith.index_cast %mul3A_1054 : i32 to index
      %get3A_1056 = tpu.vector_load %arg7[%get3A_1055] {strides = array<i32>} : memref<5600xi32, #tpu.memory_space<vmem>>, vector<16xi32>,
      %get3A_1057 = vector.shape_cast %get3A_1056 : vector<16xi32> to vector<16xi32>
      %get3A_1058 = arith.constant 0 : i32
      %get3A_1059 = arith.index_cast %get3A_1058 : i32 to index
      %get3A_1060 = arith.constant 0 : index
      %get3A_1061 = tpu.vector_load %arg10[%get3A_1059, %get3A_1060] {strides = array<i32>} : memref<4x16xf32, #tpu.memory_space<vmem>>, vector<1x16xf32>,
      %get3A_1062 = vector.shape_cast %get3A_1061 : vector<1x16xf32> to vector<16xf32>
      %eq3A_1063 = arith.constant 0 : i32
      %eq3A_1064 = vector.broadcast %eq3A_1063 : i32 to vector<16xi32>
      %eq3A_1065 = arith.cmpi eq, %get3A_1057, %eq3A_1064 : vector<16xi32>
      %jit3A_1066 = arith.constant 1.000000e+00 : f32
      %jit3A_1067 = arith.constant 0.000000e+00 : f32
      %broadcast_in_dim3A_1068 = vector.broadcast %jit3A_1066 : f32 to vector<16xf32>
      %broadcast_in_dim3A_1069 = vector.broadcast %jit3A_1067 : f32 to vector<16xf32>
      %select_n3A_1070 = arith.select %eq3A_1065, %broadcast_in_dim3A_1068, %broadcast_in_dim3A_1069 : vector<16xi1>, vector<16xf32>
      %add3A_1071 = arith.addf %get3A_1062, %select_n3A_1070 : vector<16xf32>
      %swap3A_1072 = arith.constant 0 : i32
      %swap3A_1073 = arith.index_cast %swap3A_1072 : i32 to index
      %swap3A_1074 = arith.constant 0 : index
      %swap3A_1075 = tpu.vector_load %arg10[%swap3A_1073, %swap3A_1074] {strides = array<i32>} : memref<4x16xf32, #tpu.memory_space<vmem>>, vector<1x16xf32>,
      %swap3A_1076 = vector.shape_cast %swap3A_1075 : vector<1x16xf32> to vector<16xf32>
      %swap3A_1077 = vector.shape_cast %add3A_1071 : vector<16xf32> to vector<1x16xf32>
      tpu.vector_store %arg10[%swap3A_1073, %swap3A_1074], %swap3A_1077 {strides = array<i32>} : memref<4x16xf32, #tpu.memory_space<vmem>>, vector<1x16xf32>,
      %get3A_1078 = arith.constant 1 : i32
      %get3A_1079 = arith.index_cast %get3A_1078 : i32 to index
      %get3A_1080 = arith.constant 0 : index
      %get3A_1081 = tpu.vector_load %arg10[%get3A_1079, %get3A_1080] {strides = array<i32>} : memref<4x16xf32, #tpu.memory_space<vmem>>, vector<1x16xf32>,
      %get3A_1082 = vector.shape_cast %get3A_1081 : vector<1x16xf32> to vector<16xf32>
      %eq3A_1083 = arith.constant 1 : i32
      %eq3A_1084 = vector.broadcast %eq3A_1083 : i32 to vector<16xi32>
      %eq3A_1085 = arith.cmpi eq, %get3A_1057, %eq3A_1084 : vector<16xi32>
      %jit3A_1086 = arith.constant 1.000000e+00 : f32
      %jit3A_1087 = arith.constant 0.000000e+00 : f32
      %broadcast_in_dim3A_1088 = vector.broadcast %jit3A_1086 : f32 to vector<16xf32>
      %broadcast_in_dim3A_1089 = vector.broadcast %jit3A_1087 : f32 to vector<16xf32>
      %select_n3A_1090 = arith.select %eq3A_1085, %broadcast_in_dim3A_1088, %broadcast_in_dim3A_1089 : vector<16xi1>, vector<16xf32>
      %add3A_1091 = arith.addf %get3A_1082, %select_n3A_1090 : vector<16xf32>
      %swap3A_1092 = arith.constant 1 : i32
      %swap3A_1093 = arith.index_cast %swap3A_1092 : i32 to index
      %swap3A_1094 = arith.constant 0 : index
      %swap3A_1095 = tpu.vector_load %arg10[%swap3A_1093, %swap3A_1094] {strides = array<i32>} : memref<4x16xf32, #tpu.memory_space<vmem>>, vector<1x16xf32>,
      %swap3A_1096 = vector.shape_cast %swap3A_1095 : vector<1x16xf32> to vector<16xf32>
      %swap3A_1097 = vector.shape_cast %add3A_1091 : vector<16xf32> to vector<1x16xf32>
      tpu.vector_store %arg10[%swap3A_1093, %swap3A_1094], %swap3A_1097 {strides = array<i32>} : memref<4x16xf32, #tpu.memory_space<vmem>>, vector<1x16xf32>,
      %get3A_1098 = arith.constant 2 : i32
      %get3A_1099 = arith.index_cast %get3A_1098 : i32 to index
      %get3A_1100 = arith.constant 0 : index
      %get3A_1101 = tpu.vector_load %arg10[%get3A_1099, %get3A_1100] {strides = array<i32>} : memref<4x16xf32, #tpu.memory_space<vmem>>, vector<1x16xf32>,
      %get3A_1102 = vector.shape_cast %get3A_1101 : vector<1x16xf32> to vector<16xf32>
      %eq3A_1103 = arith.constant 2 : i32
      %eq3A_1104 = vector.broadcast %eq3A_1103 : i32 to vector<16xi32>
      %eq3A_1105 = arith.cmpi eq, %get3A_1057, %eq3A_1104 : vector<16xi32>
      %jit3A_1106 = arith.constant 1.000000e+00 : f32
      %jit3A_1107 = arith.constant 0.000000e+00 : f32
      %broadcast_in_dim3A_1108 = vector.broadcast %jit3A_1106 : f32 to vector<16xf32>
      %broadcast_in_dim3A_1109 = vector.broadcast %jit3A_1107 : f32 to vector<16xf32>
      %select_n3A_1110 = arith.select %eq3A_1105, %broadcast_in_dim3A_1108, %broadcast_in_dim3A_1109 : vector<16xi1>, vector<16xf32>
      %add3A_1111 = arith.addf %get3A_1102, %select_n3A_1110 : vector<16xf32>
      %swap3A_1112 = arith.constant 2 : i32
      %swap3A_1113 = arith.index_cast %swap3A_1112 : i32 to index
      %swap3A_1114 = arith.constant 0 : index
      %swap3A_1115 = tpu.vector_load %arg10[%swap3A_1113, %swap3A_1114] {strides = array<i32>} : memref<4x16xf32, #tpu.memory_space<vmem>>, vector<1x16xf32>,
      %swap3A_1116 = vector.shape_cast %swap3A_1115 : vector<1x16xf32> to vector<16xf32>
      %swap3A_1117 = vector.shape_cast %add3A_1111 : vector<16xf32> to vector<1x16xf32>
      tpu.vector_store %arg10[%swap3A_1113, %swap3A_1114], %swap3A_1117 {strides = array<i32>} : memref<4x16xf32, #tpu.memory_space<vmem>>, vector<1x16xf32>,
      %get3A_1118 = arith.constant 3 : i32
      %get3A_1119 = arith.index_cast %get3A_1118 : i32 to index
      %get3A_1120 = arith.constant 0 : index
      %get3A_1121 = tpu.vector_load %arg10[%get3A_1119, %get3A_1120] {strides = array<i32>} : memref<4x16xf32, #tpu.memory_space<vmem>>, vector<1x16xf32>,
      %get3A_1122 = vector.shape_cast %get3A_1121 : vector<1x16xf32> to vector<16xf32>
      %eq3A_1123 = arith.constant 3 : i32
      %eq3A_1124 = vector.broadcast %eq3A_1123 : i32 to vector<16xi32>
      %eq3A_1125 = arith.cmpi eq, %get3A_1057, %eq3A_1124 : vector<16xi32>
      %jit3A_1126 = arith.constant 1.000000e+00 : f32
      %jit3A_1127 = arith.constant 0.000000e+00 : f32
      %broadcast_in_dim3A_1128 = vector.broadcast %jit3A_1126 : f32 to vector<16xf32>
      %broadcast_in_dim3A_1129 = vector.broadcast %jit3A_1127 : f32 to vector<16xf32>
      %select_n3A_1130 = arith.select %eq3A_1125, %broadcast_in_dim3A_1128, %broadcast_in_dim3A_1129 : vector<16xi1>, vector<16xf32>
      %add3A_1131 = arith.addf %get3A_1122, %select_n3A_1130 : vector<16xf32>
      %swap3A_1132 = arith.constant 3 : i32
      %swap3A_1133 = arith.index_cast %swap3A_1132 : i32 to index
      %swap3A_1134 = arith.constant 0 : index
      %swap3A_1135 = tpu.vector_load %arg10[%swap3A_1133, %swap3A_1134] {strides = array<i32>} : memref<4x16xf32, #tpu.memory_space<vmem>>, vector<1x16xf32>,
      %swap3A_1136 = vector.shape_cast %swap3A_1135 : vector<1x16xf32> to vector<16xf32>
      %swap3A_1137 = vector.shape_cast %add3A_1131 : vector<16xf32> to vector<1x16xf32>
      tpu.vector_store %arg10[%swap3A_1133, %swap3A_1134], %swap3A_1137 {strides = array<i32>} : memref<4x16xf32, #tpu.memory_space<vmem>>, vector<1x16xf32>,
      %mul3A_1138 = arith.constant 5 : i32
      %mul3A_1139 = arith.muli %scan3A_784, %mul3A_1138 : i32
      %add3A_1140 = arith.constant 4 : i32
      %add3A_1141 = arith.addi %mul3A_1139, %add3A_1140 : i32
      %mul3A_1142 = arith.constant 16 : i32
      %mul3A_1143 = arith.muli %add3A_1141, %mul3A_1142 : i32
      %get3A_1144 = arith.index_cast %mul3A_1143 : i32 to index
      %get3A_1145 = tpu.vector_load %arg7[%get3A_1144] {strides = array<i32>} : memref<5600xi32, #tpu.memory_space<vmem>>, vector<16xi32>,
      %get3A_1146 = vector.shape_cast %get3A_1145 : vector<16xi32> to vector<16xi32>
      %get3A_1147 = arith.constant 0 : i32
      %get3A_1148 = arith.index_cast %get3A_1147 : i32 to index
      %get3A_1149 = arith.constant 0 : index
      %get3A_1150 = tpu.vector_load %arg10[%get3A_1148, %get3A_1149] {strides = array<i32>} : memref<4x16xf32, #tpu.memory_space<vmem>>, vector<1x16xf32>,
      %get3A_1151 = vector.shape_cast %get3A_1150 : vector<1x16xf32> to vector<16xf32>
      %eq3A_1152 = arith.constant 0 : i32
      %eq3A_1153 = vector.broadcast %eq3A_1152 : i32 to vector<16xi32>
      %eq3A_1154 = arith.cmpi eq, %get3A_1146, %eq3A_1153 : vector<16xi32>
      %jit3A_1155 = arith.constant 1.000000e+00 : f32
      %jit3A_1156 = arith.constant 0.000000e+00 : f32
      %broadcast_in_dim3A_1157 = vector.broadcast %jit3A_1155 : f32 to vector<16xf32>
      %broadcast_in_dim3A_1158 = vector.broadcast %jit3A_1156 : f32 to vector<16xf32>
      %select_n3A_1159 = arith.select %eq3A_1154, %broadcast_in_dim3A_1157, %broadcast_in_dim3A_1158 : vector<16xi1>, vector<16xf32>
      %add3A_1160 = arith.addf %get3A_1151, %select_n3A_1159 : vector<16xf32>
      %swap3A_1161 = arith.constant 0 : i32
      %swap3A_1162 = arith.index_cast %swap3A_1161 : i32 to index
      %swap3A_1163 = arith.constant 0 : index
      %swap3A_1164 = tpu.vector_load %arg10[%swap3A_1162, %swap3A_1163] {strides = array<i32>} : memref<4x16xf32, #tpu.memory_space<vmem>>, vector<1x16xf32>,
      %swap3A_1165 = vector.shape_cast %swap3A_1164 : vector<1x16xf32> to vector<16xf32>
      %swap3A_1166 = vector.shape_cast %add3A_1160 : vector<16xf32> to vector<1x16xf32>
      tpu.vector_store %arg10[%swap3A_1162, %swap3A_1163], %swap3A_1166 {strides = array<i32>} : memref<4x16xf32, #tpu.memory_space<vmem>>, vector<1x16xf32>,
      %get3A_1167 = arith.constant 1 : i32
      %get3A_1168 = arith.index_cast %get3A_1167 : i32 to index
      %get3A_1169 = arith.constant 0 : index
      %get3A_1170 = tpu.vector_load %arg10[%get3A_1168, %get3A_1169] {strides = array<i32>} : memref<4x16xf32, #tpu.memory_space<vmem>>, vector<1x16xf32>,
      %get3A_1171 = vector.shape_cast %get3A_1170 : vector<1x16xf32> to vector<16xf32>
      %eq3A_1172 = arith.constant 1 : i32
      %eq3A_1173 = vector.broadcast %eq3A_1172 : i32 to vector<16xi32>
      %eq3A_1174 = arith.cmpi eq, %get3A_1146, %eq3A_1173 : vector<16xi32>
      %jit3A_1175 = arith.constant 1.000000e+00 : f32
      %jit3A_1176 = arith.constant 0.000000e+00 : f32
      %broadcast_in_dim3A_1177 = vector.broadcast %jit3A_1175 : f32 to vector<16xf32>
      %broadcast_in_dim3A_1178 = vector.broadcast %jit3A_1176 : f32 to vector<16xf32>
      %select_n3A_1179 = arith.select %eq3A_1174, %broadcast_in_dim3A_1177, %broadcast_in_dim3A_1178 : vector<16xi1>, vector<16xf32>
      %add3A_1180 = arith.addf %get3A_1171, %select_n3A_1179 : vector<16xf32>
      %swap3A_1181 = arith.constant 1 : i32
      %swap3A_1182 = arith.index_cast %swap3A_1181 : i32 to index
      %swap3A_1183 = arith.constant 0 : index
      %swap3A_1184 = tpu.vector_load %arg10[%swap3A_1182, %swap3A_1183] {strides = array<i32>} : memref<4x16xf32, #tpu.memory_space<vmem>>, vector<1x16xf32>,
      %swap3A_1185 = vector.shape_cast %swap3A_1184 : vector<1x16xf32> to vector<16xf32>
      %swap3A_1186 = vector.shape_cast %add3A_1180 : vector<16xf32> to vector<1x16xf32>
      tpu.vector_store %arg10[%swap3A_1182, %swap3A_1183], %swap3A_1186 {strides = array<i32>} : memref<4x16xf32, #tpu.memory_space<vmem>>, vector<1x16xf32>,
      %get3A_1187 = arith.constant 2 : i32
      %get3A_1188 = arith.index_cast %get3A_1187 : i32 to index
      %get3A_1189 = arith.constant 0 : index
      %get3A_1190 = tpu.vector_load %arg10[%get3A_1188, %get3A_1189] {strides = array<i32>} : memref<4x16xf32, #tpu.memory_space<vmem>>, vector<1x16xf32>,
      %get3A_1191 = vector.shape_cast %get3A_1190 : vector<1x16xf32> to vector<16xf32>
      %eq3A_1192 = arith.constant 2 : i32
      %eq3A_1193 = vector.broadcast %eq3A_1192 : i32 to vector<16xi32>
      %eq3A_1194 = arith.cmpi eq, %get3A_1146, %eq3A_1193 : vector<16xi32>
      %jit3A_1195 = arith.constant 1.000000e+00 : f32
      %jit3A_1196 = arith.constant 0.000000e+00 : f32
      %broadcast_in_dim3A_1197 = vector.broadcast %jit3A_1195 : f32 to vector<16xf32>
      %broadcast_in_dim3A_1198 = vector.broadcast %jit3A_1196 : f32 to vector<16xf32>
      %select_n3A_1199 = arith.select %eq3A_1194, %broadcast_in_dim3A_1197, %broadcast_in_dim3A_1198 : vector<16xi1>, vector<16xf32>
      %add3A_1200 = arith.addf %get3A_1191, %select_n3A_1199 : vector<16xf32>
      %swap3A_1201 = arith.constant 2 : i32
      %swap3A_1202 = arith.index_cast %swap3A_1201 : i32 to index
      %swap3A_1203 = arith.constant 0 : index
      %swap3A_1204 = tpu.vector_load %arg10[%swap3A_1202, %swap3A_1203] {strides = array<i32>} : memref<4x16xf32, #tpu.memory_space<vmem>>, vector<1x16xf32>,
      %swap3A_1205 = vector.shape_cast %swap3A_1204 : vector<1x16xf32> to vector<16xf32>
      %swap3A_1206 = vector.shape_cast %add3A_1200 : vector<16xf32> to vector<1x16xf32>
      tpu.vector_store %arg10[%swap3A_1202, %swap3A_1203], %swap3A_1206 {strides = array<i32>} : memref<4x16xf32, #tpu.memory_space<vmem>>, vector<1x16xf32>,
      %get3A_1207 = arith.constant 3 : i32
      %get3A_1208 = arith.index_cast %get3A_1207 : i32 to index
      %get3A_1209 = arith.constant 0 : index
      %get3A_1210 = tpu.vector_load %arg10[%get3A_1208, %get3A_1209] {strides = array<i32>} : memref<4x16xf32, #tpu.memory_space<vmem>>, vector<1x16xf32>,
      %get3A_1211 = vector.shape_cast %get3A_1210 : vector<1x16xf32> to vector<16xf32>
      %eq3A_1212 = arith.constant 3 : i32
      %eq3A_1213 = vector.broadcast %eq3A_1212 : i32 to vector<16xi32>
      %eq3A_1214 = arith.cmpi eq, %get3A_1146, %eq3A_1213 : vector<16xi32>
      %jit3A_1215 = arith.constant 1.000000e+00 : f32
      %jit3A_1216 = arith.constant 0.000000e+00 : f32
      %broadcast_in_dim3A_1217 = vector.broadcast %jit3A_1215 : f32 to vector<16xf32>
      %broadcast_in_dim3A_1218 = vector.broadcast %jit3A_1216 : f32 to vector<16xf32>
      %select_n3A_1219 = arith.select %eq3A_1214, %broadcast_in_dim3A_1217, %broadcast_in_dim3A_1218 : vector<16xi1>, vector<16xf32>
      %add3A_1220 = arith.addf %get3A_1211, %select_n3A_1219 : vector<16xf32>
      %swap3A_1221 = arith.constant 3 : i32
      %swap3A_1222 = arith.index_cast %swap3A_1221 : i32 to index
      %swap3A_1223 = arith.constant 0 : index
      %swap3A_1224 = tpu.vector_load %arg10[%swap3A_1222, %swap3A_1223] {strides = array<i32>} : memref<4x16xf32, #tpu.memory_space<vmem>>, vector<1x16xf32>,
      %swap3A_1225 = vector.shape_cast %swap3A_1224 : vector<1x16xf32> to vector<16xf32>
      %swap3A_1226 = vector.shape_cast %add3A_1220 : vector<16xf32> to vector<1x16xf32>
      tpu.vector_store %arg10[%swap3A_1222, %swap3A_1223], %swap3A_1226 {strides = array<i32>} : memref<4x16xf32, #tpu.memory_space<vmem>>, vector<1x16xf32>,
    }
    %scan3A_244 = arith.constant 70 : i32
    %add3A_245 = arith.constant 80 : i32
    %add3A_246 = arith.addi %add3A_4, %add3A_245 : i32
    %dma_start3A_247 = arith.constant 1 : i32
    %dma_start3A_248 = arith.constant 0 : i32
    %dma_start3A_249 = arith.constant 0 : i32
    %dma_start3A_250 = tpu.memref_slice %arg6[%dma_start3A_247, %dma_start3A_248, %dma_start3A_249] : memref<5x80x128xf32, #tpu.memory_space<vmem>> -> memref<1x80x128xf32, #tpu.memory_space<vmem>>
    %dma_start3A_251 = tpu.memref_squeeze %dma_start3A_250 : memref<1x80x128xf32, #tpu.memory_space<vmem>> -> memref<80x128xf32, #tpu.memory_space<vmem>>
    %dma_start3A_252 = arith.constant 0 : i32
    %dma_start3A_253 = tpu.memref_slice %arg2[%add3A_246, %dma_start3A_252] : memref<320000x128xf32, #tpu.memory_space<hbm>> -> memref<80x128xf32, #tpu.memory_space<hbm>>
    %dma_start3A_254 = arith.constant 0 : i32
    %dma_start3A_255 = arith.constant 0 : i32
    %dma_start3A_256 = tpu.memref_slice %arg6[%dma_start3A_247, %dma_start3A_254, %dma_start3A_255] : memref<5x80x128xf32, #tpu.memory_space<vmem>> -> memref<1x80x128xf32, #tpu.memory_space<vmem>>
    %dma_start3A_257 = tpu.memref_squeeze %dma_start3A_256 : memref<1x80x128xf32, #tpu.memory_space<vmem>> -> memref<80x128xf32, #tpu.memory_space<vmem>>
    %dma_start3A_258 = arith.constant 0 : i32
    %dma_start3A_259 = tpu.memref_slice %arg2[%add3A_246, %dma_start3A_258] : memref<320000x128xf32, #tpu.memory_space<hbm>> -> memref<80x128xf32, #tpu.memory_space<hbm>>
    tpu.enqueue_dma source(%dma_start3A_259 : memref<80x128xf32, #tpu.memory_space<hbm>>) target(%dma_start3A_257 : memref<80x128xf32, #tpu.memory_space<vmem>>) target_semaphore(%arg14 : memref<!tpu.dma_semaphore, #tpu.memory_space<semaphore_mem>>)
    %add3A_260 = arith.constant 0 : i32
    %add3A_261 = arith.addi %add3A_4, %add3A_260 : i32
    %dma_wait3A_262 = arith.constant 0 : i32
    %dma_wait3A_263 = arith.constant 0 : i32
    %dma_wait3A_264 = arith.constant 0 : i32
    %dma_wait3A_265 = tpu.memref_slice %arg6[%dma_wait3A_262, %dma_wait3A_263, %dma_wait3A_264] : memref<5x80x128xf32, #tpu.memory_space<vmem>> -> memref<1x80x128xf32, #tpu.memory_space<vmem>>
    %dma_wait3A_266 = tpu.memref_squeeze %dma_wait3A_265 : memref<1x80x128xf32, #tpu.memory_space<vmem>> -> memref<80x128xf32, #tpu.memory_space<vmem>>
    %dma_wait3A_267 = arith.constant 0 : i32
    %dma_wait3A_268 = tpu.memref_slice %arg2[%add3A_261, %dma_wait3A_267] : memref<320000x128xf32, #tpu.memory_space<hbm>> -> memref<80x128xf32, #tpu.memory_space<hbm>>
    %dma_wait3A_269 = arith.constant 0 : i32
    %dma_wait3A_270 = arith.constant 0 : i32
    %dma_wait3A_271 = tpu.memref_slice %arg6[%dma_wait3A_262, %dma_wait3A_269, %dma_wait3A_270] : memref<5x80x128xf32, #tpu.memory_space<vmem>> -> memref<1x80x128xf32, #tpu.memory_space<vmem>>
    %dma_wait3A_272 = tpu.memref_squeeze %dma_wait3A_271 : memref<1x80x128xf32, #tpu.memory_space<vmem>> -> memref<80x128xf32, #tpu.memory_space<vmem>>
    %dma_wait3A_273 = arith.constant 0 : i32
    %dma_wait3A_274 = tpu.memref_slice %arg2[%add3A_261, %dma_wait3A_273] : memref<320000x128xf32, #tpu.memory_space<hbm>> -> memref<80x128xf32, #tpu.memory_space<hbm>>
    tpu.wait_dma2 semaphore(%arg13 : memref<!tpu.dma_semaphore, #tpu.memory_space<semaphore_mem>>) src(%dma_wait3A_274 : memref<80x128xf32, #tpu.memory_space<hbm>>) dst(%dma_wait3A_272 : memref<80x128xf32, #tpu.memory_space<vmem>>)
    %get3A = arith.constant 0 : index
    %get3A_275 = tpu.vector_load %arg7[%get3A] {strides = array<i32>} : memref<5600xi32, #tpu.memory_space<vmem>>, vector<16xi32>,
    %get3A_276 = vector.shape_cast %get3A_275 : vector<16xi32> to vector<16xi32>
    %add3A_277 = vector.broadcast %mul3A_6 : i32 to vector<16xi32>
    %add3A_278 = arith.addi %get3A_276, %add3A_277 : vector<16xi32>
    %swap3A_279 = arith.constant 0 : i32
    %swap3A_280 = arith.index_cast %swap3A_279 : i32 to index
    %swap3A_281 = arith.constant 0 : index
    %swap3A_282 = tpu.vector_load %arg8[%swap3A_280, %swap3A_281] {strides = array<i32>} : memref<5x80xi32, #tpu.memory_space<vmem>>, vector<1x16xi32>,
    %swap3A_283 = vector.shape_cast %swap3A_282 : vector<1x16xi32> to vector<16xi32>
    %swap3A_284 = vector.shape_cast %add3A_278 : vector<16xi32> to vector<1x16xi32>
    tpu.vector_store %arg8[%swap3A_280, %swap3A_281], %swap3A_284 {strides = array<i32>} : memref<5x80xi32, #tpu.memory_space<vmem>>, vector<1x16xi32>,
    %get3A_285 = arith.constant 16 : index
    %get3A_286 = tpu.vector_load %arg7[%get3A_285] {strides = array<i32>} : memref<5600xi32, #tpu.memory_space<vmem>>, vector<16xi32>,
    %get3A_287 = vector.shape_cast %get3A_286 : vector<16xi32> to vector<16xi32>
    %add3A_288 = vector.broadcast %mul3A_6 : i32 to vector<16xi32>
    %add3A_289 = arith.addi %get3A_287, %add3A_288 : vector<16xi32>
    %swap3A_290 = arith.constant 0 : i32
    %swap3A_291 = arith.index_cast %swap3A_290 : i32 to index
    %swap3A_292 = arith.constant 16 : index
    %swap3A_293 = tpu.vector_load %arg8[%swap3A_291, %swap3A_292] {strides = array<i32>} : memref<5x80xi32, #tpu.memory_space<vmem>>, vector<1x16xi32>,
    %swap3A_294 = vector.shape_cast %swap3A_293 : vector<1x16xi32> to vector<16xi32>
    %swap3A_295 = vector.shape_cast %add3A_289 : vector<16xi32> to vector<1x16xi32>
    tpu.vector_store %arg8[%swap3A_291, %swap3A_292], %swap3A_295 {strides = array<i32>} : memref<5x80xi32, #tpu.memory_space<vmem>>, vector<1x16xi32>,
    %get3A_296 = arith.constant 32 : index
    %get3A_297 = tpu.vector_load %arg7[%get3A_296] {strides = array<i32>} : memref<5600xi32, #tpu.memory_space<vmem>>, vector<16xi32>,
    %get3A_298 = vector.shape_cast %get3A_297 : vector<16xi32> to vector<16xi32>
    %add3A_299 = vector.broadcast %mul3A_6 : i32 to vector<16xi32>
    %add3A_300 = arith.addi %get3A_298, %add3A_299 : vector<16xi32>
    %swap3A_301 = arith.constant 0 : i32
    %swap3A_302 = arith.index_cast %swap3A_301 : i32 to index
    %swap3A_303 = arith.constant 32 : index
    %swap3A_304 = tpu.vector_load %arg8[%swap3A_302, %swap3A_303] {strides = array<i32>} : memref<5x80xi32, #tpu.memory_space<vmem>>, vector<1x16xi32>,
    %swap3A_305 = vector.shape_cast %swap3A_304 : vector<1x16xi32> to vector<16xi32>
    %swap3A_306 = vector.shape_cast %add3A_300 : vector<16xi32> to vector<1x16xi32>
    tpu.vector_store %arg8[%swap3A_302, %swap3A_303], %swap3A_306 {strides = array<i32>} : memref<5x80xi32, #tpu.memory_space<vmem>>, vector<1x16xi32>,
    %get3A_307 = arith.constant 48 : index
    %get3A_308 = tpu.vector_load %arg7[%get3A_307] {strides = array<i32>} : memref<5600xi32, #tpu.memory_space<vmem>>, vector<16xi32>,
    %get3A_309 = vector.shape_cast %get3A_308 : vector<16xi32> to vector<16xi32>
    %add3A_310 = vector.broadcast %mul3A_6 : i32 to vector<16xi32>
    %add3A_311 = arith.addi %get3A_309, %add3A_310 : vector<16xi32>
    %swap3A_312 = arith.constant 0 : i32
    %swap3A_313 = arith.index_cast %swap3A_312 : i32 to index
    %swap3A_314 = arith.constant 48 : index
    %swap3A_315 = tpu.vector_load %arg8[%swap3A_313, %swap3A_314] {strides = array<i32>} : memref<5x80xi32, #tpu.memory_space<vmem>>, vector<1x16xi32>,
    %swap3A_316 = vector.shape_cast %swap3A_315 : vector<1x16xi32> to vector<16xi32>
    %swap3A_317 = vector.shape_cast %add3A_311 : vector<16xi32> to vector<1x16xi32>
    tpu.vector_store %arg8[%swap3A_313, %swap3A_314], %swap3A_317 {strides = array<i32>} : memref<5x80xi32, #tpu.memory_space<vmem>>, vector<1x16xi32>,
    %get3A_318 = arith.constant 64 : index
    %get3A_319 = tpu.vector_load %arg7[%get3A_318] {strides = array<i32>} : memref<5600xi32, #tpu.memory_space<vmem>>, vector<16xi32>,
    %get3A_320 = vector.shape_cast %get3A_319 : vector<16xi32> to vector<16xi32>
    %add3A_321 = vector.broadcast %mul3A_6 : i32 to vector<16xi32>
    %add3A_322 = arith.addi %get3A_320, %add3A_321 : vector<16xi32>
    %swap3A_323 = arith.constant 0 : i32
    %swap3A_324 = arith.index_cast %swap3A_323 : i32 to index
    %swap3A_325 = arith.constant 64 : index
    %swap3A_326 = tpu.vector_load %arg8[%swap3A_324, %swap3A_325] {strides = array<i32>} : memref<5x80xi32, #tpu.memory_space<vmem>>, vector<1x16xi32>,
    %swap3A_327 = vector.shape_cast %swap3A_326 : vector<1x16xi32> to vector<16xi32>
    %swap3A_328 = vector.shape_cast %add3A_322 : vector<16xi32> to vector<1x16xi32>
    tpu.vector_store %arg8[%swap3A_324, %swap3A_325], %swap3A_328 {strides = array<i32>} : memref<5x80xi32, #tpu.memory_space<vmem>>, vector<1x16xi32>,
    %dma_start3A_329 = arith.constant 0 : i32
    %dma_start3A_330 = arith.constant 0 : i32
    %dma_start3A_331 = arith.constant 0 : i32
    %dma_start3A_332 = arith.constant 0 : i32
    %dma_start3A_333 = tpu.memref_slice %arg6[%dma_start3A_329, %dma_start3A_331, %dma_start3A_332] : memref<5x80x128xf32, #tpu.memory_space<vmem>> -> memref<1x80x128xf32, #tpu.memory_space<vmem>>
    %dma_start3A_334 = tpu.memref_squeeze %dma_start3A_333 : memref<1x80x128xf32, #tpu.memory_space<vmem>> -> memref<80x128xf32, #tpu.memory_space<vmem>>
    %dma_start3A_335 = arith.constant 0 : i32
    %dma_start3A_336 = tpu.memref_slice %arg8[%dma_start3A_330, %dma_start3A_335] : memref<5x80xi32, #tpu.memory_space<vmem>> -> memref<1x80xi32, #tpu.memory_space<vmem>>
    %dma_start3A_337 = tpu.memref_squeeze %dma_start3A_336 : memref<1x80xi32, #tpu.memory_space<vmem>> -> memref<80xi32, #tpu.memory_space<vmem>>
    %dma_start3A_338 = arith.constant 0 : i32
    %dma_start3A_339 = arith.constant 0 : i32
    %dma_start3A_340 = tpu.memref_slice %arg11[%dma_start3A_338, %dma_start3A_339] : memref<64x128xf32, #tpu.memory_space<vmem_shared>> -> memref<64x128xf32, #tpu.memory_space<vmem_shared>>
    tpu.enqueue_indirect_dma source(%dma_start3A_334 : memref<80x128xf32, #tpu.memory_space<vmem>>) target(%dma_start3A_340 : memref<64x128xf32, #tpu.memory_space<vmem_shared>>) offsets(%dma_start3A_337 : memref<80xi32, #tpu.memory_space<vmem>>) semaphore(%arg18 : memref<!tpu.dma_semaphore, #tpu.memory_space<semaphore_mem>>) {add = true}
    %add3A_341 = arith.constant 160 : i32
    %add3A_342 = arith.addi %add3A_4, %add3A_341 : i32
    %dma_start3A_343 = arith.constant 2 : i32
    %dma_start3A_344 = arith.constant 0 : i32
    %dma_start3A_345 = arith.constant 0 : i32
    %dma_start3A_346 = tpu.memref_slice %arg6[%dma_start3A_343, %dma_start3A_344, %dma_start3A_345] : memref<5x80x128xf32, #tpu.memory_space<vmem>> -> memref<1x80x128xf32, #tpu.memory_space<vmem>>
    %dma_start3A_347 = tpu.memref_squeeze %dma_start3A_346 : memref<1x80x128xf32, #tpu.memory_space<vmem>> -> memref<80x128xf32, #tpu.memory_space<vmem>>
    %dma_start3A_348 = arith.constant 0 : i32
    %dma_start3A_349 = tpu.memref_slice %arg2[%add3A_342, %dma_start3A_348] : memref<320000x128xf32, #tpu.memory_space<hbm>> -> memref<80x128xf32, #tpu.memory_space<hbm>>
    %dma_start3A_350 = arith.constant 0 : i32
    %dma_start3A_351 = arith.constant 0 : i32
    %dma_start3A_352 = tpu.memref_slice %arg6[%dma_start3A_343, %dma_start3A_350, %dma_start3A_351] : memref<5x80x128xf32, #tpu.memory_space<vmem>> -> memref<1x80x128xf32, #tpu.memory_space<vmem>>
    %dma_start3A_353 = tpu.memref_squeeze %dma_start3A_352 : memref<1x80x128xf32, #tpu.memory_space<vmem>> -> memref<80x128xf32, #tpu.memory_space<vmem>>
    %dma_start3A_354 = arith.constant 0 : i32
    %dma_start3A_355 = tpu.memref_slice %arg2[%add3A_342, %dma_start3A_354] : memref<320000x128xf32, #tpu.memory_space<hbm>> -> memref<80x128xf32, #tpu.memory_space<hbm>>
    tpu.enqueue_dma source(%dma_start3A_355 : memref<80x128xf32, #tpu.memory_space<hbm>>) target(%dma_start3A_353 : memref<80x128xf32, #tpu.memory_space<vmem>>) target_semaphore(%arg15 : memref<!tpu.dma_semaphore, #tpu.memory_space<semaphore_mem>>)
    %add3A_356 = arith.constant 80 : i32
    %add3A_357 = arith.addi %add3A_4, %add3A_356 : i32
    %dma_wait3A_358 = arith.constant 1 : i32
    %dma_wait3A_359 = arith.constant 0 : i32
    %dma_wait3A_360 = arith.constant 0 : i32
    %dma_wait3A_361 = tpu.memref_slice %arg6[%dma_wait3A_358, %dma_wait3A_359, %dma_wait3A_360] : memref<5x80x128xf32, #tpu.memory_space<vmem>> -> memref<1x80x128xf32, #tpu.memory_space<vmem>>
    %dma_wait3A_362 = tpu.memref_squeeze %dma_wait3A_361 : memref<1x80x128xf32, #tpu.memory_space<vmem>> -> memref<80x128xf32, #tpu.memory_space<vmem>>
    %dma_wait3A_363 = arith.constant 0 : i32
    %dma_wait3A_364 = tpu.memref_slice %arg2[%add3A_357, %dma_wait3A_363] : memref<320000x128xf32, #tpu.memory_space<hbm>> -> memref<80x128xf32, #tpu.memory_space<hbm>>
    %dma_wait3A_365 = arith.constant 0 : i32
    %dma_wait3A_366 = arith.constant 0 : i32
    %dma_wait3A_367 = tpu.memref_slice %arg6[%dma_wait3A_358, %dma_wait3A_365, %dma_wait3A_366] : memref<5x80x128xf32, #tpu.memory_space<vmem>> -> memref<1x80x128xf32, #tpu.memory_space<vmem>>
    %dma_wait3A_368 = tpu.memref_squeeze %dma_wait3A_367 : memref<1x80x128xf32, #tpu.memory_space<vmem>> -> memref<80x128xf32, #tpu.memory_space<vmem>>
    %dma_wait3A_369 = arith.constant 0 : i32
    %dma_wait3A_370 = tpu.memref_slice %arg2[%add3A_357, %dma_wait3A_369] : memref<320000x128xf32, #tpu.memory_space<hbm>> -> memref<80x128xf32, #tpu.memory_space<hbm>>
    tpu.wait_dma2 semaphore(%arg14 : memref<!tpu.dma_semaphore, #tpu.memory_space<semaphore_mem>>) src(%dma_wait3A_370 : memref<80x128xf32, #tpu.memory_space<hbm>>) dst(%dma_wait3A_368 : memref<80x128xf32, #tpu.memory_space<vmem>>)
    %dma_wait3A_371 = arith.constant 0 : i32
    %dma_wait3A_372 = arith.constant 0 : i32
    %dma_wait3A_373 = arith.constant 0 : i32
    %dma_wait3A_374 = arith.constant 0 : i32
    %dma_wait3A_375 = tpu.memref_slice %arg6[%dma_wait3A_371, %dma_wait3A_373, %dma_wait3A_374] : memref<5x80x128xf32, #tpu.memory_space<vmem>> -> memref<1x80x128xf32, #tpu.memory_space<vmem>>
    %dma_wait3A_376 = tpu.memref_squeeze %dma_wait3A_375 : memref<1x80x128xf32, #tpu.memory_space<vmem>> -> memref<80x128xf32, #tpu.memory_space<vmem>>
    %dma_wait3A_377 = arith.constant 0 : i32
    %dma_wait3A_378 = tpu.memref_slice %arg8[%dma_wait3A_372, %dma_wait3A_377] : memref<5x80xi32, #tpu.memory_space<vmem>> -> memref<1x80xi32, #tpu.memory_space<vmem>>
    %dma_wait3A_379 = tpu.memref_squeeze %dma_wait3A_378 : memref<1x80xi32, #tpu.memory_space<vmem>> -> memref<80xi32, #tpu.memory_space<vmem>>
    %dma_wait3A_380 = arith.constant 0 : i32
    %dma_wait3A_381 = arith.constant 0 : i32
    %dma_wait3A_382 = tpu.memref_slice %arg11[%dma_wait3A_380, %dma_wait3A_381] : memref<64x128xf32, #tpu.memory_space<vmem_shared>> -> memref<64x128xf32, #tpu.memory_space<vmem_shared>>
    tpu.wait_indirect_dma semaphore(%arg18 : memref<!tpu.dma_semaphore, #tpu.memory_space<semaphore_mem>>) src(%dma_wait3A_376 : memref<80x128xf32, #tpu.memory_space<vmem>>) dst(%dma_wait3A_382 : memref<64x128xf32, #tpu.memory_space<vmem_shared>>)
    %get3A_383 = arith.constant 80 : index
    %get3A_384 = tpu.vector_load %arg7[%get3A_383] {strides = array<i32>} : memref<5600xi32, #tpu.memory_space<vmem>>, vector<16xi32>,
    %get3A_385 = vector.shape_cast %get3A_384 : vector<16xi32> to vector<16xi32>
    %add3A_386 = vector.broadcast %mul3A_6 : i32 to vector<16xi32>
    %add3A_387 = arith.addi %get3A_385, %add3A_386 : vector<16xi32>
    %swap3A_388 = arith.constant 1 : i32
    %swap3A_389 = arith.index_cast %swap3A_388 : i32 to index
    %swap3A_390 = arith.constant 0 : index
    %swap3A_391 = tpu.vector_load %arg8[%swap3A_389, %swap3A_390] {strides = array<i32>} : memref<5x80xi32, #tpu.memory_space<vmem>>, vector<1x16xi32>,
    %swap3A_392 = vector.shape_cast %swap3A_391 : vector<1x16xi32> to vector<16xi32>
    %swap3A_393 = vector.shape_cast %add3A_387 : vector<16xi32> to vector<1x16xi32>
    tpu.vector_store %arg8[%swap3A_389, %swap3A_390], %swap3A_393 {strides = array<i32>} : memref<5x80xi32, #tpu.memory_space<vmem>>, vector<1x16xi32>,
    %get3A_394 = arith.constant 96 : index
    %get3A_395 = tpu.vector_load %arg7[%get3A_394] {strides = array<i32>} : memref<5600xi32, #tpu.memory_space<vmem>>, vector<16xi32>,
    %get3A_396 = vector.shape_cast %get3A_395 : vector<16xi32> to vector<16xi32>
    %add3A_397 = vector.broadcast %mul3A_6 : i32 to vector<16xi32>
    %add3A_398 = arith.addi %get3A_396, %add3A_397 : vector<16xi32>
    %swap3A_399 = arith.constant 1 : i32
    %swap3A_400 = arith.index_cast %swap3A_399 : i32 to index
    %swap3A_401 = arith.constant 16 : index
    %swap3A_402 = tpu.vector_load %arg8[%swap3A_400, %swap3A_401] {strides = array<i32>} : memref<5x80xi32, #tpu.memory_space<vmem>>, vector<1x16xi32>,
    %swap3A_403 = vector.shape_cast %swap3A_402 : vector<1x16xi32> to vector<16xi32>
    %swap3A_404 = vector.shape_cast %add3A_398 : vector<16xi32> to vector<1x16xi32>
    tpu.vector_store %arg8[%swap3A_400, %swap3A_401], %swap3A_404 {strides = array<i32>} : memref<5x80xi32, #tpu.memory_space<vmem>>, vector<1x16xi32>,
    %get3A_405 = arith.constant 112 : index
    %get3A_406 = tpu.vector_load %arg7[%get3A_405] {strides = array<i32>} : memref<5600xi32, #tpu.memory_space<vmem>>, vector<16xi32>,
    %get3A_407 = vector.shape_cast %get3A_406 : vector<16xi32> to vector<16xi32>
    %add3A_408 = vector.broadcast %mul3A_6 : i32 to vector<16xi32>
    %add3A_409 = arith.addi %get3A_407, %add3A_408 : vector<16xi32>
    %swap3A_410 = arith.constant 1 : i32
    %swap3A_411 = arith.index_cast %swap3A_410 : i32 to index
    %swap3A_412 = arith.constant 32 : index
    %swap3A_413 = tpu.vector_load %arg8[%swap3A_411, %swap3A_412] {strides = array<i32>} : memref<5x80xi32, #tpu.memory_space<vmem>>, vector<1x16xi32>,
    %swap3A_414 = vector.shape_cast %swap3A_413 : vector<1x16xi32> to vector<16xi32>
    %swap3A_415 = vector.shape_cast %add3A_409 : vector<16xi32> to vector<1x16xi32>
    tpu.vector_store %arg8[%swap3A_411, %swap3A_412], %swap3A_415 {strides = array<i32>} : memref<5x80xi32, #tpu.memory_space<vmem>>, vector<1x16xi32>,
    %get3A_416 = arith.constant 128 : index
    %get3A_417 = tpu.vector_load %arg7[%get3A_416] {strides = array<i32>} : memref<5600xi32, #tpu.memory_space<vmem>>, vector<16xi32>,
    %get3A_418 = vector.shape_cast %get3A_417 : vector<16xi32> to vector<16xi32>
    %add3A_419 = vector.broadcast %mul3A_6 : i32 to vector<16xi32>
    %add3A_420 = arith.addi %get3A_418, %add3A_419 : vector<16xi32>
    %swap3A_421 = arith.constant 1 : i32
    %swap3A_422 = arith.index_cast %swap3A_421 : i32 to index
    %swap3A_423 = arith.constant 48 : index
    %swap3A_424 = tpu.vector_load %arg8[%swap3A_422, %swap3A_423] {strides = array<i32>} : memref<5x80xi32, #tpu.memory_space<vmem>>, vector<1x16xi32>,
    %swap3A_425 = vector.shape_cast %swap3A_424 : vector<1x16xi32> to vector<16xi32>
    %swap3A_426 = vector.shape_cast %add3A_420 : vector<16xi32> to vector<1x16xi32>
    tpu.vector_store %arg8[%swap3A_422, %swap3A_423], %swap3A_426 {strides = array<i32>} : memref<5x80xi32, #tpu.memory_space<vmem>>, vector<1x16xi32>,
    %get3A_427 = arith.constant 144 : index
    %get3A_428 = tpu.vector_load %arg7[%get3A_427] {strides = array<i32>} : memref<5600xi32, #tpu.memory_space<vmem>>, vector<16xi32>,
    %get3A_429 = vector.shape_cast %get3A_428 : vector<16xi32> to vector<16xi32>
    %add3A_430 = vector.broadcast %mul3A_6 : i32 to vector<16xi32>
    %add3A_431 = arith.addi %get3A_429, %add3A_430 : vector<16xi32>
    %swap3A_432 = arith.constant 1 : i32
    %swap3A_433 = arith.index_cast %swap3A_432 : i32 to index
    %swap3A_434 = arith.constant 64 : index
    %swap3A_435 = tpu.vector_load %arg8[%swap3A_433, %swap3A_434] {strides = array<i32>} : memref<5x80xi32, #tpu.memory_space<vmem>>, vector<1x16xi32>,
    %swap3A_436 = vector.shape_cast %swap3A_435 : vector<1x16xi32> to vector<16xi32>
    %swap3A_437 = vector.shape_cast %add3A_431 : vector<16xi32> to vector<1x16xi32>
    tpu.vector_store %arg8[%swap3A_433, %swap3A_434], %swap3A_437 {strides = array<i32>} : memref<5x80xi32, #tpu.memory_space<vmem>>, vector<1x16xi32>,
    %dma_start3A_438 = arith.constant 1 : i32
    %dma_start3A_439 = arith.constant 1 : i32
    %dma_start3A_440 = arith.constant 0 : i32
    %dma_start3A_441 = arith.constant 0 : i32
    %dma_start3A_442 = tpu.memref_slice %arg6[%dma_start3A_438, %dma_start3A_440, %dma_start3A_441] : memref<5x80x128xf32, #tpu.memory_space<vmem>> -> memref<1x80x128xf32, #tpu.memory_space<vmem>>
    %dma_start3A_443 = tpu.memref_squeeze %dma_start3A_442 : memref<1x80x128xf32, #tpu.memory_space<vmem>> -> memref<80x128xf32, #tpu.memory_space<vmem>>
    %dma_start3A_444 = arith.constant 0 : i32
    %dma_start3A_445 = tpu.memref_slice %arg8[%dma_start3A_439, %dma_start3A_444] : memref<5x80xi32, #tpu.memory_space<vmem>> -> memref<1x80xi32, #tpu.memory_space<vmem>>
    %dma_start3A_446 = tpu.memref_squeeze %dma_start3A_445 : memref<1x80xi32, #tpu.memory_space<vmem>> -> memref<80xi32, #tpu.memory_space<vmem>>
    %dma_start3A_447 = arith.constant 0 : i32
    %dma_start3A_448 = arith.constant 0 : i32
    %dma_start3A_449 = tpu.memref_slice %arg11[%dma_start3A_447, %dma_start3A_448] : memref<64x128xf32, #tpu.memory_space<vmem_shared>> -> memref<64x128xf32, #tpu.memory_space<vmem_shared>>
    tpu.enqueue_indirect_dma source(%dma_start3A_443 : memref<80x128xf32, #tpu.memory_space<vmem>>) target(%dma_start3A_449 : memref<64x128xf32, #tpu.memory_space<vmem_shared>>) offsets(%dma_start3A_446 : memref<80xi32, #tpu.memory_space<vmem>>) semaphore(%arg19 : memref<!tpu.dma_semaphore, #tpu.memory_space<semaphore_mem>>) {add = true}
    %add3A_450 = arith.constant 240 : i32
    %add3A_451 = arith.addi %add3A_4, %add3A_450 : i32
    %dma_start3A_452 = arith.constant 3 : i32
    %dma_start3A_453 = arith.constant 0 : i32
    %dma_start3A_454 = arith.constant 0 : i32
    %dma_start3A_455 = tpu.memref_slice %arg6[%dma_start3A_452, %dma_start3A_453, %dma_start3A_454] : memref<5x80x128xf32, #tpu.memory_space<vmem>> -> memref<1x80x128xf32, #tpu.memory_space<vmem>>
    %dma_start3A_456 = tpu.memref_squeeze %dma_start3A_455 : memref<1x80x128xf32, #tpu.memory_space<vmem>> -> memref<80x128xf32, #tpu.memory_space<vmem>>
    %dma_start3A_457 = arith.constant 0 : i32
    %dma_start3A_458 = tpu.memref_slice %arg2[%add3A_451, %dma_start3A_457] : memref<320000x128xf32, #tpu.memory_space<hbm>> -> memref<80x128xf32, #tpu.memory_space<hbm>>
    %dma_start3A_459 = arith.constant 0 : i32
    %dma_start3A_460 = arith.constant 0 : i32
    %dma_start3A_461 = tpu.memref_slice %arg6[%dma_start3A_452, %dma_start3A_459, %dma_start3A_460] : memref<5x80x128xf32, #tpu.memory_space<vmem>> -> memref<1x80x128xf32, #tpu.memory_space<vmem>>
    %dma_start3A_462 = tpu.memref_squeeze %dma_start3A_461 : memref<1x80x128xf32, #tpu.memory_space<vmem>> -> memref<80x128xf32, #tpu.memory_space<vmem>>
    %dma_start3A_463 = arith.constant 0 : i32
    %dma_start3A_464 = tpu.memref_slice %arg2[%add3A_451, %dma_start3A_463] : memref<320000x128xf32, #tpu.memory_space<hbm>> -> memref<80x128xf32, #tpu.memory_space<hbm>>
    tpu.enqueue_dma source(%dma_start3A_464 : memref<80x128xf32, #tpu.memory_space<hbm>>) target(%dma_start3A_462 : memref<80x128xf32, #tpu.memory_space<vmem>>) target_semaphore(%arg16 : memref<!tpu.dma_semaphore, #tpu.memory_space<semaphore_mem>>)
    %add3A_465 = arith.constant 160 : i32
    %add3A_466 = arith.addi %add3A_4, %add3A_465 : i32
    %dma_wait3A_467 = arith.constant 2 : i32
    %dma_wait3A_468 = arith.constant 0 : i32
    %dma_wait3A_469 = arith.constant 0 : i32
    %dma_wait3A_470 = tpu.memref_slice %arg6[%dma_wait3A_467, %dma_wait3A_468, %dma_wait3A_469] : memref<5x80x128xf32, #tpu.memory_space<vmem>> -> memref<1x80x128xf32, #tpu.memory_space<vmem>>
    %dma_wait3A_471 = tpu.memref_squeeze %dma_wait3A_470 : memref<1x80x128xf32, #tpu.memory_space<vmem>> -> memref<80x128xf32, #tpu.memory_space<vmem>>
    %dma_wait3A_472 = arith.constant 0 : i32
    %dma_wait3A_473 = tpu.memref_slice %arg2[%add3A_466, %dma_wait3A_472] : memref<320000x128xf32, #tpu.memory_space<hbm>> -> memref<80x128xf32, #tpu.memory_space<hbm>>
    %dma_wait3A_474 = arith.constant 0 : i32
    %dma_wait3A_475 = arith.constant 0 : i32
    %dma_wait3A_476 = tpu.memref_slice %arg6[%dma_wait3A_467, %dma_wait3A_474, %dma_wait3A_475] : memref<5x80x128xf32, #tpu.memory_space<vmem>> -> memref<1x80x128xf32, #tpu.memory_space<vmem>>
    %dma_wait3A_477 = tpu.memref_squeeze %dma_wait3A_476 : memref<1x80x128xf32, #tpu.memory_space<vmem>> -> memref<80x128xf32, #tpu.memory_space<vmem>>
    %dma_wait3A_478 = arith.constant 0 : i32
    %dma_wait3A_479 = tpu.memref_slice %arg2[%add3A_466, %dma_wait3A_478] : memref<320000x128xf32, #tpu.memory_space<hbm>> -> memref<80x128xf32, #tpu.memory_space<hbm>>
    tpu.wait_dma2 semaphore(%arg15 : memref<!tpu.dma_semaphore, #tpu.memory_space<semaphore_mem>>) src(%dma_wait3A_479 : memref<80x128xf32, #tpu.memory_space<hbm>>) dst(%dma_wait3A_477 : memref<80x128xf32, #tpu.memory_space<vmem>>)
    %dma_wait3A_480 = arith.constant 1 : i32
    %dma_wait3A_481 = arith.constant 1 : i32
    %dma_wait3A_482 = arith.constant 0 : i32
    %dma_wait3A_483 = arith.constant 0 : i32
    %dma_wait3A_484 = tpu.memref_slice %arg6[%dma_wait3A_480, %dma_wait3A_482, %dma_wait3A_483] : memref<5x80x128xf32, #tpu.memory_space<vmem>> -> memref<1x80x128xf32, #tpu.memory_space<vmem>>
    %dma_wait3A_485 = tpu.memref_squeeze %dma_wait3A_484 : memref<1x80x128xf32, #tpu.memory_space<vmem>> -> memref<80x128xf32, #tpu.memory_space<vmem>>
    %dma_wait3A_486 = arith.constant 0 : i32
    %dma_wait3A_487 = tpu.memref_slice %arg8[%dma_wait3A_481, %dma_wait3A_486] : memref<5x80xi32, #tpu.memory_space<vmem>> -> memref<1x80xi32, #tpu.memory_space<vmem>>
    %dma_wait3A_488 = tpu.memref_squeeze %dma_wait3A_487 : memref<1x80xi32, #tpu.memory_space<vmem>> -> memref<80xi32, #tpu.memory_space<vmem>>
    %dma_wait3A_489 = arith.constant 0 : i32
    %dma_wait3A_490 = arith.constant 0 : i32
    %dma_wait3A_491 = tpu.memref_slice %arg11[%dma_wait3A_489, %dma_wait3A_490] : memref<64x128xf32, #tpu.memory_space<vmem_shared>> -> memref<64x128xf32, #tpu.memory_space<vmem_shared>>
    tpu.wait_indirect_dma semaphore(%arg19 : memref<!tpu.dma_semaphore, #tpu.memory_space<semaphore_mem>>) src(%dma_wait3A_485 : memref<80x128xf32, #tpu.memory_space<vmem>>) dst(%dma_wait3A_491 : memref<64x128xf32, #tpu.memory_space<vmem_shared>>)
    %get3A_492 = arith.constant 160 : index
    %get3A_493 = tpu.vector_load %arg7[%get3A_492] {strides = array<i32>} : memref<5600xi32, #tpu.memory_space<vmem>>, vector<16xi32>,
    %get3A_494 = vector.shape_cast %get3A_493 : vector<16xi32> to vector<16xi32>
    %add3A_495 = vector.broadcast %mul3A_6 : i32 to vector<16xi32>
    %add3A_496 = arith.addi %get3A_494, %add3A_495 : vector<16xi32>
    %swap3A_497 = arith.constant 2 : i32
    %swap3A_498 = arith.index_cast %swap3A_497 : i32 to index
    %swap3A_499 = arith.constant 0 : index
    %swap3A_500 = tpu.vector_load %arg8[%swap3A_498, %swap3A_499] {strides = array<i32>} : memref<5x80xi32, #tpu.memory_space<vmem>>, vector<1x16xi32>,
    %swap3A_501 = vector.shape_cast %swap3A_500 : vector<1x16xi32> to vector<16xi32>
    %swap3A_502 = vector.shape_cast %add3A_496 : vector<16xi32> to vector<1x16xi32>
    tpu.vector_store %arg8[%swap3A_498, %swap3A_499], %swap3A_502 {strides = array<i32>} : memref<5x80xi32, #tpu.memory_space<vmem>>, vector<1x16xi32>,
    %get3A_503 = arith.constant 176 : index
    %get3A_504 = tpu.vector_load %arg7[%get3A_503] {strides = array<i32>} : memref<5600xi32, #tpu.memory_space<vmem>>, vector<16xi32>,
    %get3A_505 = vector.shape_cast %get3A_504 : vector<16xi32> to vector<16xi32>
    %add3A_506 = vector.broadcast %mul3A_6 : i32 to vector<16xi32>
    %add3A_507 = arith.addi %get3A_505, %add3A_506 : vector<16xi32>
    %swap3A_508 = arith.constant 2 : i32
    %swap3A_509 = arith.index_cast %swap3A_508 : i32 to index
    %swap3A_510 = arith.constant 16 : index
    %swap3A_511 = tpu.vector_load %arg8[%swap3A_509, %swap3A_510] {strides = array<i32>} : memref<5x80xi32, #tpu.memory_space<vmem>>, vector<1x16xi32>,
    %swap3A_512 = vector.shape_cast %swap3A_511 : vector<1x16xi32> to vector<16xi32>
    %swap3A_513 = vector.shape_cast %add3A_507 : vector<16xi32> to vector<1x16xi32>
    tpu.vector_store %arg8[%swap3A_509, %swap3A_510], %swap3A_513 {strides = array<i32>} : memref<5x80xi32, #tpu.memory_space<vmem>>, vector<1x16xi32>,
    %get3A_514 = arith.constant 192 : index
    %get3A_515 = tpu.vector_load %arg7[%get3A_514] {strides = array<i32>} : memref<5600xi32, #tpu.memory_space<vmem>>, vector<16xi32>,
    %get3A_516 = vector.shape_cast %get3A_515 : vector<16xi32> to vector<16xi32>
    %add3A_517 = vector.broadcast %mul3A_6 : i32 to vector<16xi32>
    %add3A_518 = arith.addi %get3A_516, %add3A_517 : vector<16xi32>
    %swap3A_519 = arith.constant 2 : i32
    %swap3A_520 = arith.index_cast %swap3A_519 : i32 to index
    %swap3A_521 = arith.constant 32 : index
    %swap3A_522 = tpu.vector_load %arg8[%swap3A_520, %swap3A_521] {strides = array<i32>} : memref<5x80xi32, #tpu.memory_space<vmem>>, vector<1x16xi32>,
    %swap3A_523 = vector.shape_cast %swap3A_522 : vector<1x16xi32> to vector<16xi32>
    %swap3A_524 = vector.shape_cast %add3A_518 : vector<16xi32> to vector<1x16xi32>
    tpu.vector_store %arg8[%swap3A_520, %swap3A_521], %swap3A_524 {strides = array<i32>} : memref<5x80xi32, #tpu.memory_space<vmem>>, vector<1x16xi32>,
    %get3A_525 = arith.constant 208 : index
    %get3A_526 = tpu.vector_load %arg7[%get3A_525] {strides = array<i32>} : memref<5600xi32, #tpu.memory_space<vmem>>, vector<16xi32>,
    %get3A_527 = vector.shape_cast %get3A_526 : vector<16xi32> to vector<16xi32>
    %add3A_528 = vector.broadcast %mul3A_6 : i32 to vector<16xi32>
    %add3A_529 = arith.addi %get3A_527, %add3A_528 : vector<16xi32>
    %swap3A_530 = arith.constant 2 : i32
    %swap3A_531 = arith.index_cast %swap3A_530 : i32 to index
    %swap3A_532 = arith.constant 48 : index
    %swap3A_533 = tpu.vector_load %arg8[%swap3A_531, %swap3A_532] {strides = array<i32>} : memref<5x80xi32, #tpu.memory_space<vmem>>, vector<1x16xi32>,
    %swap3A_534 = vector.shape_cast %swap3A_533 : vector<1x16xi32> to vector<16xi32>
    %swap3A_535 = vector.shape_cast %add3A_529 : vector<16xi32> to vector<1x16xi32>
    tpu.vector_store %arg8[%swap3A_531, %swap3A_532], %swap3A_535 {strides = array<i32>} : memref<5x80xi32, #tpu.memory_space<vmem>>, vector<1x16xi32>,
    %get3A_536 = arith.constant 224 : index
    %get3A_537 = tpu.vector_load %arg7[%get3A_536] {strides = array<i32>} : memref<5600xi32, #tpu.memory_space<vmem>>, vector<16xi32>,
    %get3A_538 = vector.shape_cast %get3A_537 : vector<16xi32> to vector<16xi32>
    %add3A_539 = vector.broadcast %mul3A_6 : i32 to vector<16xi32>
    %add3A_540 = arith.addi %get3A_538, %add3A_539 : vector<16xi32>
    %swap3A_541 = arith.constant 2 : i32
    %swap3A_542 = arith.index_cast %swap3A_541 : i32 to index
    %swap3A_543 = arith.constant 64 : index
    %swap3A_544 = tpu.vector_load %arg8[%swap3A_542, %swap3A_543] {strides = array<i32>} : memref<5x80xi32, #tpu.memory_space<vmem>>, vector<1x16xi32>,
    %swap3A_545 = vector.shape_cast %swap3A_544 : vector<1x16xi32> to vector<16xi32>
    %swap3A_546 = vector.shape_cast %add3A_540 : vector<16xi32> to vector<1x16xi32>
    tpu.vector_store %arg8[%swap3A_542, %swap3A_543], %swap3A_546 {strides = array<i32>} : memref<5x80xi32, #tpu.memory_space<vmem>>, vector<1x16xi32>,
    %dma_start3A_547 = arith.constant 2 : i32
    %dma_start3A_548 = arith.constant 2 : i32
    %dma_start3A_549 = arith.constant 0 : i32
    %dma_start3A_550 = arith.constant 0 : i32
    %dma_start3A_551 = tpu.memref_slice %arg6[%dma_start3A_547, %dma_start3A_549, %dma_start3A_550] : memref<5x80x128xf32, #tpu.memory_space<vmem>> -> memref<1x80x128xf32, #tpu.memory_space<vmem>>
    %dma_start3A_552 = tpu.memref_squeeze %dma_start3A_551 : memref<1x80x128xf32, #tpu.memory_space<vmem>> -> memref<80x128xf32, #tpu.memory_space<vmem>>
    %dma_start3A_553 = arith.constant 0 : i32
    %dma_start3A_554 = tpu.memref_slice %arg8[%dma_start3A_548, %dma_start3A_553] : memref<5x80xi32, #tpu.memory_space<vmem>> -> memref<1x80xi32, #tpu.memory_space<vmem>>
    %dma_start3A_555 = tpu.memref_squeeze %dma_start3A_554 : memref<1x80xi32, #tpu.memory_space<vmem>> -> memref<80xi32, #tpu.memory_space<vmem>>
    %dma_start3A_556 = arith.constant 0 : i32
    %dma_start3A_557 = arith.constant 0 : i32
    %dma_start3A_558 = tpu.memref_slice %arg11[%dma_start3A_556, %dma_start3A_557] : memref<64x128xf32, #tpu.memory_space<vmem_shared>> -> memref<64x128xf32, #tpu.memory_space<vmem_shared>>
    tpu.enqueue_indirect_dma source(%dma_start3A_552 : memref<80x128xf32, #tpu.memory_space<vmem>>) target(%dma_start3A_558 : memref<64x128xf32, #tpu.memory_space<vmem_shared>>) offsets(%dma_start3A_555 : memref<80xi32, #tpu.memory_space<vmem>>) semaphore(%arg20 : memref<!tpu.dma_semaphore, #tpu.memory_space<semaphore_mem>>) {add = true}
    %scan3A_559 = arith.constant 0 : i32
    %scan3A_560 = arith.constant 0 : i32
    %scan3A_561 = arith.constant 13 : i32
    %scan3A_562 = arith.addi %scan3A_560, %scan3A_561 : i32
    %scan3A_563 = arith.constant 1 : i32
    scf.for %scan3A_784 = %scan3A_560 to %scan3A_562 step %scan3A_563  : i32 {
      %mul3A_785 = arith.constant 5 : i32
      %mul3A_786 = arith.muli %scan3A_784, %mul3A_785 : i32
      %add3A_787 = arith.constant 3 : i32
      %add3A_788 = arith.addi %add3A_787, %mul3A_786 : i32
      %add3A_789 = arith.constant 0 : i32
      %add3A_790 = arith.addi %add3A_788, %add3A_789 : i32
      %add3A_791 = arith.constant 1 : i32
      %add3A_792 = arith.addi %add3A_790, %add3A_791 : i32
      %mul3A_793 = arith.constant 80 : i32
      %mul3A_794 = arith.muli %add3A_792, %mul3A_793 : i32
      %add3A_795 = arith.addi %add3A_4, %mul3A_794 : i32
      %dma_start3A_796 = arith.constant 4 : i32
      %dma_start3A_797 = arith.constant 0 : i32
      %dma_start3A_798 = arith.constant 0 : i32
      %dma_start3A_799 = tpu.memref_slice %arg6[%dma_start3A_796, %dma_start3A_797, %dma_start3A_798] : memref<5x80x128xf32, #tpu.memory_space<vmem>> -> memref<1x80x128xf32, #tpu.memory_space<vmem>>
      %dma_start3A_800 = tpu.memref_squeeze %dma_start3A_799 : memref<1x80x128xf32, #tpu.memory_space<vmem>> -> memref<80x128xf32, #tpu.memory_space<vmem>>
      %dma_start3A_801 = arith.constant 0 : i32
      %dma_start3A_802 = tpu.memref_slice %arg2[%add3A_795, %dma_start3A_801] : memref<320000x128xf32, #tpu.memory_space<hbm>> -> memref<80x128xf32, #tpu.memory_space<hbm>>
      %dma_start3A_803 = arith.constant 0 : i32
      %dma_start3A_804 = arith.constant 0 : i32
      %dma_start3A_805 = tpu.memref_slice %arg6[%dma_start3A_796, %dma_start3A_803, %dma_start3A_804] : memref<5x80x128xf32, #tpu.memory_space<vmem>> -> memref<1x80x128xf32, #tpu.memory_space<vmem>>
      %dma_start3A_806 = tpu.memref_squeeze %dma_start3A_805 : memref<1x80x128xf32, #tpu.memory_space<vmem>> -> memref<80x128xf32, #tpu.memory_space<vmem>>
      %dma_start3A_807 = arith.constant 0 : i32
      %dma_start3A_808 = tpu.memref_slice %arg2[%add3A_795, %dma_start3A_807] : memref<320000x128xf32, #tpu.memory_space<hbm>> -> memref<80x128xf32, #tpu.memory_space<hbm>>
      tpu.enqueue_dma source(%dma_start3A_808 : memref<80x128xf32, #tpu.memory_space<hbm>>) target(%dma_start3A_806 : memref<80x128xf32, #tpu.memory_space<vmem>>) target_semaphore(%arg17 : memref<!tpu.dma_semaphore, #tpu.memory_space<semaphore_mem>>)
      %mul3A_809 = arith.constant 80 : i32
      %mul3A_810 = arith.muli %add3A_790, %mul3A_809 : i32
      %add3A_811 = arith.addi %add3A_4, %mul3A_810 : i32
      %dma_wait3A_812 = arith.constant 3 : i32
      %dma_wait3A_813 = arith.constant 0 : i32
      %dma_wait3A_814 = arith.constant 0 : i32
      %dma_wait3A_815 = tpu.memref_slice %arg6[%dma_wait3A_812, %dma_wait3A_813, %dma_wait3A_814] : memref<5x80x128xf32, #tpu.memory_space<vmem>> -> memref<1x80x128xf32, #tpu.memory_space<vmem>>
      %dma_wait3A_816 = tpu.memref_squeeze %dma_wait3A_815 : memref<1x80x128xf32, #tpu.memory_space<vmem>> -> memref<80x128xf32, #tpu.memory_space<vmem>>
      %dma_wait3A_817 = arith.constant 0 : i32
      %dma_wait3A_818 = tpu.memref_slice %arg2[%add3A_811, %dma_wait3A_817] : memref<320000x128xf32, #tpu.memory_space<hbm>> -> memref<80x128xf32, #tpu.memory_space<hbm>>
      %dma_wait3A_819 = arith.constant 0 : i32
      %dma_wait3A_820 = arith.constant 0 : i32
      %dma_wait3A_821 = tpu.memref_slice %arg6[%dma_wait3A_812, %dma_wait3A_819, %dma_wait3A_820] : memref<5x80x128xf32, #tpu.memory_space<vmem>> -> memref<1x80x128xf32, #tpu.memory_space<vmem>>
      %dma_wait3A_822 = tpu.memref_squeeze %dma_wait3A_821 : memref<1x80x128xf32, #tpu.memory_space<vmem>> -> memref<80x128xf32, #tpu.memory_space<vmem>>
      %dma_wait3A_823 = arith.constant 0 : i32
      %dma_wait3A_824 = tpu.memref_slice %arg2[%add3A_811, %dma_wait3A_823] : memref<320000x128xf32, #tpu.memory_space<hbm>> -> memref<80x128xf32, #tpu.memory_space<hbm>>
      tpu.wait_dma2 semaphore(%arg16 : memref<!tpu.dma_semaphore, #tpu.memory_space<semaphore_mem>>) src(%dma_wait3A_824 : memref<80x128xf32, #tpu.memory_space<hbm>>) dst(%dma_wait3A_822 : memref<80x128xf32, #tpu.memory_space<vmem>>)
      %sub3A = arith.constant 1 : i32
      %sub3A_825 = arith.subi %add3A_790, %sub3A : i32
      %dma_wait3A_826 = arith.constant 2 : i32
      %dma_wait3A_827 = arith.constant 2 : i32
      %dma_wait3A_828 = arith.constant 0 : i32
      %dma_wait3A_829 = arith.constant 0 : i32
      %dma_wait3A_830 = tpu.memref_slice %arg6[%dma_wait3A_826, %dma_wait3A_828, %dma_wait3A_829] : memref<5x80x128xf32, #tpu.memory_space<vmem>> -> memref<1x80x128xf32, #tpu.memory_space<vmem>>
      %dma_wait3A_831 = tpu.memref_squeeze %dma_wait3A_830 : memref<1x80x128xf32, #tpu.memory_space<vmem>> -> memref<80x128xf32, #tpu.memory_space<vmem>>
      %dma_wait3A_832 = arith.constant 0 : i32
      %dma_wait3A_833 = tpu.memref_slice %arg8[%dma_wait3A_827, %dma_wait3A_832] : memref<5x80xi32, #tpu.memory_space<vmem>> -> memref<1x80xi32, #tpu.memory_space<vmem>>
      %dma_wait3A_834 = tpu.memref_squeeze %dma_wait3A_833 : memref<1x80xi32, #tpu.memory_space<vmem>> -> memref<80xi32, #tpu.memory_space<vmem>>
      %dma_wait3A_835 = arith.constant 0 : i32
      %dma_wait3A_836 = arith.constant 0 : i32
      %dma_wait3A_837 = tpu.memref_slice %arg11[%dma_wait3A_835, %dma_wait3A_836] : memref<64x128xf32, #tpu.memory_space<vmem_shared>> -> memref<64x128xf32, #tpu.memory_space<vmem_shared>>
      tpu.wait_indirect_dma semaphore(%arg20 : memref<!tpu.dma_semaphore, #tpu.memory_space<semaphore_mem>>) src(%dma_wait3A_831 : memref<80x128xf32, #tpu.memory_space<vmem>>) dst(%dma_wait3A_837 : memref<64x128xf32, #tpu.memory_space<vmem_shared>>)
      %mul3A_838 = arith.constant 80 : i32
      %mul3A_839 = arith.muli %add3A_790, %mul3A_838 : i32
      %add3A_840 = arith.constant 0 : i32
      %add3A_841 = arith.addi %mul3A_839, %add3A_840 : i32
      %get3A_842 = arith.index_cast %add3A_841 : i32 to index
      %get3A_843 = tpu.vector_load %arg7[%get3A_842] {strides = array<i32>} : memref<5600xi32, #tpu.memory_space<vmem>>, vector<16xi32>,
      %get3A_844 = vector.shape_cast %get3A_843 : vector<16xi32> to vector<16xi32>
      %add3A_845 = vector.broadcast %mul3A_6 : i32 to vector<16xi32>
      %add3A_846 = arith.addi %get3A_844, %add3A_845 : vector<16xi32>
      %swap3A_847 = arith.constant 3 : i32
      %swap3A_848 = arith.index_cast %swap3A_847 : i32 to index
      %swap3A_849 = arith.constant 0 : index
      %swap3A_850 = tpu.vector_load %arg8[%swap3A_848, %swap3A_849] {strides = array<i32>} : memref<5x80xi32, #tpu.memory_space<vmem>>, vector<1x16xi32>,
      %swap3A_851 = vector.shape_cast %swap3A_850 : vector<1x16xi32> to vector<16xi32>
      %swap3A_852 = vector.shape_cast %add3A_846 : vector<16xi32> to vector<1x16xi32>
      tpu.vector_store %arg8[%swap3A_848, %swap3A_849], %swap3A_852 {strides = array<i32>} : memref<5x80xi32, #tpu.memory_space<vmem>>, vector<1x16xi32>,
      %mul3A_853 = arith.constant 80 : i32
      %mul3A_854 = arith.muli %add3A_790, %mul3A_853 : i32
      %add3A_855 = arith.constant 16 : i32
      %add3A_856 = arith.addi %mul3A_854, %add3A_855 : i32
      %get3A_857 = arith.index_cast %add3A_856 : i32 to index
      %get3A_858 = tpu.vector_load %arg7[%get3A_857] {strides = array<i32>} : memref<5600xi32, #tpu.memory_space<vmem>>, vector<16xi32>,
      %get3A_859 = vector.shape_cast %get3A_858 : vector<16xi32> to vector<16xi32>
      %add3A_860 = vector.broadcast %mul3A_6 : i32 to vector<16xi32>
      %add3A_861 = arith.addi %get3A_859, %add3A_860 : vector<16xi32>
      %swap3A_862 = arith.constant 3 : i32
      %swap3A_863 = arith.index_cast %swap3A_862 : i32 to index
      %swap3A_864 = arith.constant 16 : index
      %swap3A_865 = tpu.vector_load %arg8[%swap3A_863, %swap3A_864] {strides = array<i32>} : memref<5x80xi32, #tpu.memory_space<vmem>>, vector<1x16xi32>,
      %swap3A_866 = vector.shape_cast %swap3A_865 : vector<1x16xi32> to vector<16xi32>
      %swap3A_867 = vector.shape_cast %add3A_861 : vector<16xi32> to vector<1x16xi32>
      tpu.vector_store %arg8[%swap3A_863, %swap3A_864], %swap3A_867 {strides = array<i32>} : memref<5x80xi32, #tpu.memory_space<vmem>>, vector<1x16xi32>,
      %mul3A_868 = arith.constant 80 : i32
      %mul3A_869 = arith.muli %add3A_790, %mul3A_868 : i32
      %add3A_870 = arith.constant 32 : i32
      %add3A_871 = arith.addi %mul3A_869, %add3A_870 : i32
      %get3A_872 = arith.index_cast %add3A_871 : i32 to index
      %get3A_873 = tpu.vector_load %arg7[%get3A_872] {strides = array<i32>} : memref<5600xi32, #tpu.memory_space<vmem>>, vector<16xi32>,
      %get3A_874 = vector.shape_cast %get3A_873 : vector<16xi32> to vector<16xi32>
      %add3A_875 = vector.broadcast %mul3A_6 : i32 to vector<16xi32>
      %add3A_876 = arith.addi %get3A_874, %add3A_875 : vector<16xi32>
      %swap3A_877 = arith.constant 3 : i32
      %swap3A_878 = arith.index_cast %swap3A_877 : i32 to index
      %swap3A_879 = arith.constant 32 : index
      %swap3A_880 = tpu.vector_load %arg8[%swap3A_878, %swap3A_879] {strides = array<i32>} : memref<5x80xi32, #tpu.memory_space<vmem>>, vector<1x16xi32>,
      %swap3A_881 = vector.shape_cast %swap3A_880 : vector<1x16xi32> to vector<16xi32>
      %swap3A_882 = vector.shape_cast %add3A_876 : vector<16xi32> to vector<1x16xi32>
      tpu.vector_store %arg8[%swap3A_878, %swap3A_879], %swap3A_882 {strides = array<i32>} : memref<5x80xi32, #tpu.memory_space<vmem>>, vector<1x16xi32>,
      %mul3A_883 = arith.constant 80 : i32
      %mul3A_884 = arith.muli %add3A_790, %mul3A_883 : i32
      %add3A_885 = arith.constant 48 : i32
      %add3A_886 = arith.addi %mul3A_884, %add3A_885 : i32
      %get3A_887 = arith.index_cast %add3A_886 : i32 to index
      %get3A_888 = tpu.vector_load %arg7[%get3A_887] {strides = array<i32>} : memref<5600xi32, #tpu.memory_space<vmem>>, vector<16xi32>,
      %get3A_889 = vector.shape_cast %get3A_888 : vector<16xi32> to vector<16xi32>
      %add3A_890 = vector.broadcast %mul3A_6 : i32 to vector<16xi32>
      %add3A_891 = arith.addi %get3A_889, %add3A_890 : vector<16xi32>
      %swap3A_892 = arith.constant 3 : i32
      %swap3A_893 = arith.index_cast %swap3A_892 : i32 to index
      %swap3A_894 = arith.constant 48 : index
      %swap3A_895 = tpu.vector_load %arg8[%swap3A_893, %swap3A_894] {strides = array<i32>} : memref<5x80xi32, #tpu.memory_space<vmem>>, vector<1x16xi32>,
      %swap3A_896 = vector.shape_cast %swap3A_895 : vector<1x16xi32> to vector<16xi32>
      %swap3A_897 = vector.shape_cast %add3A_891 : vector<16xi32> to vector<1x16xi32>
      tpu.vector_store %arg8[%swap3A_893, %swap3A_894], %swap3A_897 {strides = array<i32>} : memref<5x80xi32, #tpu.memory_space<vmem>>, vector<1x16xi32>,
      %mul3A_898 = arith.constant 80 : i32
      %mul3A_899 = arith.muli %add3A_790, %mul3A_898 : i32
      %add3A_900 = arith.constant 64 : i32
      %add3A_901 = arith.addi %mul3A_899, %add3A_900 : i32
      %get3A_902 = arith.index_cast %add3A_901 : i32 to index
      %get3A_903 = tpu.vector_load %arg7[%get3A_902] {strides = array<i32>} : memref<5600xi32, #tpu.memory_space<vmem>>, vector<16xi32>,
      %get3A_904 = vector.shape_cast %get3A_903 : vector<16xi32> to vector<16xi32>
      %add3A_905 = vector.broadcast %mul3A_6 : i32 to vector<16xi32>
      %add3A_906 = arith.addi %get3A_904, %add3A_905 : vector<16xi32>
      %swap3A_907 = arith.constant 3 : i32
      %swap3A_908 = arith.index_cast %swap3A_907 : i32 to index
      %swap3A_909 = arith.constant 64 : index
      %swap3A_910 = tpu.vector_load %arg8[%swap3A_908, %swap3A_909] {strides = array<i32>} : memref<5x80xi32, #tpu.memory_space<vmem>>, vector<1x16xi32>,
      %swap3A_911 = vector.shape_cast %swap3A_910 : vector<1x16xi32> to vector<16xi32>
      %swap3A_912 = vector.shape_cast %add3A_906 : vector<16xi32> to vector<1x16xi32>
      tpu.vector_store %arg8[%swap3A_908, %swap3A_909], %swap3A_912 {strides = array<i32>} : memref<5x80xi32, #tpu.memory_space<vmem>>, vector<1x16xi32>,
      %dma_start3A_913 = arith.constant 3 : i32
      %dma_start3A_914 = arith.constant 3 : i32
      %dma_start3A_915 = arith.constant 0 : i32
      %dma_start3A_916 = arith.constant 0 : i32
      %dma_start3A_917 = tpu.memref_slice %arg6[%dma_start3A_913, %dma_start3A_915, %dma_start3A_916] : memref<5x80x128xf32, #tpu.memory_space<vmem>> -> memref<1x80x128xf32, #tpu.memory_space<vmem>>
      %dma_start3A_918 = tpu.memref_squeeze %dma_start3A_917 : memref<1x80x128xf32, #tpu.memory_space<vmem>> -> memref<80x128xf32, #tpu.memory_space<vmem>>
      %dma_start3A_919 = arith.constant 0 : i32
      %dma_start3A_920 = tpu.memref_slice %arg8[%dma_start3A_914, %dma_start3A_919] : memref<5x80xi32, #tpu.memory_space<vmem>> -> memref<1x80xi32, #tpu.memory_space<vmem>>
      %dma_start3A_921 = tpu.memref_squeeze %dma_start3A_920 : memref<1x80xi32, #tpu.memory_space<vmem>> -> memref<80xi32, #tpu.memory_space<vmem>>
      %dma_start3A_922 = arith.constant 0 : i32
      %dma_start3A_923 = arith.constant 0 : i32
      %dma_start3A_924 = tpu.memref_slice %arg11[%dma_start3A_922, %dma_start3A_923] : memref<64x128xf32, #tpu.memory_space<vmem_shared>> -> memref<64x128xf32, #tpu.memory_space<vmem_shared>>
      tpu.enqueue_indirect_dma source(%dma_start3A_918 : memref<80x128xf32, #tpu.memory_space<vmem>>) target(%dma_start3A_924 : memref<64x128xf32, #tpu.memory_space<vmem_shared>>) offsets(%dma_start3A_921 : memref<80xi32, #tpu.memory_space<vmem>>) semaphore(%arg21 : memref<!tpu.dma_semaphore, #tpu.memory_space<semaphore_mem>>) {add = true}
      %mul3A_925 = arith.constant 5 : i32
      %mul3A_926 = arith.muli %scan3A_784, %mul3A_925 : i32
      %add3A_927 = arith.constant 3 : i32
      %add3A_928 = arith.addi %add3A_927, %mul3A_926 : i32
      %add3A_929 = arith.constant 1 : i32
      %add3A_930 = arith.addi %add3A_928, %add3A_929 : i32
      %add3A_931 = arith.constant 1 : i32
      %add3A_932 = arith.addi %add3A_930, %add3A_931 : i32
      %mul3A_933 = arith.constant 80 : i32
      %mul3A_934 = arith.muli %add3A_932, %mul3A_933 : i32
      %add3A_935 = arith.addi %add3A_4, %mul3A_934 : i32
      %dma_start3A_936 = arith.constant 0 : i32
      %dma_start3A_937 = arith.constant 0 : i32
      %dma_start3A_938 = arith.constant 0 : i32
      %dma_start3A_939 = tpu.memref_slice %arg6[%dma_start3A_936, %dma_start3A_937, %dma_start3A_938] : memref<5x80x128xf32, #tpu.memory_space<vmem>> -> memref<1x80x128xf32, #tpu.memory_space<vmem>>
      %dma_start3A_940 = tpu.memref_squeeze %dma_start3A_939 : memref<1x80x128xf32, #tpu.memory_space<vmem>> -> memref<80x128xf32, #tpu.memory_space<vmem>>
      %dma_start3A_941 = arith.constant 0 : i32
      %dma_start3A_942 = tpu.memref_slice %arg2[%add3A_935, %dma_start3A_941] : memref<320000x128xf32, #tpu.memory_space<hbm>> -> memref<80x128xf32, #tpu.memory_space<hbm>>
      %dma_start3A_943 = arith.constant 0 : i32
      %dma_start3A_944 = arith.constant 0 : i32
      %dma_start3A_945 = tpu.memref_slice %arg6[%dma_start3A_936, %dma_start3A_943, %dma_start3A_944] : memref<5x80x128xf32, #tpu.memory_space<vmem>> -> memref<1x80x128xf32, #tpu.memory_space<vmem>>
      %dma_start3A_946 = tpu.memref_squeeze %dma_start3A_945 : memref<1x80x128xf32, #tpu.memory_space<vmem>> -> memref<80x128xf32, #tpu.memory_space<vmem>>
      %dma_start3A_947 = arith.constant 0 : i32
      %dma_start3A_948 = tpu.memref_slice %arg2[%add3A_935, %dma_start3A_947] : memref<320000x128xf32, #tpu.memory_space<hbm>> -> memref<80x128xf32, #tpu.memory_space<hbm>>
      tpu.enqueue_dma source(%dma_start3A_948 : memref<80x128xf32, #tpu.memory_space<hbm>>) target(%dma_start3A_946 : memref<80x128xf32, #tpu.memory_space<vmem>>) target_semaphore(%arg13 : memref<!tpu.dma_semaphore, #tpu.memory_space<semaphore_mem>>)
      %mul3A_949 = arith.constant 80 : i32
      %mul3A_950 = arith.muli %add3A_930, %mul3A_949 : i32
      %add3A_951 = arith.addi %add3A_4, %mul3A_950 : i32
      %dma_wait3A_952 = arith.constant 4 : i32
      %dma_wait3A_953 = arith.constant 0 : i32
      %dma_wait3A_954 = arith.constant 0 : i32
      %dma_wait3A_955 = tpu.memref_slice %arg6[%dma_wait3A_952, %dma_wait3A_953, %dma_wait3A_954] : memref<5x80x128xf32, #tpu.memory_space<vmem>> -> memref<1x80x128xf32, #tpu.memory_space<vmem>>
      %dma_wait3A_956 = tpu.memref_squeeze %dma_wait3A_955 : memref<1x80x128xf32, #tpu.memory_space<vmem>> -> memref<80x128xf32, #tpu.memory_space<vmem>>
      %dma_wait3A_957 = arith.constant 0 : i32
      %dma_wait3A_958 = tpu.memref_slice %arg2[%add3A_951, %dma_wait3A_957] : memref<320000x128xf32, #tpu.memory_space<hbm>> -> memref<80x128xf32, #tpu.memory_space<hbm>>
      %dma_wait3A_959 = arith.constant 0 : i32
      %dma_wait3A_960 = arith.constant 0 : i32
      %dma_wait3A_961 = tpu.memref_slice %arg6[%dma_wait3A_952, %dma_wait3A_959, %dma_wait3A_960] : memref<5x80x128xf32, #tpu.memory_space<vmem>> -> memref<1x80x128xf32, #tpu.memory_space<vmem>>
      %dma_wait3A_962 = tpu.memref_squeeze %dma_wait3A_961 : memref<1x80x128xf32, #tpu.memory_space<vmem>> -> memref<80x128xf32, #tpu.memory_space<vmem>>
      %dma_wait3A_963 = arith.constant 0 : i32
      %dma_wait3A_964 = tpu.memref_slice %arg2[%add3A_951, %dma_wait3A_963] : memref<320000x128xf32, #tpu.memory_space<hbm>> -> memref<80x128xf32, #tpu.memory_space<hbm>>
      tpu.wait_dma2 semaphore(%arg17 : memref<!tpu.dma_semaphore, #tpu.memory_space<semaphore_mem>>) src(%dma_wait3A_964 : memref<80x128xf32, #tpu.memory_space<hbm>>) dst(%dma_wait3A_962 : memref<80x128xf32, #tpu.memory_space<vmem>>)
      %sub3A_965 = arith.constant 1 : i32
      %sub3A_966 = arith.subi %add3A_930, %sub3A_965 : i32
      %dma_wait3A_967 = arith.constant 3 : i32
      %dma_wait3A_968 = arith.constant 3 : i32
      %dma_wait3A_969 = arith.constant 0 : i32
      %dma_wait3A_970 = arith.constant 0 : i32
      %dma_wait3A_971 = tpu.memref_slice %arg6[%dma_wait3A_967, %dma_wait3A_969, %dma_wait3A_970] : memref<5x80x128xf32, #tpu.memory_space<vmem>> -> memref<1x80x128xf32, #tpu.memory_space<vmem>>
      %dma_wait3A_972 = tpu.memref_squeeze %dma_wait3A_971 : memref<1x80x128xf32, #tpu.memory_space<vmem>> -> memref<80x128xf32, #tpu.memory_space<vmem>>
      %dma_wait3A_973 = arith.constant 0 : i32
      %dma_wait3A_974 = tpu.memref_slice %arg8[%dma_wait3A_968, %dma_wait3A_973] : memref<5x80xi32, #tpu.memory_space<vmem>> -> memref<1x80xi32, #tpu.memory_space<vmem>>
      %dma_wait3A_975 = tpu.memref_squeeze %dma_wait3A_974 : memref<1x80xi32, #tpu.memory_space<vmem>> -> memref<80xi32, #tpu.memory_space<vmem>>
      %dma_wait3A_976 = arith.constant 0 : i32
      %dma_wait3A_977 = arith.constant 0 : i32
      %dma_wait3A_978 = tpu.memref_slice %arg11[%dma_wait3A_976, %dma_wait3A_977] : memref<64x128xf32, #tpu.memory_space<vmem_shared>> -> memref<64x128xf32, #tpu.memory_space<vmem_shared>>
      tpu.wait_indirect_dma semaphore(%arg21 : memref<!tpu.dma_semaphore, #tpu.memory_space<semaphore_mem>>) src(%dma_wait3A_972 : memref<80x128xf32, #tpu.memory_space<vmem>>) dst(%dma_wait3A_978 : memref<64x128xf32, #tpu.memory_space<vmem_shared>>)
      %mul3A_979 = arith.constant 80 : i32
      %mul3A_980 = arith.muli %add3A_930, %mul3A_979 : i32
      %add3A_981 = arith.constant 0 : i32
      %add3A_982 = arith.addi %mul3A_980, %add3A_981 : i32
      %get3A_983 = arith.index_cast %add3A_982 : i32 to index
      %get3A_984 = tpu.vector_load %arg7[%get3A_983] {strides = array<i32>} : memref<5600xi32, #tpu.memory_space<vmem>>, vector<16xi32>,
      %get3A_985 = vector.shape_cast %get3A_984 : vector<16xi32> to vector<16xi32>
      %add3A_986 = vector.broadcast %mul3A_6 : i32 to vector<16xi32>
      %add3A_987 = arith.addi %get3A_985, %add3A_986 : vector<16xi32>
      %swap3A_988 = arith.constant 4 : i32
      %swap3A_989 = arith.index_cast %swap3A_988 : i32 to index
      %swap3A_990 = arith.constant 0 : index
      %swap3A_991 = tpu.vector_load %arg8[%swap3A_989, %swap3A_990] {strides = array<i32>} : memref<5x80xi32, #tpu.memory_space<vmem>>, vector<1x16xi32>,
      %swap3A_992 = vector.shape_cast %swap3A_991 : vector<1x16xi32> to vector<16xi32>
      %swap3A_993 = vector.shape_cast %add3A_987 : vector<16xi32> to vector<1x16xi32>
      tpu.vector_store %arg8[%swap3A_989, %swap3A_990], %swap3A_993 {strides = array<i32>} : memref<5x80xi32, #tpu.memory_space<vmem>>, vector<1x16xi32>,
      %mul3A_994 = arith.constant 80 : i32
      %mul3A_995 = arith.muli %add3A_930, %mul3A_994 : i32
      %add3A_996 = arith.constant 16 : i32
      %add3A_997 = arith.addi %mul3A_995, %add3A_996 : i32
      %get3A_998 = arith.index_cast %add3A_997 : i32 to index
      %get3A_999 = tpu.vector_load %arg7[%get3A_998] {strides = array<i32>} : memref<5600xi32, #tpu.memory_space<vmem>>, vector<16xi32>,
      %get3A_1000 = vector.shape_cast %get3A_999 : vector<16xi32> to vector<16xi32>
      %add3A_1001 = vector.broadcast %mul3A_6 : i32 to vector<16xi32>
      %add3A_1002 = arith.addi %get3A_1000, %add3A_1001 : vector<16xi32>
      %swap3A_1003 = arith.constant 4 : i32
      %swap3A_1004 = arith.index_cast %swap3A_1003 : i32 to index
      %swap3A_1005 = arith.constant 16 : index
      %swap3A_1006 = tpu.vector_load %arg8[%swap3A_1004, %swap3A_1005] {strides = array<i32>} : memref<5x80xi32, #tpu.memory_space<vmem>>, vector<1x16xi32>,
      %swap3A_1007 = vector.shape_cast %swap3A_1006 : vector<1x16xi32> to vector<16xi32>
      %swap3A_1008 = vector.shape_cast %add3A_1002 : vector<16xi32> to vector<1x16xi32>
      tpu.vector_store %arg8[%swap3A_1004, %swap3A_1005], %swap3A_1008 {strides = array<i32>} : memref<5x80xi32, #tpu.memory_space<vmem>>, vector<1x16xi32>,
      %mul3A_1009 = arith.constant 80 : i32
      %mul3A_1010 = arith.muli %add3A_930, %mul3A_1009 : i32
      %add3A_1011 = arith.constant 32 : i32
      %add3A_1012 = arith.addi %mul3A_1010, %add3A_1011 : i32
      %get3A_1013 = arith.index_cast %add3A_1012 : i32 to index
      %get3A_1014 = tpu.vector_load %arg7[%get3A_1013] {strides = array<i32>} : memref<5600xi32, #tpu.memory_space<vmem>>, vector<16xi32>,
      %get3A_1015 = vector.shape_cast %get3A_1014 : vector<16xi32> to vector<16xi32>
      %add3A_1016 = vector.broadcast %mul3A_6 : i32 to vector<16xi32>
      %add3A_1017 = arith.addi %get3A_1015, %add3A_1016 : vector<16xi32>
      %swap3A_1018 = arith.constant 4 : i32
      %swap3A_1019 = arith.index_cast %swap3A_1018 : i32 to index
      %swap3A_1020 = arith.constant 32 : index
      %swap3A_1021 = tpu.vector_load %arg8[%swap3A_1019, %swap3A_1020] {strides = array<i32>} : memref<5x80xi32, #tpu.memory_space<vmem>>, vector<1x16xi32>,
      %swap3A_1022 = vector.shape_cast %swap3A_1021 : vector<1x16xi32> to vector<16xi32>
      %swap3A_1023 = vector.shape_cast %add3A_1017 : vector<16xi32> to vector<1x16xi32>
      tpu.vector_store %arg8[%swap3A_1019, %swap3A_1020], %swap3A_1023 {strides = array<i32>} : memref<5x80xi32, #tpu.memory_space<vmem>>, vector<1x16xi32>,
      %mul3A_1024 = arith.constant 80 : i32
      %mul3A_1025 = arith.muli %add3A_930, %mul3A_1024 : i32
      %add3A_1026 = arith.constant 48 : i32
      %add3A_1027 = arith.addi %mul3A_1025, %add3A_1026 : i32
      %get3A_1028 = arith.index_cast %add3A_1027 : i32 to index
      %get3A_1029 = tpu.vector_load %arg7[%get3A_1028] {strides = array<i32>} : memref<5600xi32, #tpu.memory_space<vmem>>, vector<16xi32>,
      %get3A_1030 = vector.shape_cast %get3A_1029 : vector<16xi32> to vector<16xi32>
      %add3A_1031 = vector.broadcast %mul3A_6 : i32 to vector<16xi32>
      %add3A_1032 = arith.addi %get3A_1030, %add3A_1031 : vector<16xi32>
      %swap3A_1033 = arith.constant 4 : i32
      %swap3A_1034 = arith.index_cast %swap3A_1033 : i32 to index
      %swap3A_1035 = arith.constant 48 : index
      %swap3A_1036 = tpu.vector_load %arg8[%swap3A_1034, %swap3A_1035] {strides = array<i32>} : memref<5x80xi32, #tpu.memory_space<vmem>>, vector<1x16xi32>,
      %swap3A_1037 = vector.shape_cast %swap3A_1036 : vector<1x16xi32> to vector<16xi32>
      %swap3A_1038 = vector.shape_cast %add3A_1032 : vector<16xi32> to vector<1x16xi32>
      tpu.vector_store %arg8[%swap3A_1034, %swap3A_1035], %swap3A_1038 {strides = array<i32>} : memref<5x80xi32, #tpu.memory_space<vmem>>, vector<1x16xi32>,
      %mul3A_1039 = arith.constant 80 : i32
      %mul3A_1040 = arith.muli %add3A_930, %mul3A_1039 : i32
      %add3A_1041 = arith.constant 64 : i32
      %add3A_1042 = arith.addi %mul3A_1040, %add3A_1041 : i32
      %get3A_1043 = arith.index_cast %add3A_1042 : i32 to index
      %get3A_1044 = tpu.vector_load %arg7[%get3A_1043] {strides = array<i32>} : memref<5600xi32, #tpu.memory_space<vmem>>, vector<16xi32>,
      %get3A_1045 = vector.shape_cast %get3A_1044 : vector<16xi32> to vector<16xi32>
      %add3A_1046 = vector.broadcast %mul3A_6 : i32 to vector<16xi32>
      %add3A_1047 = arith.addi %get3A_1045, %add3A_1046 : vector<16xi32>
      %swap3A_1048 = arith.constant 4 : i32
      %swap3A_1049 = arith.index_cast %swap3A_1048 : i32 to index
      %swap3A_1050 = arith.constant 64 : index
      %swap3A_1051 = tpu.vector_load %arg8[%swap3A_1049, %swap3A_1050] {strides = array<i32>} : memref<5x80xi32, #tpu.memory_space<vmem>>, vector<1x16xi32>,
      %swap3A_1052 = vector.shape_cast %swap3A_1051 : vector<1x16xi32> to vector<16xi32>
      %swap3A_1053 = vector.shape_cast %add3A_1047 : vector<16xi32> to vector<1x16xi32>
      tpu.vector_store %arg8[%swap3A_1049, %swap3A_1050], %swap3A_1053 {strides = array<i32>} : memref<5x80xi32, #tpu.memory_space<vmem>>, vector<1x16xi32>,
      %dma_start3A_1054 = arith.constant 4 : i32
      %dma_start3A_1055 = arith.constant 4 : i32
      %dma_start3A_1056 = arith.constant 0 : i32
      %dma_start3A_1057 = arith.constant 0 : i32
      %dma_start3A_1058 = tpu.memref_slice %arg6[%dma_start3A_1054, %dma_start3A_1056, %dma_start3A_1057] : memref<5x80x128xf32, #tpu.memory_space<vmem>> -> memref<1x80x128xf32, #tpu.memory_space<vmem>>
      %dma_start3A_1059 = tpu.memref_squeeze %dma_start3A_1058 : memref<1x80x128xf32, #tpu.memory_space<vmem>> -> memref<80x128xf32, #tpu.memory_space<vmem>>
      %dma_start3A_1060 = arith.constant 0 : i32
      %dma_start3A_1061 = tpu.memref_slice %arg8[%dma_start3A_1055, %dma_start3A_1060] : memref<5x80xi32, #tpu.memory_space<vmem>> -> memref<1x80xi32, #tpu.memory_space<vmem>>
      %dma_start3A_1062 = tpu.memref_squeeze %dma_start3A_1061 : memref<1x80xi32, #tpu.memory_space<vmem>> -> memref<80xi32, #tpu.memory_space<vmem>>
      %dma_start3A_1063 = arith.constant 0 : i32
      %dma_start3A_1064 = arith.constant 0 : i32
      %dma_start3A_1065 = tpu.memref_slice %arg11[%dma_start3A_1063, %dma_start3A_1064] : memref<64x128xf32, #tpu.memory_space<vmem_shared>> -> memref<64x128xf32, #tpu.memory_space<vmem_shared>>
      tpu.enqueue_indirect_dma source(%dma_start3A_1059 : memref<80x128xf32, #tpu.memory_space<vmem>>) target(%dma_start3A_1065 : memref<64x128xf32, #tpu.memory_space<vmem_shared>>) offsets(%dma_start3A_1062 : memref<80xi32, #tpu.memory_space<vmem>>) semaphore(%arg22 : memref<!tpu.dma_semaphore, #tpu.memory_space<semaphore_mem>>) {add = true}
      %mul3A_1066 = arith.constant 5 : i32
      %mul3A_1067 = arith.muli %scan3A_784, %mul3A_1066 : i32
      %add3A_1068 = arith.constant 3 : i32
      %add3A_1069 = arith.addi %add3A_1068, %mul3A_1067 : i32
      %add3A_1070 = arith.constant 2 : i32
      %add3A_1071 = arith.addi %add3A_1069, %add3A_1070 : i32
      %add3A_1072 = arith.constant 1 : i32
      %add3A_1073 = arith.addi %add3A_1071, %add3A_1072 : i32
      %mul3A_1074 = arith.constant 80 : i32
      %mul3A_1075 = arith.muli %add3A_1073, %mul3A_1074 : i32
      %add3A_1076 = arith.addi %add3A_4, %mul3A_1075 : i32
      %dma_start3A_1077 = arith.constant 1 : i32
      %dma_start3A_1078 = arith.constant 0 : i32
      %dma_start3A_1079 = arith.constant 0 : i32
      %dma_start3A_1080 = tpu.memref_slice %arg6[%dma_start3A_1077, %dma_start3A_1078, %dma_start3A_1079] : memref<5x80x128xf32, #tpu.memory_space<vmem>> -> memref<1x80x128xf32, #tpu.memory_space<vmem>>
      %dma_start3A_1081 = tpu.memref_squeeze %dma_start3A_1080 : memref<1x80x128xf32, #tpu.memory_space<vmem>> -> memref<80x128xf32, #tpu.memory_space<vmem>>
      %dma_start3A_1082 = arith.constant 0 : i32
      %dma_start3A_1083 = tpu.memref_slice %arg2[%add3A_1076, %dma_start3A_1082] : memref<320000x128xf32, #tpu.memory_space<hbm>> -> memref<80x128xf32, #tpu.memory_space<hbm>>
      %dma_start3A_1084 = arith.constant 0 : i32
      %dma_start3A_1085 = arith.constant 0 : i32
      %dma_start3A_1086 = tpu.memref_slice %arg6[%dma_start3A_1077, %dma_start3A_1084, %dma_start3A_1085] : memref<5x80x128xf32, #tpu.memory_space<vmem>> -> memref<1x80x128xf32, #tpu.memory_space<vmem>>
      %dma_start3A_1087 = tpu.memref_squeeze %dma_start3A_1086 : memref<1x80x128xf32, #tpu.memory_space<vmem>> -> memref<80x128xf32, #tpu.memory_space<vmem>>
      %dma_start3A_1088 = arith.constant 0 : i32
      %dma_start3A_1089 = tpu.memref_slice %arg2[%add3A_1076, %dma_start3A_1088] : memref<320000x128xf32, #tpu.memory_space<hbm>> -> memref<80x128xf32, #tpu.memory_space<hbm>>
      tpu.enqueue_dma source(%dma_start3A_1089 : memref<80x128xf32, #tpu.memory_space<hbm>>) target(%dma_start3A_1087 : memref<80x128xf32, #tpu.memory_space<vmem>>) target_semaphore(%arg14 : memref<!tpu.dma_semaphore, #tpu.memory_space<semaphore_mem>>)
      %mul3A_1090 = arith.constant 80 : i32
      %mul3A_1091 = arith.muli %add3A_1071, %mul3A_1090 : i32
      %add3A_1092 = arith.addi %add3A_4, %mul3A_1091 : i32
      %dma_wait3A_1093 = arith.constant 0 : i32
      %dma_wait3A_1094 = arith.constant 0 : i32
      %dma_wait3A_1095 = arith.constant 0 : i32
      %dma_wait3A_1096 = tpu.memref_slice %arg6[%dma_wait3A_1093, %dma_wait3A_1094, %dma_wait3A_1095] : memref<5x80x128xf32, #tpu.memory_space<vmem>> -> memref<1x80x128xf32, #tpu.memory_space<vmem>>
      %dma_wait3A_1097 = tpu.memref_squeeze %dma_wait3A_1096 : memref<1x80x128xf32, #tpu.memory_space<vmem>> -> memref<80x128xf32, #tpu.memory_space<vmem>>
      %dma_wait3A_1098 = arith.constant 0 : i32
      %dma_wait3A_1099 = tpu.memref_slice %arg2[%add3A_1092, %dma_wait3A_1098] : memref<320000x128xf32, #tpu.memory_space<hbm>> -> memref<80x128xf32, #tpu.memory_space<hbm>>
      %dma_wait3A_1100 = arith.constant 0 : i32
      %dma_wait3A_1101 = arith.constant 0 : i32
      %dma_wait3A_1102 = tpu.memref_slice %arg6[%dma_wait3A_1093, %dma_wait3A_1100, %dma_wait3A_1101] : memref<5x80x128xf32, #tpu.memory_space<vmem>> -> memref<1x80x128xf32, #tpu.memory_space<vmem>>
      %dma_wait3A_1103 = tpu.memref_squeeze %dma_wait3A_1102 : memref<1x80x128xf32, #tpu.memory_space<vmem>> -> memref<80x128xf32, #tpu.memory_space<vmem>>
      %dma_wait3A_1104 = arith.constant 0 : i32
      %dma_wait3A_1105 = tpu.memref_slice %arg2[%add3A_1092, %dma_wait3A_1104] : memref<320000x128xf32, #tpu.memory_space<hbm>> -> memref<80x128xf32, #tpu.memory_space<hbm>>
      tpu.wait_dma2 semaphore(%arg13 : memref<!tpu.dma_semaphore, #tpu.memory_space<semaphore_mem>>) src(%dma_wait3A_1105 : memref<80x128xf32, #tpu.memory_space<hbm>>) dst(%dma_wait3A_1103 : memref<80x128xf32, #tpu.memory_space<vmem>>)
      %sub3A_1106 = arith.constant 1 : i32
      %sub3A_1107 = arith.subi %add3A_1071, %sub3A_1106 : i32
      %dma_wait3A_1108 = arith.constant 4 : i32
      %dma_wait3A_1109 = arith.constant 4 : i32
      %dma_wait3A_1110 = arith.constant 0 : i32
      %dma_wait3A_1111 = arith.constant 0 : i32
      %dma_wait3A_1112 = tpu.memref_slice %arg6[%dma_wait3A_1108, %dma_wait3A_1110, %dma_wait3A_1111] : memref<5x80x128xf32, #tpu.memory_space<vmem>> -> memref<1x80x128xf32, #tpu.memory_space<vmem>>
      %dma_wait3A_1113 = tpu.memref_squeeze %dma_wait3A_1112 : memref<1x80x128xf32, #tpu.memory_space<vmem>> -> memref<80x128xf32, #tpu.memory_space<vmem>>
      %dma_wait3A_1114 = arith.constant 0 : i32
      %dma_wait3A_1115 = tpu.memref_slice %arg8[%dma_wait3A_1109, %dma_wait3A_1114] : memref<5x80xi32, #tpu.memory_space<vmem>> -> memref<1x80xi32, #tpu.memory_space<vmem>>
      %dma_wait3A_1116 = tpu.memref_squeeze %dma_wait3A_1115 : memref<1x80xi32, #tpu.memory_space<vmem>> -> memref<80xi32, #tpu.memory_space<vmem>>
      %dma_wait3A_1117 = arith.constant 0 : i32
      %dma_wait3A_1118 = arith.constant 0 : i32
      %dma_wait3A_1119 = tpu.memref_slice %arg11[%dma_wait3A_1117, %dma_wait3A_1118] : memref<64x128xf32, #tpu.memory_space<vmem_shared>> -> memref<64x128xf32, #tpu.memory_space<vmem_shared>>
      tpu.wait_indirect_dma semaphore(%arg22 : memref<!tpu.dma_semaphore, #tpu.memory_space<semaphore_mem>>) src(%dma_wait3A_1113 : memref<80x128xf32, #tpu.memory_space<vmem>>) dst(%dma_wait3A_1119 : memref<64x128xf32, #tpu.memory_space<vmem_shared>>)
      %mul3A_1120 = arith.constant 80 : i32
      %mul3A_1121 = arith.muli %add3A_1071, %mul3A_1120 : i32
      %add3A_1122 = arith.constant 0 : i32
      %add3A_1123 = arith.addi %mul3A_1121, %add3A_1122 : i32
      %get3A_1124 = arith.index_cast %add3A_1123 : i32 to index
      %get3A_1125 = tpu.vector_load %arg7[%get3A_1124] {strides = array<i32>} : memref<5600xi32, #tpu.memory_space<vmem>>, vector<16xi32>,
      %get3A_1126 = vector.shape_cast %get3A_1125 : vector<16xi32> to vector<16xi32>
      %add3A_1127 = vector.broadcast %mul3A_6 : i32 to vector<16xi32>
      %add3A_1128 = arith.addi %get3A_1126, %add3A_1127 : vector<16xi32>
      %swap3A_1129 = arith.constant 0 : i32
      %swap3A_1130 = arith.index_cast %swap3A_1129 : i32 to index
      %swap3A_1131 = arith.constant 0 : index
      %swap3A_1132 = tpu.vector_load %arg8[%swap3A_1130, %swap3A_1131] {strides = array<i32>} : memref<5x80xi32, #tpu.memory_space<vmem>>, vector<1x16xi32>,
      %swap3A_1133 = vector.shape_cast %swap3A_1132 : vector<1x16xi32> to vector<16xi32>
      %swap3A_1134 = vector.shape_cast %add3A_1128 : vector<16xi32> to vector<1x16xi32>
      tpu.vector_store %arg8[%swap3A_1130, %swap3A_1131], %swap3A_1134 {strides = array<i32>} : memref<5x80xi32, #tpu.memory_space<vmem>>, vector<1x16xi32>,
      %mul3A_1135 = arith.constant 80 : i32
      %mul3A_1136 = arith.muli %add3A_1071, %mul3A_1135 : i32
      %add3A_1137 = arith.constant 16 : i32
      %add3A_1138 = arith.addi %mul3A_1136, %add3A_1137 : i32
      %get3A_1139 = arith.index_cast %add3A_1138 : i32 to index
      %get3A_1140 = tpu.vector_load %arg7[%get3A_1139] {strides = array<i32>} : memref<5600xi32, #tpu.memory_space<vmem>>, vector<16xi32>,
      %get3A_1141 = vector.shape_cast %get3A_1140 : vector<16xi32> to vector<16xi32>
      %add3A_1142 = vector.broadcast %mul3A_6 : i32 to vector<16xi32>
      %add3A_1143 = arith.addi %get3A_1141, %add3A_1142 : vector<16xi32>
      %swap3A_1144 = arith.constant 0 : i32
      %swap3A_1145 = arith.index_cast %swap3A_1144 : i32 to index
      %swap3A_1146 = arith.constant 16 : index
      %swap3A_1147 = tpu.vector_load %arg8[%swap3A_1145, %swap3A_1146] {strides = array<i32>} : memref<5x80xi32, #tpu.memory_space<vmem>>, vector<1x16xi32>,
      %swap3A_1148 = vector.shape_cast %swap3A_1147 : vector<1x16xi32> to vector<16xi32>
      %swap3A_1149 = vector.shape_cast %add3A_1143 : vector<16xi32> to vector<1x16xi32>
      tpu.vector_store %arg8[%swap3A_1145, %swap3A_1146], %swap3A_1149 {strides = array<i32>} : memref<5x80xi32, #tpu.memory_space<vmem>>, vector<1x16xi32>,
      %mul3A_1150 = arith.constant 80 : i32
      %mul3A_1151 = arith.muli %add3A_1071, %mul3A_1150 : i32
      %add3A_1152 = arith.constant 32 : i32
      %add3A_1153 = arith.addi %mul3A_1151, %add3A_1152 : i32
      %get3A_1154 = arith.index_cast %add3A_1153 : i32 to index
      %get3A_1155 = tpu.vector_load %arg7[%get3A_1154] {strides = array<i32>} : memref<5600xi32, #tpu.memory_space<vmem>>, vector<16xi32>,
      %get3A_1156 = vector.shape_cast %get3A_1155 : vector<16xi32> to vector<16xi32>
      %add3A_1157 = vector.broadcast %mul3A_6 : i32 to vector<16xi32>
      %add3A_1158 = arith.addi %get3A_1156, %add3A_1157 : vector<16xi32>
      %swap3A_1159 = arith.constant 0 : i32
      %swap3A_1160 = arith.index_cast %swap3A_1159 : i32 to index
      %swap3A_1161 = arith.constant 32 : index
      %swap3A_1162 = tpu.vector_load %arg8[%swap3A_1160, %swap3A_1161] {strides = array<i32>} : memref<5x80xi32, #tpu.memory_space<vmem>>, vector<1x16xi32>,
      %swap3A_1163 = vector.shape_cast %swap3A_1162 : vector<1x16xi32> to vector<16xi32>
      %swap3A_1164 = vector.shape_cast %add3A_1158 : vector<16xi32> to vector<1x16xi32>
      tpu.vector_store %arg8[%swap3A_1160, %swap3A_1161], %swap3A_1164 {strides = array<i32>} : memref<5x80xi32, #tpu.memory_space<vmem>>, vector<1x16xi32>,
      %mul3A_1165 = arith.constant 80 : i32
      %mul3A_1166 = arith.muli %add3A_1071, %mul3A_1165 : i32
      %add3A_1167 = arith.constant 48 : i32
      %add3A_1168 = arith.addi %mul3A_1166, %add3A_1167 : i32
      %get3A_1169 = arith.index_cast %add3A_1168 : i32 to index
      %get3A_1170 = tpu.vector_load %arg7[%get3A_1169] {strides = array<i32>} : memref<5600xi32, #tpu.memory_space<vmem>>, vector<16xi32>,
      %get3A_1171 = vector.shape_cast %get3A_1170 : vector<16xi32> to vector<16xi32>
      %add3A_1172 = vector.broadcast %mul3A_6 : i32 to vector<16xi32>
      %add3A_1173 = arith.addi %get3A_1171, %add3A_1172 : vector<16xi32>
      %swap3A_1174 = arith.constant 0 : i32
      %swap3A_1175 = arith.index_cast %swap3A_1174 : i32 to index
      %swap3A_1176 = arith.constant 48 : index
      %swap3A_1177 = tpu.vector_load %arg8[%swap3A_1175, %swap3A_1176] {strides = array<i32>} : memref<5x80xi32, #tpu.memory_space<vmem>>, vector<1x16xi32>,
      %swap3A_1178 = vector.shape_cast %swap3A_1177 : vector<1x16xi32> to vector<16xi32>
      %swap3A_1179 = vector.shape_cast %add3A_1173 : vector<16xi32> to vector<1x16xi32>
      tpu.vector_store %arg8[%swap3A_1175, %swap3A_1176], %swap3A_1179 {strides = array<i32>} : memref<5x80xi32, #tpu.memory_space<vmem>>, vector<1x16xi32>,
      %mul3A_1180 = arith.constant 80 : i32
      %mul3A_1181 = arith.muli %add3A_1071, %mul3A_1180 : i32
      %add3A_1182 = arith.constant 64 : i32
      %add3A_1183 = arith.addi %mul3A_1181, %add3A_1182 : i32
      %get3A_1184 = arith.index_cast %add3A_1183 : i32 to index
      %get3A_1185 = tpu.vector_load %arg7[%get3A_1184] {strides = array<i32>} : memref<5600xi32, #tpu.memory_space<vmem>>, vector<16xi32>,
      %get3A_1186 = vector.shape_cast %get3A_1185 : vector<16xi32> to vector<16xi32>
      %add3A_1187 = vector.broadcast %mul3A_6 : i32 to vector<16xi32>
      %add3A_1188 = arith.addi %get3A_1186, %add3A_1187 : vector<16xi32>
      %swap3A_1189 = arith.constant 0 : i32
      %swap3A_1190 = arith.index_cast %swap3A_1189 : i32 to index
      %swap3A_1191 = arith.constant 64 : index
      %swap3A_1192 = tpu.vector_load %arg8[%swap3A_1190, %swap3A_1191] {strides = array<i32>} : memref<5x80xi32, #tpu.memory_space<vmem>>, vector<1x16xi32>,
      %swap3A_1193 = vector.shape_cast %swap3A_1192 : vector<1x16xi32> to vector<16xi32>
      %swap3A_1194 = vector.shape_cast %add3A_1188 : vector<16xi32> to vector<1x16xi32>
      tpu.vector_store %arg8[%swap3A_1190, %swap3A_1191], %swap3A_1194 {strides = array<i32>} : memref<5x80xi32, #tpu.memory_space<vmem>>, vector<1x16xi32>,
      %dma_start3A_1195 = arith.constant 0 : i32
      %dma_start3A_1196 = arith.constant 0 : i32
      %dma_start3A_1197 = arith.constant 0 : i32
      %dma_start3A_1198 = arith.constant 0 : i32
      %dma_start3A_1199 = tpu.memref_slice %arg6[%dma_start3A_1195, %dma_start3A_1197, %dma_start3A_1198] : memref<5x80x128xf32, #tpu.memory_space<vmem>> -> memref<1x80x128xf32, #tpu.memory_space<vmem>>
      %dma_start3A_1200 = tpu.memref_squeeze %dma_start3A_1199 : memref<1x80x128xf32, #tpu.memory_space<vmem>> -> memref<80x128xf32, #tpu.memory_space<vmem>>
      %dma_start3A_1201 = arith.constant 0 : i32
      %dma_start3A_1202 = tpu.memref_slice %arg8[%dma_start3A_1196, %dma_start3A_1201] : memref<5x80xi32, #tpu.memory_space<vmem>> -> memref<1x80xi32, #tpu.memory_space<vmem>>
      %dma_start3A_1203 = tpu.memref_squeeze %dma_start3A_1202 : memref<1x80xi32, #tpu.memory_space<vmem>> -> memref<80xi32, #tpu.memory_space<vmem>>
      %dma_start3A_1204 = arith.constant 0 : i32
      %dma_start3A_1205 = arith.constant 0 : i32
      %dma_start3A_1206 = tpu.memref_slice %arg11[%dma_start3A_1204, %dma_start3A_1205] : memref<64x128xf32, #tpu.memory_space<vmem_shared>> -> memref<64x128xf32, #tpu.memory_space<vmem_shared>>
      tpu.enqueue_indirect_dma source(%dma_start3A_1200 : memref<80x128xf32, #tpu.memory_space<vmem>>) target(%dma_start3A_1206 : memref<64x128xf32, #tpu.memory_space<vmem_shared>>) offsets(%dma_start3A_1203 : memref<80xi32, #tpu.memory_space<vmem>>) semaphore(%arg18 : memref<!tpu.dma_semaphore, #tpu.memory_space<semaphore_mem>>) {add = true}
      %mul3A_1207 = arith.constant 5 : i32
      %mul3A_1208 = arith.muli %scan3A_784, %mul3A_1207 : i32
      %add3A_1209 = arith.constant 3 : i32
      %add3A_1210 = arith.addi %add3A_1209, %mul3A_1208 : i32
      %add3A_1211 = arith.constant 3 : i32
      %add3A_1212 = arith.addi %add3A_1210, %add3A_1211 : i32
      %add3A_1213 = arith.constant 1 : i32
      %add3A_1214 = arith.addi %add3A_1212, %add3A_1213 : i32
      %mul3A_1215 = arith.constant 80 : i32
      %mul3A_1216 = arith.muli %add3A_1214, %mul3A_1215 : i32
      %add3A_1217 = arith.addi %add3A_4, %mul3A_1216 : i32
      %dma_start3A_1218 = arith.constant 2 : i32
      %dma_start3A_1219 = arith.constant 0 : i32
      %dma_start3A_1220 = arith.constant 0 : i32
      %dma_start3A_1221 = tpu.memref_slice %arg6[%dma_start3A_1218, %dma_start3A_1219, %dma_start3A_1220] : memref<5x80x128xf32, #tpu.memory_space<vmem>> -> memref<1x80x128xf32, #tpu.memory_space<vmem>>
      %dma_start3A_1222 = tpu.memref_squeeze %dma_start3A_1221 : memref<1x80x128xf32, #tpu.memory_space<vmem>> -> memref<80x128xf32, #tpu.memory_space<vmem>>
      %dma_start3A_1223 = arith.constant 0 : i32
      %dma_start3A_1224 = tpu.memref_slice %arg2[%add3A_1217, %dma_start3A_1223] : memref<320000x128xf32, #tpu.memory_space<hbm>> -> memref<80x128xf32, #tpu.memory_space<hbm>>
      %dma_start3A_1225 = arith.constant 0 : i32
      %dma_start3A_1226 = arith.constant 0 : i32
      %dma_start3A_1227 = tpu.memref_slice %arg6[%dma_start3A_1218, %dma_start3A_1225, %dma_start3A_1226] : memref<5x80x128xf32, #tpu.memory_space<vmem>> -> memref<1x80x128xf32, #tpu.memory_space<vmem>>
      %dma_start3A_1228 = tpu.memref_squeeze %dma_start3A_1227 : memref<1x80x128xf32, #tpu.memory_space<vmem>> -> memref<80x128xf32, #tpu.memory_space<vmem>>
      %dma_start3A_1229 = arith.constant 0 : i32
      %dma_start3A_1230 = tpu.memref_slice %arg2[%add3A_1217, %dma_start3A_1229] : memref<320000x128xf32, #tpu.memory_space<hbm>> -> memref<80x128xf32, #tpu.memory_space<hbm>>
      tpu.enqueue_dma source(%dma_start3A_1230 : memref<80x128xf32, #tpu.memory_space<hbm>>) target(%dma_start3A_1228 : memref<80x128xf32, #tpu.memory_space<vmem>>) target_semaphore(%arg15 : memref<!tpu.dma_semaphore, #tpu.memory_space<semaphore_mem>>)
      %mul3A_1231 = arith.constant 80 : i32
      %mul3A_1232 = arith.muli %add3A_1212, %mul3A_1231 : i32
      %add3A_1233 = arith.addi %add3A_4, %mul3A_1232 : i32
      %dma_wait3A_1234 = arith.constant 1 : i32
      %dma_wait3A_1235 = arith.constant 0 : i32
      %dma_wait3A_1236 = arith.constant 0 : i32
      %dma_wait3A_1237 = tpu.memref_slice %arg6[%dma_wait3A_1234, %dma_wait3A_1235, %dma_wait3A_1236] : memref<5x80x128xf32, #tpu.memory_space<vmem>> -> memref<1x80x128xf32, #tpu.memory_space<vmem>>
      %dma_wait3A_1238 = tpu.memref_squeeze %dma_wait3A_1237 : memref<1x80x128xf32, #tpu.memory_space<vmem>> -> memref<80x128xf32, #tpu.memory_space<vmem>>
      %dma_wait3A_1239 = arith.constant 0 : i32
      %dma_wait3A_1240 = tpu.memref_slice %arg2[%add3A_1233, %dma_wait3A_1239] : memref<320000x128xf32, #tpu.memory_space<hbm>> -> memref<80x128xf32, #tpu.memory_space<hbm>>
      %dma_wait3A_1241 = arith.constant 0 : i32
      %dma_wait3A_1242 = arith.constant 0 : i32
      %dma_wait3A_1243 = tpu.memref_slice %arg6[%dma_wait3A_1234, %dma_wait3A_1241, %dma_wait3A_1242] : memref<5x80x128xf32, #tpu.memory_space<vmem>> -> memref<1x80x128xf32, #tpu.memory_space<vmem>>
      %dma_wait3A_1244 = tpu.memref_squeeze %dma_wait3A_1243 : memref<1x80x128xf32, #tpu.memory_space<vmem>> -> memref<80x128xf32, #tpu.memory_space<vmem>>
      %dma_wait3A_1245 = arith.constant 0 : i32
      %dma_wait3A_1246 = tpu.memref_slice %arg2[%add3A_1233, %dma_wait3A_1245] : memref<320000x128xf32, #tpu.memory_space<hbm>> -> memref<80x128xf32, #tpu.memory_space<hbm>>
      tpu.wait_dma2 semaphore(%arg14 : memref<!tpu.dma_semaphore, #tpu.memory_space<semaphore_mem>>) src(%dma_wait3A_1246 : memref<80x128xf32, #tpu.memory_space<hbm>>) dst(%dma_wait3A_1244 : memref<80x128xf32, #tpu.memory_space<vmem>>)
      %sub3A_1247 = arith.constant 1 : i32
      %sub3A_1248 = arith.subi %add3A_1212, %sub3A_1247 : i32
      %dma_wait3A_1249 = arith.constant 0 : i32
      %dma_wait3A_1250 = arith.constant 0 : i32
      %dma_wait3A_1251 = arith.constant 0 : i32
      %dma_wait3A_1252 = arith.constant 0 : i32
      %dma_wait3A_1253 = tpu.memref_slice %arg6[%dma_wait3A_1249, %dma_wait3A_1251, %dma_wait3A_1252] : memref<5x80x128xf32, #tpu.memory_space<vmem>> -> memref<1x80x128xf32, #tpu.memory_space<vmem>>
      %dma_wait3A_1254 = tpu.memref_squeeze %dma_wait3A_1253 : memref<1x80x128xf32, #tpu.memory_space<vmem>> -> memref<80x128xf32, #tpu.memory_space<vmem>>
      %dma_wait3A_1255 = arith.constant 0 : i32
      %dma_wait3A_1256 = tpu.memref_slice %arg8[%dma_wait3A_1250, %dma_wait3A_1255] : memref<5x80xi32, #tpu.memory_space<vmem>> -> memref<1x80xi32, #tpu.memory_space<vmem>>
      %dma_wait3A_1257 = tpu.memref_squeeze %dma_wait3A_1256 : memref<1x80xi32, #tpu.memory_space<vmem>> -> memref<80xi32, #tpu.memory_space<vmem>>
      %dma_wait3A_1258 = arith.constant 0 : i32
      %dma_wait3A_1259 = arith.constant 0 : i32
      %dma_wait3A_1260 = tpu.memref_slice %arg11[%dma_wait3A_1258, %dma_wait3A_1259] : memref<64x128xf32, #tpu.memory_space<vmem_shared>> -> memref<64x128xf32, #tpu.memory_space<vmem_shared>>
      tpu.wait_indirect_dma semaphore(%arg18 : memref<!tpu.dma_semaphore, #tpu.memory_space<semaphore_mem>>) src(%dma_wait3A_1254 : memref<80x128xf32, #tpu.memory_space<vmem>>) dst(%dma_wait3A_1260 : memref<64x128xf32, #tpu.memory_space<vmem_shared>>)
      %mul3A_1261 = arith.constant 80 : i32
      %mul3A_1262 = arith.muli %add3A_1212, %mul3A_1261 : i32
      %add3A_1263 = arith.constant 0 : i32
      %add3A_1264 = arith.addi %mul3A_1262, %add3A_1263 : i32
      %get3A_1265 = arith.index_cast %add3A_1264 : i32 to index
      %get3A_1266 = tpu.vector_load %arg7[%get3A_1265] {strides = array<i32>} : memref<5600xi32, #tpu.memory_space<vmem>>, vector<16xi32>,
      %get3A_1267 = vector.shape_cast %get3A_1266 : vector<16xi32> to vector<16xi32>
      %add3A_1268 = vector.broadcast %mul3A_6 : i32 to vector<16xi32>
      %add3A_1269 = arith.addi %get3A_1267, %add3A_1268 : vector<16xi32>
      %swap3A_1270 = arith.constant 1 : i32
      %swap3A_1271 = arith.index_cast %swap3A_1270 : i32 to index
      %swap3A_1272 = arith.constant 0 : index
      %swap3A_1273 = tpu.vector_load %arg8[%swap3A_1271, %swap3A_1272] {strides = array<i32>} : memref<5x80xi32, #tpu.memory_space<vmem>>, vector<1x16xi32>,
      %swap3A_1274 = vector.shape_cast %swap3A_1273 : vector<1x16xi32> to vector<16xi32>
      %swap3A_1275 = vector.shape_cast %add3A_1269 : vector<16xi32> to vector<1x16xi32>
      tpu.vector_store %arg8[%swap3A_1271, %swap3A_1272], %swap3A_1275 {strides = array<i32>} : memref<5x80xi32, #tpu.memory_space<vmem>>, vector<1x16xi32>,
      %mul3A_1276 = arith.constant 80 : i32
      %mul3A_1277 = arith.muli %add3A_1212, %mul3A_1276 : i32
      %add3A_1278 = arith.constant 16 : i32
      %add3A_1279 = arith.addi %mul3A_1277, %add3A_1278 : i32
      %get3A_1280 = arith.index_cast %add3A_1279 : i32 to index
      %get3A_1281 = tpu.vector_load %arg7[%get3A_1280] {strides = array<i32>} : memref<5600xi32, #tpu.memory_space<vmem>>, vector<16xi32>,
      %get3A_1282 = vector.shape_cast %get3A_1281 : vector<16xi32> to vector<16xi32>
      %add3A_1283 = vector.broadcast %mul3A_6 : i32 to vector<16xi32>
      %add3A_1284 = arith.addi %get3A_1282, %add3A_1283 : vector<16xi32>
      %swap3A_1285 = arith.constant 1 : i32
      %swap3A_1286 = arith.index_cast %swap3A_1285 : i32 to index
      %swap3A_1287 = arith.constant 16 : index
      %swap3A_1288 = tpu.vector_load %arg8[%swap3A_1286, %swap3A_1287] {strides = array<i32>} : memref<5x80xi32, #tpu.memory_space<vmem>>, vector<1x16xi32>,
      %swap3A_1289 = vector.shape_cast %swap3A_1288 : vector<1x16xi32> to vector<16xi32>
      %swap3A_1290 = vector.shape_cast %add3A_1284 : vector<16xi32> to vector<1x16xi32>
      tpu.vector_store %arg8[%swap3A_1286, %swap3A_1287], %swap3A_1290 {strides = array<i32>} : memref<5x80xi32, #tpu.memory_space<vmem>>, vector<1x16xi32>,
      %mul3A_1291 = arith.constant 80 : i32
      %mul3A_1292 = arith.muli %add3A_1212, %mul3A_1291 : i32
      %add3A_1293 = arith.constant 32 : i32
      %add3A_1294 = arith.addi %mul3A_1292, %add3A_1293 : i32
      %get3A_1295 = arith.index_cast %add3A_1294 : i32 to index
      %get3A_1296 = tpu.vector_load %arg7[%get3A_1295] {strides = array<i32>} : memref<5600xi32, #tpu.memory_space<vmem>>, vector<16xi32>,
      %get3A_1297 = vector.shape_cast %get3A_1296 : vector<16xi32> to vector<16xi32>
      %add3A_1298 = vector.broadcast %mul3A_6 : i32 to vector<16xi32>
      %add3A_1299 = arith.addi %get3A_1297, %add3A_1298 : vector<16xi32>
      %swap3A_1300 = arith.constant 1 : i32
      %swap3A_1301 = arith.index_cast %swap3A_1300 : i32 to index
      %swap3A_1302 = arith.constant 32 : index
      %swap3A_1303 = tpu.vector_load %arg8[%swap3A_1301, %swap3A_1302] {strides = array<i32>} : memref<5x80xi32, #tpu.memory_space<vmem>>, vector<1x16xi32>,
      %swap3A_1304 = vector.shape_cast %swap3A_1303 : vector<1x16xi32> to vector<16xi32>
      %swap3A_1305 = vector.shape_cast %add3A_1299 : vector<16xi32> to vector<1x16xi32>
      tpu.vector_store %arg8[%swap3A_1301, %swap3A_1302], %swap3A_1305 {strides = array<i32>} : memref<5x80xi32, #tpu.memory_space<vmem>>, vector<1x16xi32>,
      %mul3A_1306 = arith.constant 80 : i32
      %mul3A_1307 = arith.muli %add3A_1212, %mul3A_1306 : i32
      %add3A_1308 = arith.constant 48 : i32
      %add3A_1309 = arith.addi %mul3A_1307, %add3A_1308 : i32
      %get3A_1310 = arith.index_cast %add3A_1309 : i32 to index
      %get3A_1311 = tpu.vector_load %arg7[%get3A_1310] {strides = array<i32>} : memref<5600xi32, #tpu.memory_space<vmem>>, vector<16xi32>,
      %get3A_1312 = vector.shape_cast %get3A_1311 : vector<16xi32> to vector<16xi32>
      %add3A_1313 = vector.broadcast %mul3A_6 : i32 to vector<16xi32>
      %add3A_1314 = arith.addi %get3A_1312, %add3A_1313 : vector<16xi32>
      %swap3A_1315 = arith.constant 1 : i32
      %swap3A_1316 = arith.index_cast %swap3A_1315 : i32 to index
      %swap3A_1317 = arith.constant 48 : index
      %swap3A_1318 = tpu.vector_load %arg8[%swap3A_1316, %swap3A_1317] {strides = array<i32>} : memref<5x80xi32, #tpu.memory_space<vmem>>, vector<1x16xi32>,
      %swap3A_1319 = vector.shape_cast %swap3A_1318 : vector<1x16xi32> to vector<16xi32>
      %swap3A_1320 = vector.shape_cast %add3A_1314 : vector<16xi32> to vector<1x16xi32>
      tpu.vector_store %arg8[%swap3A_1316, %swap3A_1317], %swap3A_1320 {strides = array<i32>} : memref<5x80xi32, #tpu.memory_space<vmem>>, vector<1x16xi32>,
      %mul3A_1321 = arith.constant 80 : i32
      %mul3A_1322 = arith.muli %add3A_1212, %mul3A_1321 : i32
      %add3A_1323 = arith.constant 64 : i32
      %add3A_1324 = arith.addi %mul3A_1322, %add3A_1323 : i32
      %get3A_1325 = arith.index_cast %add3A_1324 : i32 to index
      %get3A_1326 = tpu.vector_load %arg7[%get3A_1325] {strides = array<i32>} : memref<5600xi32, #tpu.memory_space<vmem>>, vector<16xi32>,
      %get3A_1327 = vector.shape_cast %get3A_1326 : vector<16xi32> to vector<16xi32>
      %add3A_1328 = vector.broadcast %mul3A_6 : i32 to vector<16xi32>
      %add3A_1329 = arith.addi %get3A_1327, %add3A_1328 : vector<16xi32>
      %swap3A_1330 = arith.constant 1 : i32
      %swap3A_1331 = arith.index_cast %swap3A_1330 : i32 to index
      %swap3A_1332 = arith.constant 64 : index
      %swap3A_1333 = tpu.vector_load %arg8[%swap3A_1331, %swap3A_1332] {strides = array<i32>} : memref<5x80xi32, #tpu.memory_space<vmem>>, vector<1x16xi32>,
      %swap3A_1334 = vector.shape_cast %swap3A_1333 : vector<1x16xi32> to vector<16xi32>
      %swap3A_1335 = vector.shape_cast %add3A_1329 : vector<16xi32> to vector<1x16xi32>
      tpu.vector_store %arg8[%swap3A_1331, %swap3A_1332], %swap3A_1335 {strides = array<i32>} : memref<5x80xi32, #tpu.memory_space<vmem>>, vector<1x16xi32>,
      %dma_start3A_1336 = arith.constant 1 : i32
      %dma_start3A_1337 = arith.constant 1 : i32
      %dma_start3A_1338 = arith.constant 0 : i32
      %dma_start3A_1339 = arith.constant 0 : i32
      %dma_start3A_1340 = tpu.memref_slice %arg6[%dma_start3A_1336, %dma_start3A_1338, %dma_start3A_1339] : memref<5x80x128xf32, #tpu.memory_space<vmem>> -> memref<1x80x128xf32, #tpu.memory_space<vmem>>
      %dma_start3A_1341 = tpu.memref_squeeze %dma_start3A_1340 : memref<1x80x128xf32, #tpu.memory_space<vmem>> -> memref<80x128xf32, #tpu.memory_space<vmem>>
      %dma_start3A_1342 = arith.constant 0 : i32
      %dma_start3A_1343 = tpu.memref_slice %arg8[%dma_start3A_1337, %dma_start3A_1342] : memref<5x80xi32, #tpu.memory_space<vmem>> -> memref<1x80xi32, #tpu.memory_space<vmem>>
      %dma_start3A_1344 = tpu.memref_squeeze %dma_start3A_1343 : memref<1x80xi32, #tpu.memory_space<vmem>> -> memref<80xi32, #tpu.memory_space<vmem>>
      %dma_start3A_1345 = arith.constant 0 : i32
      %dma_start3A_1346 = arith.constant 0 : i32
      %dma_start3A_1347 = tpu.memref_slice %arg11[%dma_start3A_1345, %dma_start3A_1346] : memref<64x128xf32, #tpu.memory_space<vmem_shared>> -> memref<64x128xf32, #tpu.memory_space<vmem_shared>>
      tpu.enqueue_indirect_dma source(%dma_start3A_1341 : memref<80x128xf32, #tpu.memory_space<vmem>>) target(%dma_start3A_1347 : memref<64x128xf32, #tpu.memory_space<vmem_shared>>) offsets(%dma_start3A_1344 : memref<80xi32, #tpu.memory_space<vmem>>) semaphore(%arg19 : memref<!tpu.dma_semaphore, #tpu.memory_space<semaphore_mem>>) {add = true}
      %mul3A_1348 = arith.constant 5 : i32
      %mul3A_1349 = arith.muli %scan3A_784, %mul3A_1348 : i32
      %add3A_1350 = arith.constant 3 : i32
      %add3A_1351 = arith.addi %add3A_1350, %mul3A_1349 : i32
      %add3A_1352 = arith.constant 4 : i32
      %add3A_1353 = arith.addi %add3A_1351, %add3A_1352 : i32
      %add3A_1354 = arith.constant 1 : i32
      %add3A_1355 = arith.addi %add3A_1353, %add3A_1354 : i32
      %mul3A_1356 = arith.constant 80 : i32
      %mul3A_1357 = arith.muli %add3A_1355, %mul3A_1356 : i32
      %add3A_1358 = arith.addi %add3A_4, %mul3A_1357 : i32
      %dma_start3A_1359 = arith.constant 3 : i32
      %dma_start3A_1360 = arith.constant 0 : i32
      %dma_start3A_1361 = arith.constant 0 : i32
      %dma_start3A_1362 = tpu.memref_slice %arg6[%dma_start3A_1359, %dma_start3A_1360, %dma_start3A_1361] : memref<5x80x128xf32, #tpu.memory_space<vmem>> -> memref<1x80x128xf32, #tpu.memory_space<vmem>>
      %dma_start3A_1363 = tpu.memref_squeeze %dma_start3A_1362 : memref<1x80x128xf32, #tpu.memory_space<vmem>> -> memref<80x128xf32, #tpu.memory_space<vmem>>
      %dma_start3A_1364 = arith.constant 0 : i32
      %dma_start3A_1365 = tpu.memref_slice %arg2[%add3A_1358, %dma_start3A_1364] : memref<320000x128xf32, #tpu.memory_space<hbm>> -> memref<80x128xf32, #tpu.memory_space<hbm>>
      %dma_start3A_1366 = arith.constant 0 : i32
      %dma_start3A_1367 = arith.constant 0 : i32
      %dma_start3A_1368 = tpu.memref_slice %arg6[%dma_start3A_1359, %dma_start3A_1366, %dma_start3A_1367] : memref<5x80x128xf32, #tpu.memory_space<vmem>> -> memref<1x80x128xf32, #tpu.memory_space<vmem>>
      %dma_start3A_1369 = tpu.memref_squeeze %dma_start3A_1368 : memref<1x80x128xf32, #tpu.memory_space<vmem>> -> memref<80x128xf32, #tpu.memory_space<vmem>>
      %dma_start3A_1370 = arith.constant 0 : i32
      %dma_start3A_1371 = tpu.memref_slice %arg2[%add3A_1358, %dma_start3A_1370] : memref<320000x128xf32, #tpu.memory_space<hbm>> -> memref<80x128xf32, #tpu.memory_space<hbm>>
      tpu.enqueue_dma source(%dma_start3A_1371 : memref<80x128xf32, #tpu.memory_space<hbm>>) target(%dma_start3A_1369 : memref<80x128xf32, #tpu.memory_space<vmem>>) target_semaphore(%arg16 : memref<!tpu.dma_semaphore, #tpu.memory_space<semaphore_mem>>)
      %mul3A_1372 = arith.constant 80 : i32
      %mul3A_1373 = arith.muli %add3A_1353, %mul3A_1372 : i32
      %add3A_1374 = arith.addi %add3A_4, %mul3A_1373 : i32
      %dma_wait3A_1375 = arith.constant 2 : i32
      %dma_wait3A_1376 = arith.constant 0 : i32
      %dma_wait3A_1377 = arith.constant 0 : i32
      %dma_wait3A_1378 = tpu.memref_slice %arg6[%dma_wait3A_1375, %dma_wait3A_1376, %dma_wait3A_1377] : memref<5x80x128xf32, #tpu.memory_space<vmem>> -> memref<1x80x128xf32, #tpu.memory_space<vmem>>
      %dma_wait3A_1379 = tpu.memref_squeeze %dma_wait3A_1378 : memref<1x80x128xf32, #tpu.memory_space<vmem>> -> memref<80x128xf32, #tpu.memory_space<vmem>>
      %dma_wait3A_1380 = arith.constant 0 : i32
      %dma_wait3A_1381 = tpu.memref_slice %arg2[%add3A_1374, %dma_wait3A_1380] : memref<320000x128xf32, #tpu.memory_space<hbm>> -> memref<80x128xf32, #tpu.memory_space<hbm>>
      %dma_wait3A_1382 = arith.constant 0 : i32
      %dma_wait3A_1383 = arith.constant 0 : i32
      %dma_wait3A_1384 = tpu.memref_slice %arg6[%dma_wait3A_1375, %dma_wait3A_1382, %dma_wait3A_1383] : memref<5x80x128xf32, #tpu.memory_space<vmem>> -> memref<1x80x128xf32, #tpu.memory_space<vmem>>
      %dma_wait3A_1385 = tpu.memref_squeeze %dma_wait3A_1384 : memref<1x80x128xf32, #tpu.memory_space<vmem>> -> memref<80x128xf32, #tpu.memory_space<vmem>>
      %dma_wait3A_1386 = arith.constant 0 : i32
      %dma_wait3A_1387 = tpu.memref_slice %arg2[%add3A_1374, %dma_wait3A_1386] : memref<320000x128xf32, #tpu.memory_space<hbm>> -> memref<80x128xf32, #tpu.memory_space<hbm>>
      tpu.wait_dma2 semaphore(%arg15 : memref<!tpu.dma_semaphore, #tpu.memory_space<semaphore_mem>>) src(%dma_wait3A_1387 : memref<80x128xf32, #tpu.memory_space<hbm>>) dst(%dma_wait3A_1385 : memref<80x128xf32, #tpu.memory_space<vmem>>)
      %sub3A_1388 = arith.constant 1 : i32
      %sub3A_1389 = arith.subi %add3A_1353, %sub3A_1388 : i32
      %dma_wait3A_1390 = arith.constant 1 : i32
      %dma_wait3A_1391 = arith.constant 1 : i32
      %dma_wait3A_1392 = arith.constant 0 : i32
      %dma_wait3A_1393 = arith.constant 0 : i32
      %dma_wait3A_1394 = tpu.memref_slice %arg6[%dma_wait3A_1390, %dma_wait3A_1392, %dma_wait3A_1393] : memref<5x80x128xf32, #tpu.memory_space<vmem>> -> memref<1x80x128xf32, #tpu.memory_space<vmem>>
      %dma_wait3A_1395 = tpu.memref_squeeze %dma_wait3A_1394 : memref<1x80x128xf32, #tpu.memory_space<vmem>> -> memref<80x128xf32, #tpu.memory_space<vmem>>
      %dma_wait3A_1396 = arith.constant 0 : i32
      %dma_wait3A_1397 = tpu.memref_slice %arg8[%dma_wait3A_1391, %dma_wait3A_1396] : memref<5x80xi32, #tpu.memory_space<vmem>> -> memref<1x80xi32, #tpu.memory_space<vmem>>
      %dma_wait3A_1398 = tpu.memref_squeeze %dma_wait3A_1397 : memref<1x80xi32, #tpu.memory_space<vmem>> -> memref<80xi32, #tpu.memory_space<vmem>>
      %dma_wait3A_1399 = arith.constant 0 : i32
      %dma_wait3A_1400 = arith.constant 0 : i32
      %dma_wait3A_1401 = tpu.memref_slice %arg11[%dma_wait3A_1399, %dma_wait3A_1400] : memref<64x128xf32, #tpu.memory_space<vmem_shared>> -> memref<64x128xf32, #tpu.memory_space<vmem_shared>>
      tpu.wait_indirect_dma semaphore(%arg19 : memref<!tpu.dma_semaphore, #tpu.memory_space<semaphore_mem>>) src(%dma_wait3A_1395 : memref<80x128xf32, #tpu.memory_space<vmem>>) dst(%dma_wait3A_1401 : memref<64x128xf32, #tpu.memory_space<vmem_shared>>)
      %mul3A_1402 = arith.constant 80 : i32
      %mul3A_1403 = arith.muli %add3A_1353, %mul3A_1402 : i32
      %add3A_1404 = arith.constant 0 : i32
      %add3A_1405 = arith.addi %mul3A_1403, %add3A_1404 : i32
      %get3A_1406 = arith.index_cast %add3A_1405 : i32 to index
      %get3A_1407 = tpu.vector_load %arg7[%get3A_1406] {strides = array<i32>} : memref<5600xi32, #tpu.memory_space<vmem>>, vector<16xi32>,
      %get3A_1408 = vector.shape_cast %get3A_1407 : vector<16xi32> to vector<16xi32>
      %add3A_1409 = vector.broadcast %mul3A_6 : i32 to vector<16xi32>
      %add3A_1410 = arith.addi %get3A_1408, %add3A_1409 : vector<16xi32>
      %swap3A_1411 = arith.constant 2 : i32
      %swap3A_1412 = arith.index_cast %swap3A_1411 : i32 to index
      %swap3A_1413 = arith.constant 0 : index
      %swap3A_1414 = tpu.vector_load %arg8[%swap3A_1412, %swap3A_1413] {strides = array<i32>} : memref<5x80xi32, #tpu.memory_space<vmem>>, vector<1x16xi32>,
      %swap3A_1415 = vector.shape_cast %swap3A_1414 : vector<1x16xi32> to vector<16xi32>
      %swap3A_1416 = vector.shape_cast %add3A_1410 : vector<16xi32> to vector<1x16xi32>
      tpu.vector_store %arg8[%swap3A_1412, %swap3A_1413], %swap3A_1416 {strides = array<i32>} : memref<5x80xi32, #tpu.memory_space<vmem>>, vector<1x16xi32>,
      %mul3A_1417 = arith.constant 80 : i32
      %mul3A_1418 = arith.muli %add3A_1353, %mul3A_1417 : i32
      %add3A_1419 = arith.constant 16 : i32
      %add3A_1420 = arith.addi %mul3A_1418, %add3A_1419 : i32
      %get3A_1421 = arith.index_cast %add3A_1420 : i32 to index
      %get3A_1422 = tpu.vector_load %arg7[%get3A_1421] {strides = array<i32>} : memref<5600xi32, #tpu.memory_space<vmem>>, vector<16xi32>,
      %get3A_1423 = vector.shape_cast %get3A_1422 : vector<16xi32> to vector<16xi32>
      %add3A_1424 = vector.broadcast %mul3A_6 : i32 to vector<16xi32>
      %add3A_1425 = arith.addi %get3A_1423, %add3A_1424 : vector<16xi32>
      %swap3A_1426 = arith.constant 2 : i32
      %swap3A_1427 = arith.index_cast %swap3A_1426 : i32 to index
      %swap3A_1428 = arith.constant 16 : index
      %swap3A_1429 = tpu.vector_load %arg8[%swap3A_1427, %swap3A_1428] {strides = array<i32>} : memref<5x80xi32, #tpu.memory_space<vmem>>, vector<1x16xi32>,
      %swap3A_1430 = vector.shape_cast %swap3A_1429 : vector<1x16xi32> to vector<16xi32>
      %swap3A_1431 = vector.shape_cast %add3A_1425 : vector<16xi32> to vector<1x16xi32>
      tpu.vector_store %arg8[%swap3A_1427, %swap3A_1428], %swap3A_1431 {strides = array<i32>} : memref<5x80xi32, #tpu.memory_space<vmem>>, vector<1x16xi32>,
      %mul3A_1432 = arith.constant 80 : i32
      %mul3A_1433 = arith.muli %add3A_1353, %mul3A_1432 : i32
      %add3A_1434 = arith.constant 32 : i32
      %add3A_1435 = arith.addi %mul3A_1433, %add3A_1434 : i32
      %get3A_1436 = arith.index_cast %add3A_1435 : i32 to index
      %get3A_1437 = tpu.vector_load %arg7[%get3A_1436] {strides = array<i32>} : memref<5600xi32, #tpu.memory_space<vmem>>, vector<16xi32>,
      %get3A_1438 = vector.shape_cast %get3A_1437 : vector<16xi32> to vector<16xi32>
      %add3A_1439 = vector.broadcast %mul3A_6 : i32 to vector<16xi32>
      %add3A_1440 = arith.addi %get3A_1438, %add3A_1439 : vector<16xi32>
      %swap3A_1441 = arith.constant 2 : i32
      %swap3A_1442 = arith.index_cast %swap3A_1441 : i32 to index
      %swap3A_1443 = arith.constant 32 : index
      %swap3A_1444 = tpu.vector_load %arg8[%swap3A_1442, %swap3A_1443] {strides = array<i32>} : memref<5x80xi32, #tpu.memory_space<vmem>>, vector<1x16xi32>,
      %swap3A_1445 = vector.shape_cast %swap3A_1444 : vector<1x16xi32> to vector<16xi32>
      %swap3A_1446 = vector.shape_cast %add3A_1440 : vector<16xi32> to vector<1x16xi32>
      tpu.vector_store %arg8[%swap3A_1442, %swap3A_1443], %swap3A_1446 {strides = array<i32>} : memref<5x80xi32, #tpu.memory_space<vmem>>, vector<1x16xi32>,
      %mul3A_1447 = arith.constant 80 : i32
      %mul3A_1448 = arith.muli %add3A_1353, %mul3A_1447 : i32
      %add3A_1449 = arith.constant 48 : i32
      %add3A_1450 = arith.addi %mul3A_1448, %add3A_1449 : i32
      %get3A_1451 = arith.index_cast %add3A_1450 : i32 to index
      %get3A_1452 = tpu.vector_load %arg7[%get3A_1451] {strides = array<i32>} : memref<5600xi32, #tpu.memory_space<vmem>>, vector<16xi32>,
      %get3A_1453 = vector.shape_cast %get3A_1452 : vector<16xi32> to vector<16xi32>
      %add3A_1454 = vector.broadcast %mul3A_6 : i32 to vector<16xi32>
      %add3A_1455 = arith.addi %get3A_1453, %add3A_1454 : vector<16xi32>
      %swap3A_1456 = arith.constant 2 : i32
      %swap3A_1457 = arith.index_cast %swap3A_1456 : i32 to index
      %swap3A_1458 = arith.constant 48 : index
      %swap3A_1459 = tpu.vector_load %arg8[%swap3A_1457, %swap3A_1458] {strides = array<i32>} : memref<5x80xi32, #tpu.memory_space<vmem>>, vector<1x16xi32>,
      %swap3A_1460 = vector.shape_cast %swap3A_1459 : vector<1x16xi32> to vector<16xi32>
      %swap3A_1461 = vector.shape_cast %add3A_1455 : vector<16xi32> to vector<1x16xi32>
      tpu.vector_store %arg8[%swap3A_1457, %swap3A_1458], %swap3A_1461 {strides = array<i32>} : memref<5x80xi32, #tpu.memory_space<vmem>>, vector<1x16xi32>,
      %mul3A_1462 = arith.constant 80 : i32
      %mul3A_1463 = arith.muli %add3A_1353, %mul3A_1462 : i32
      %add3A_1464 = arith.constant 64 : i32
      %add3A_1465 = arith.addi %mul3A_1463, %add3A_1464 : i32
      %get3A_1466 = arith.index_cast %add3A_1465 : i32 to index
      %get3A_1467 = tpu.vector_load %arg7[%get3A_1466] {strides = array<i32>} : memref<5600xi32, #tpu.memory_space<vmem>>, vector<16xi32>,
      %get3A_1468 = vector.shape_cast %get3A_1467 : vector<16xi32> to vector<16xi32>
      %add3A_1469 = vector.broadcast %mul3A_6 : i32 to vector<16xi32>
      %add3A_1470 = arith.addi %get3A_1468, %add3A_1469 : vector<16xi32>
      %swap3A_1471 = arith.constant 2 : i32
      %swap3A_1472 = arith.index_cast %swap3A_1471 : i32 to index
      %swap3A_1473 = arith.constant 64 : index
      %swap3A_1474 = tpu.vector_load %arg8[%swap3A_1472, %swap3A_1473] {strides = array<i32>} : memref<5x80xi32, #tpu.memory_space<vmem>>, vector<1x16xi32>,
      %swap3A_1475 = vector.shape_cast %swap3A_1474 : vector<1x16xi32> to vector<16xi32>
      %swap3A_1476 = vector.shape_cast %add3A_1470 : vector<16xi32> to vector<1x16xi32>
      tpu.vector_store %arg8[%swap3A_1472, %swap3A_1473], %swap3A_1476 {strides = array<i32>} : memref<5x80xi32, #tpu.memory_space<vmem>>, vector<1x16xi32>,
      %dma_start3A_1477 = arith.constant 2 : i32
      %dma_start3A_1478 = arith.constant 2 : i32
      %dma_start3A_1479 = arith.constant 0 : i32
      %dma_start3A_1480 = arith.constant 0 : i32
      %dma_start3A_1481 = tpu.memref_slice %arg6[%dma_start3A_1477, %dma_start3A_1479, %dma_start3A_1480] : memref<5x80x128xf32, #tpu.memory_space<vmem>> -> memref<1x80x128xf32, #tpu.memory_space<vmem>>
      %dma_start3A_1482 = tpu.memref_squeeze %dma_start3A_1481 : memref<1x80x128xf32, #tpu.memory_space<vmem>> -> memref<80x128xf32, #tpu.memory_space<vmem>>
      %dma_start3A_1483 = arith.constant 0 : i32
      %dma_start3A_1484 = tpu.memref_slice %arg8[%dma_start3A_1478, %dma_start3A_1483] : memref<5x80xi32, #tpu.memory_space<vmem>> -> memref<1x80xi32, #tpu.memory_space<vmem>>
      %dma_start3A_1485 = tpu.memref_squeeze %dma_start3A_1484 : memref<1x80xi32, #tpu.memory_space<vmem>> -> memref<80xi32, #tpu.memory_space<vmem>>
      %dma_start3A_1486 = arith.constant 0 : i32
      %dma_start3A_1487 = arith.constant 0 : i32
      %dma_start3A_1488 = tpu.memref_slice %arg11[%dma_start3A_1486, %dma_start3A_1487] : memref<64x128xf32, #tpu.memory_space<vmem_shared>> -> memref<64x128xf32, #tpu.memory_space<vmem_shared>>
      tpu.enqueue_indirect_dma source(%dma_start3A_1482 : memref<80x128xf32, #tpu.memory_space<vmem>>) target(%dma_start3A_1488 : memref<64x128xf32, #tpu.memory_space<vmem_shared>>) offsets(%dma_start3A_1485 : memref<80xi32, #tpu.memory_space<vmem>>) semaphore(%arg20 : memref<!tpu.dma_semaphore, #tpu.memory_space<semaphore_mem>>) {add = true}
    }
    %scan3A_564 = arith.constant 13 : i32
    %add3A_565 = arith.constant 5520 : i32
    %add3A_566 = arith.addi %add3A_4, %add3A_565 : i32
    %dma_start3A_567 = arith.constant 4 : i32
    %dma_start3A_568 = arith.constant 0 : i32
    %dma_start3A_569 = arith.constant 0 : i32
    %dma_start3A_570 = tpu.memref_slice %arg6[%dma_start3A_567, %dma_start3A_568, %dma_start3A_569] : memref<5x80x128xf32, #tpu.memory_space<vmem>> -> memref<1x80x128xf32, #tpu.memory_space<vmem>>
    %dma_start3A_571 = tpu.memref_squeeze %dma_start3A_570 : memref<1x80x128xf32, #tpu.memory_space<vmem>> -> memref<80x128xf32, #tpu.memory_space<vmem>>
    %dma_start3A_572 = arith.constant 0 : i32
    %dma_start3A_573 = tpu.memref_slice %arg2[%add3A_566, %dma_start3A_572] : memref<320000x128xf32, #tpu.memory_space<hbm>> -> memref<80x128xf32, #tpu.memory_space<hbm>>
    %dma_start3A_574 = arith.constant 0 : i32
    %dma_start3A_575 = arith.constant 0 : i32
    %dma_start3A_576 = tpu.memref_slice %arg6[%dma_start3A_567, %dma_start3A_574, %dma_start3A_575] : memref<5x80x128xf32, #tpu.memory_space<vmem>> -> memref<1x80x128xf32, #tpu.memory_space<vmem>>
    %dma_start3A_577 = tpu.memref_squeeze %dma_start3A_576 : memref<1x80x128xf32, #tpu.memory_space<vmem>> -> memref<80x128xf32, #tpu.memory_space<vmem>>
    %dma_start3A_578 = arith.constant 0 : i32
    %dma_start3A_579 = tpu.memref_slice %arg2[%add3A_566, %dma_start3A_578] : memref<320000x128xf32, #tpu.memory_space<hbm>> -> memref<80x128xf32, #tpu.memory_space<hbm>>
    tpu.enqueue_dma source(%dma_start3A_579 : memref<80x128xf32, #tpu.memory_space<hbm>>) target(%dma_start3A_577 : memref<80x128xf32, #tpu.memory_space<vmem>>) target_semaphore(%arg17 : memref<!tpu.dma_semaphore, #tpu.memory_space<semaphore_mem>>)
    %add3A_580 = arith.constant 5440 : i32
    %add3A_581 = arith.addi %add3A_4, %add3A_580 : i32
    %dma_wait3A_582 = arith.constant 3 : i32
    %dma_wait3A_583 = arith.constant 0 : i32
    %dma_wait3A_584 = arith.constant 0 : i32
    %dma_wait3A_585 = tpu.memref_slice %arg6[%dma_wait3A_582, %dma_wait3A_583, %dma_wait3A_584] : memref<5x80x128xf32, #tpu.memory_space<vmem>> -> memref<1x80x128xf32, #tpu.memory_space<vmem>>
    %dma_wait3A_586 = tpu.memref_squeeze %dma_wait3A_585 : memref<1x80x128xf32, #tpu.memory_space<vmem>> -> memref<80x128xf32, #tpu.memory_space<vmem>>
    %dma_wait3A_587 = arith.constant 0 : i32
    %dma_wait3A_588 = tpu.memref_slice %arg2[%add3A_581, %dma_wait3A_587] : memref<320000x128xf32, #tpu.memory_space<hbm>> -> memref<80x128xf32, #tpu.memory_space<hbm>>
    %dma_wait3A_589 = arith.constant 0 : i32
    %dma_wait3A_590 = arith.constant 0 : i32
    %dma_wait3A_591 = tpu.memref_slice %arg6[%dma_wait3A_582, %dma_wait3A_589, %dma_wait3A_590] : memref<5x80x128xf32, #tpu.memory_space<vmem>> -> memref<1x80x128xf32, #tpu.memory_space<vmem>>
    %dma_wait3A_592 = tpu.memref_squeeze %dma_wait3A_591 : memref<1x80x128xf32, #tpu.memory_space<vmem>> -> memref<80x128xf32, #tpu.memory_space<vmem>>
    %dma_wait3A_593 = arith.constant 0 : i32
    %dma_wait3A_594 = tpu.memref_slice %arg2[%add3A_581, %dma_wait3A_593] : memref<320000x128xf32, #tpu.memory_space<hbm>> -> memref<80x128xf32, #tpu.memory_space<hbm>>
    tpu.wait_dma2 semaphore(%arg16 : memref<!tpu.dma_semaphore, #tpu.memory_space<semaphore_mem>>) src(%dma_wait3A_594 : memref<80x128xf32, #tpu.memory_space<hbm>>) dst(%dma_wait3A_592 : memref<80x128xf32, #tpu.memory_space<vmem>>)
    %dma_wait3A_595 = arith.constant 2 : i32
    %dma_wait3A_596 = arith.constant 2 : i32
    %dma_wait3A_597 = arith.constant 0 : i32
    %dma_wait3A_598 = arith.constant 0 : i32
    %dma_wait3A_599 = tpu.memref_slice %arg6[%dma_wait3A_595, %dma_wait3A_597, %dma_wait3A_598] : memref<5x80x128xf32, #tpu.memory_space<vmem>> -> memref<1x80x128xf32, #tpu.memory_space<vmem>>
    %dma_wait3A_600 = tpu.memref_squeeze %dma_wait3A_599 : memref<1x80x128xf32, #tpu.memory_space<vmem>> -> memref<80x128xf32, #tpu.memory_space<vmem>>
    %dma_wait3A_601 = arith.constant 0 : i32
    %dma_wait3A_602 = tpu.memref_slice %arg8[%dma_wait3A_596, %dma_wait3A_601] : memref<5x80xi32, #tpu.memory_space<vmem>> -> memref<1x80xi32, #tpu.memory_space<vmem>>
    %dma_wait3A_603 = tpu.memref_squeeze %dma_wait3A_602 : memref<1x80xi32, #tpu.memory_space<vmem>> -> memref<80xi32, #tpu.memory_space<vmem>>
    %dma_wait3A_604 = arith.constant 0 : i32
    %dma_wait3A_605 = arith.constant 0 : i32
    %dma_wait3A_606 = tpu.memref_slice %arg11[%dma_wait3A_604, %dma_wait3A_605] : memref<64x128xf32, #tpu.memory_space<vmem_shared>> -> memref<64x128xf32, #tpu.memory_space<vmem_shared>>
    tpu.wait_indirect_dma semaphore(%arg20 : memref<!tpu.dma_semaphore, #tpu.memory_space<semaphore_mem>>) src(%dma_wait3A_600 : memref<80x128xf32, #tpu.memory_space<vmem>>) dst(%dma_wait3A_606 : memref<64x128xf32, #tpu.memory_space<vmem_shared>>)
    %get3A_607 = arith.constant 5440 : index
    %get3A_608 = tpu.vector_load %arg7[%get3A_607] {strides = array<i32>} : memref<5600xi32, #tpu.memory_space<vmem>>, vector<16xi32>,
    %get3A_609 = vector.shape_cast %get3A_608 : vector<16xi32> to vector<16xi32>
    %add3A_610 = vector.broadcast %mul3A_6 : i32 to vector<16xi32>
    %add3A_611 = arith.addi %get3A_609, %add3A_610 : vector<16xi32>
    %swap3A_612 = arith.constant 3 : i32
    %swap3A_613 = arith.index_cast %swap3A_612 : i32 to index
    %swap3A_614 = arith.constant 0 : index
    %swap3A_615 = tpu.vector_load %arg8[%swap3A_613, %swap3A_614] {strides = array<i32>} : memref<5x80xi32, #tpu.memory_space<vmem>>, vector<1x16xi32>,
    %swap3A_616 = vector.shape_cast %swap3A_615 : vector<1x16xi32> to vector<16xi32>
    %swap3A_617 = vector.shape_cast %add3A_611 : vector<16xi32> to vector<1x16xi32>
    tpu.vector_store %arg8[%swap3A_613, %swap3A_614], %swap3A_617 {strides = array<i32>} : memref<5x80xi32, #tpu.memory_space<vmem>>, vector<1x16xi32>,
    %get3A_618 = arith.constant 5456 : index
    %get3A_619 = tpu.vector_load %arg7[%get3A_618] {strides = array<i32>} : memref<5600xi32, #tpu.memory_space<vmem>>, vector<16xi32>,
    %get3A_620 = vector.shape_cast %get3A_619 : vector<16xi32> to vector<16xi32>
    %add3A_621 = vector.broadcast %mul3A_6 : i32 to vector<16xi32>
    %add3A_622 = arith.addi %get3A_620, %add3A_621 : vector<16xi32>
    %swap3A_623 = arith.constant 3 : i32
    %swap3A_624 = arith.index_cast %swap3A_623 : i32 to index
    %swap3A_625 = arith.constant 16 : index
    %swap3A_626 = tpu.vector_load %arg8[%swap3A_624, %swap3A_625] {strides = array<i32>} : memref<5x80xi32, #tpu.memory_space<vmem>>, vector<1x16xi32>,
    %swap3A_627 = vector.shape_cast %swap3A_626 : vector<1x16xi32> to vector<16xi32>
    %swap3A_628 = vector.shape_cast %add3A_622 : vector<16xi32> to vector<1x16xi32>
    tpu.vector_store %arg8[%swap3A_624, %swap3A_625], %swap3A_628 {strides = array<i32>} : memref<5x80xi32, #tpu.memory_space<vmem>>, vector<1x16xi32>,
    %get3A_629 = arith.constant 5472 : index
    %get3A_630 = tpu.vector_load %arg7[%get3A_629] {strides = array<i32>} : memref<5600xi32, #tpu.memory_space<vmem>>, vector<16xi32>,
    %get3A_631 = vector.shape_cast %get3A_630 : vector<16xi32> to vector<16xi32>
    %add3A_632 = vector.broadcast %mul3A_6 : i32 to vector<16xi32>
    %add3A_633 = arith.addi %get3A_631, %add3A_632 : vector<16xi32>
    %swap3A_634 = arith.constant 3 : i32
    %swap3A_635 = arith.index_cast %swap3A_634 : i32 to index
    %swap3A_636 = arith.constant 32 : index
    %swap3A_637 = tpu.vector_load %arg8[%swap3A_635, %swap3A_636] {strides = array<i32>} : memref<5x80xi32, #tpu.memory_space<vmem>>, vector<1x16xi32>,
    %swap3A_638 = vector.shape_cast %swap3A_637 : vector<1x16xi32> to vector<16xi32>
    %swap3A_639 = vector.shape_cast %add3A_633 : vector<16xi32> to vector<1x16xi32>
    tpu.vector_store %arg8[%swap3A_635, %swap3A_636], %swap3A_639 {strides = array<i32>} : memref<5x80xi32, #tpu.memory_space<vmem>>, vector<1x16xi32>,
    %get3A_640 = arith.constant 5488 : index
    %get3A_641 = tpu.vector_load %arg7[%get3A_640] {strides = array<i32>} : memref<5600xi32, #tpu.memory_space<vmem>>, vector<16xi32>,
    %get3A_642 = vector.shape_cast %get3A_641 : vector<16xi32> to vector<16xi32>
    %add3A_643 = vector.broadcast %mul3A_6 : i32 to vector<16xi32>
    %add3A_644 = arith.addi %get3A_642, %add3A_643 : vector<16xi32>
    %swap3A_645 = arith.constant 3 : i32
    %swap3A_646 = arith.index_cast %swap3A_645 : i32 to index
    %swap3A_647 = arith.constant 48 : index
    %swap3A_648 = tpu.vector_load %arg8[%swap3A_646, %swap3A_647] {strides = array<i32>} : memref<5x80xi32, #tpu.memory_space<vmem>>, vector<1x16xi32>,
    %swap3A_649 = vector.shape_cast %swap3A_648 : vector<1x16xi32> to vector<16xi32>
    %swap3A_650 = vector.shape_cast %add3A_644 : vector<16xi32> to vector<1x16xi32>
    tpu.vector_store %arg8[%swap3A_646, %swap3A_647], %swap3A_650 {strides = array<i32>} : memref<5x80xi32, #tpu.memory_space<vmem>>, vector<1x16xi32>,
    %get3A_651 = arith.constant 5504 : index
    %get3A_652 = tpu.vector_load %arg7[%get3A_651] {strides = array<i32>} : memref<5600xi32, #tpu.memory_space<vmem>>, vector<16xi32>,
    %get3A_653 = vector.shape_cast %get3A_652 : vector<16xi32> to vector<16xi32>
    %add3A_654 = vector.broadcast %mul3A_6 : i32 to vector<16xi32>
    %add3A_655 = arith.addi %get3A_653, %add3A_654 : vector<16xi32>
    %swap3A_656 = arith.constant 3 : i32
    %swap3A_657 = arith.index_cast %swap3A_656 : i32 to index
    %swap3A_658 = arith.constant 64 : index
    %swap3A_659 = tpu.vector_load %arg8[%swap3A_657, %swap3A_658] {strides = array<i32>} : memref<5x80xi32, #tpu.memory_space<vmem>>, vector<1x16xi32>,
    %swap3A_660 = vector.shape_cast %swap3A_659 : vector<1x16xi32> to vector<16xi32>
    %swap3A_661 = vector.shape_cast %add3A_655 : vector<16xi32> to vector<1x16xi32>
    tpu.vector_store %arg8[%swap3A_657, %swap3A_658], %swap3A_661 {strides = array<i32>} : memref<5x80xi32, #tpu.memory_space<vmem>>, vector<1x16xi32>,
    %dma_start3A_662 = arith.constant 3 : i32
    %dma_start3A_663 = arith.constant 3 : i32
    %dma_start3A_664 = arith.constant 0 : i32
    %dma_start3A_665 = arith.constant 0 : i32
    %dma_start3A_666 = tpu.memref_slice %arg6[%dma_start3A_662, %dma_start3A_664, %dma_start3A_665] : memref<5x80x128xf32, #tpu.memory_space<vmem>> -> memref<1x80x128xf32, #tpu.memory_space<vmem>>
    %dma_start3A_667 = tpu.memref_squeeze %dma_start3A_666 : memref<1x80x128xf32, #tpu.memory_space<vmem>> -> memref<80x128xf32, #tpu.memory_space<vmem>>
    %dma_start3A_668 = arith.constant 0 : i32
    %dma_start3A_669 = tpu.memref_slice %arg8[%dma_start3A_663, %dma_start3A_668] : memref<5x80xi32, #tpu.memory_space<vmem>> -> memref<1x80xi32, #tpu.memory_space<vmem>>
    %dma_start3A_670 = tpu.memref_squeeze %dma_start3A_669 : memref<1x80xi32, #tpu.memory_space<vmem>> -> memref<80xi32, #tpu.memory_space<vmem>>
    %dma_start3A_671 = arith.constant 0 : i32
    %dma_start3A_672 = arith.constant 0 : i32
    %dma_start3A_673 = tpu.memref_slice %arg11[%dma_start3A_671, %dma_start3A_672] : memref<64x128xf32, #tpu.memory_space<vmem_shared>> -> memref<64x128xf32, #tpu.memory_space<vmem_shared>>
    tpu.enqueue_indirect_dma source(%dma_start3A_667 : memref<80x128xf32, #tpu.memory_space<vmem>>) target(%dma_start3A_673 : memref<64x128xf32, #tpu.memory_space<vmem_shared>>) offsets(%dma_start3A_670 : memref<80xi32, #tpu.memory_space<vmem>>) semaphore(%arg21 : memref<!tpu.dma_semaphore, #tpu.memory_space<semaphore_mem>>) {add = true}
    %add3A_674 = arith.constant 5520 : i32
    %add3A_675 = arith.addi %add3A_4, %add3A_674 : i32
    %dma_wait3A_676 = arith.constant 4 : i32
    %dma_wait3A_677 = arith.constant 0 : i32
    %dma_wait3A_678 = arith.constant 0 : i32
    %dma_wait3A_679 = tpu.memref_slice %arg6[%dma_wait3A_676, %dma_wait3A_677, %dma_wait3A_678] : memref<5x80x128xf32, #tpu.memory_space<vmem>> -> memref<1x80x128xf32, #tpu.memory_space<vmem>>
    %dma_wait3A_680 = tpu.memref_squeeze %dma_wait3A_679 : memref<1x80x128xf32, #tpu.memory_space<vmem>> -> memref<80x128xf32, #tpu.memory_space<vmem>>
    %dma_wait3A_681 = arith.constant 0 : i32
    %dma_wait3A_682 = tpu.memref_slice %arg2[%add3A_675, %dma_wait3A_681] : memref<320000x128xf32, #tpu.memory_space<hbm>> -> memref<80x128xf32, #tpu.memory_space<hbm>>
    %dma_wait3A_683 = arith.constant 0 : i32
    %dma_wait3A_684 = arith.constant 0 : i32
    %dma_wait3A_685 = tpu.memref_slice %arg6[%dma_wait3A_676, %dma_wait3A_683, %dma_wait3A_684] : memref<5x80x128xf32, #tpu.memory_space<vmem>> -> memref<1x80x128xf32, #tpu.memory_space<vmem>>
    %dma_wait3A_686 = tpu.memref_squeeze %dma_wait3A_685 : memref<1x80x128xf32, #tpu.memory_space<vmem>> -> memref<80x128xf32, #tpu.memory_space<vmem>>
    %dma_wait3A_687 = arith.constant 0 : i32
    %dma_wait3A_688 = tpu.memref_slice %arg2[%add3A_675, %dma_wait3A_687] : memref<320000x128xf32, #tpu.memory_space<hbm>> -> memref<80x128xf32, #tpu.memory_space<hbm>>
    tpu.wait_dma2 semaphore(%arg17 : memref<!tpu.dma_semaphore, #tpu.memory_space<semaphore_mem>>) src(%dma_wait3A_688 : memref<80x128xf32, #tpu.memory_space<hbm>>) dst(%dma_wait3A_686 : memref<80x128xf32, #tpu.memory_space<vmem>>)
    %dma_wait3A_689 = arith.constant 3 : i32
    %dma_wait3A_690 = arith.constant 3 : i32
    %dma_wait3A_691 = arith.constant 0 : i32
    %dma_wait3A_692 = arith.constant 0 : i32
    %dma_wait3A_693 = tpu.memref_slice %arg6[%dma_wait3A_689, %dma_wait3A_691, %dma_wait3A_692] : memref<5x80x128xf32, #tpu.memory_space<vmem>> -> memref<1x80x128xf32, #tpu.memory_space<vmem>>
    %dma_wait3A_694 = tpu.memref_squeeze %dma_wait3A_693 : memref<1x80x128xf32, #tpu.memory_space<vmem>> -> memref<80x128xf32, #tpu.memory_space<vmem>>
    %dma_wait3A_695 = arith.constant 0 : i32
    %dma_wait3A_696 = tpu.memref_slice %arg8[%dma_wait3A_690, %dma_wait3A_695] : memref<5x80xi32, #tpu.memory_space<vmem>> -> memref<1x80xi32, #tpu.memory_space<vmem>>
    %dma_wait3A_697 = tpu.memref_squeeze %dma_wait3A_696 : memref<1x80xi32, #tpu.memory_space<vmem>> -> memref<80xi32, #tpu.memory_space<vmem>>
    %dma_wait3A_698 = arith.constant 0 : i32
    %dma_wait3A_699 = arith.constant 0 : i32
    %dma_wait3A_700 = tpu.memref_slice %arg11[%dma_wait3A_698, %dma_wait3A_699] : memref<64x128xf32, #tpu.memory_space<vmem_shared>> -> memref<64x128xf32, #tpu.memory_space<vmem_shared>>
    tpu.wait_indirect_dma semaphore(%arg21 : memref<!tpu.dma_semaphore, #tpu.memory_space<semaphore_mem>>) src(%dma_wait3A_694 : memref<80x128xf32, #tpu.memory_space<vmem>>) dst(%dma_wait3A_700 : memref<64x128xf32, #tpu.memory_space<vmem_shared>>)
    %get3A_701 = arith.constant 5520 : index
    %get3A_702 = tpu.vector_load %arg7[%get3A_701] {strides = array<i32>} : memref<5600xi32, #tpu.memory_space<vmem>>, vector<16xi32>,
    %get3A_703 = vector.shape_cast %get3A_702 : vector<16xi32> to vector<16xi32>
    %add3A_704 = vector.broadcast %mul3A_6 : i32 to vector<16xi32>
    %add3A_705 = arith.addi %get3A_703, %add3A_704 : vector<16xi32>
    %swap3A_706 = arith.constant 4 : i32
    %swap3A_707 = arith.index_cast %swap3A_706 : i32 to index
    %swap3A_708 = arith.constant 0 : index
    %swap3A_709 = tpu.vector_load %arg8[%swap3A_707, %swap3A_708] {strides = array<i32>} : memref<5x80xi32, #tpu.memory_space<vmem>>, vector<1x16xi32>,
    %swap3A_710 = vector.shape_cast %swap3A_709 : vector<1x16xi32> to vector<16xi32>
    %swap3A_711 = vector.shape_cast %add3A_705 : vector<16xi32> to vector<1x16xi32>
    tpu.vector_store %arg8[%swap3A_707, %swap3A_708], %swap3A_711 {strides = array<i32>} : memref<5x80xi32, #tpu.memory_space<vmem>>, vector<1x16xi32>,
    %get3A_712 = arith.constant 5536 : index
    %get3A_713 = tpu.vector_load %arg7[%get3A_712] {strides = array<i32>} : memref<5600xi32, #tpu.memory_space<vmem>>, vector<16xi32>,
    %get3A_714 = vector.shape_cast %get3A_713 : vector<16xi32> to vector<16xi32>
    %add3A_715 = vector.broadcast %mul3A_6 : i32 to vector<16xi32>
    %add3A_716 = arith.addi %get3A_714, %add3A_715 : vector<16xi32>
    %swap3A_717 = arith.constant 4 : i32
    %swap3A_718 = arith.index_cast %swap3A_717 : i32 to index
    %swap3A_719 = arith.constant 16 : index
    %swap3A_720 = tpu.vector_load %arg8[%swap3A_718, %swap3A_719] {strides = array<i32>} : memref<5x80xi32, #tpu.memory_space<vmem>>, vector<1x16xi32>,
    %swap3A_721 = vector.shape_cast %swap3A_720 : vector<1x16xi32> to vector<16xi32>
    %swap3A_722 = vector.shape_cast %add3A_716 : vector<16xi32> to vector<1x16xi32>
    tpu.vector_store %arg8[%swap3A_718, %swap3A_719], %swap3A_722 {strides = array<i32>} : memref<5x80xi32, #tpu.memory_space<vmem>>, vector<1x16xi32>,
    %get3A_723 = arith.constant 5552 : index
    %get3A_724 = tpu.vector_load %arg7[%get3A_723] {strides = array<i32>} : memref<5600xi32, #tpu.memory_space<vmem>>, vector<16xi32>,
    %get3A_725 = vector.shape_cast %get3A_724 : vector<16xi32> to vector<16xi32>
    %add3A_726 = vector.broadcast %mul3A_6 : i32 to vector<16xi32>
    %add3A_727 = arith.addi %get3A_725, %add3A_726 : vector<16xi32>
    %swap3A_728 = arith.constant 4 : i32
    %swap3A_729 = arith.index_cast %swap3A_728 : i32 to index
    %swap3A_730 = arith.constant 32 : index
    %swap3A_731 = tpu.vector_load %arg8[%swap3A_729, %swap3A_730] {strides = array<i32>} : memref<5x80xi32, #tpu.memory_space<vmem>>, vector<1x16xi32>,
    %swap3A_732 = vector.shape_cast %swap3A_731 : vector<1x16xi32> to vector<16xi32>
    %swap3A_733 = vector.shape_cast %add3A_727 : vector<16xi32> to vector<1x16xi32>
    tpu.vector_store %arg8[%swap3A_729, %swap3A_730], %swap3A_733 {strides = array<i32>} : memref<5x80xi32, #tpu.memory_space<vmem>>, vector<1x16xi32>,
    %get3A_734 = arith.constant 5568 : index
    %get3A_735 = tpu.vector_load %arg7[%get3A_734] {strides = array<i32>} : memref<5600xi32, #tpu.memory_space<vmem>>, vector<16xi32>,
    %get3A_736 = vector.shape_cast %get3A_735 : vector<16xi32> to vector<16xi32>
    %add3A_737 = vector.broadcast %mul3A_6 : i32 to vector<16xi32>
    %add3A_738 = arith.addi %get3A_736, %add3A_737 : vector<16xi32>
    %swap3A_739 = arith.constant 4 : i32
    %swap3A_740 = arith.index_cast %swap3A_739 : i32 to index
    %swap3A_741 = arith.constant 48 : index
    %swap3A_742 = tpu.vector_load %arg8[%swap3A_740, %swap3A_741] {strides = array<i32>} : memref<5x80xi32, #tpu.memory_space<vmem>>, vector<1x16xi32>,
    %swap3A_743 = vector.shape_cast %swap3A_742 : vector<1x16xi32> to vector<16xi32>
    %swap3A_744 = vector.shape_cast %add3A_738 : vector<16xi32> to vector<1x16xi32>
    tpu.vector_store %arg8[%swap3A_740, %swap3A_741], %swap3A_744 {strides = array<i32>} : memref<5x80xi32, #tpu.memory_space<vmem>>, vector<1x16xi32>,
    %get3A_745 = arith.constant 5584 : index
    %get3A_746 = tpu.vector_load %arg7[%get3A_745] {strides = array<i32>} : memref<5600xi32, #tpu.memory_space<vmem>>, vector<16xi32>,
    %get3A_747 = vector.shape_cast %get3A_746 : vector<16xi32> to vector<16xi32>
    %add3A_748 = vector.broadcast %mul3A_6 : i32 to vector<16xi32>
    %add3A_749 = arith.addi %get3A_747, %add3A_748 : vector<16xi32>
    %swap3A_750 = arith.constant 4 : i32
    %swap3A_751 = arith.index_cast %swap3A_750 : i32 to index
    %swap3A_752 = arith.constant 64 : index
    %swap3A_753 = tpu.vector_load %arg8[%swap3A_751, %swap3A_752] {strides = array<i32>} : memref<5x80xi32, #tpu.memory_space<vmem>>, vector<1x16xi32>,
    %swap3A_754 = vector.shape_cast %swap3A_753 : vector<1x16xi32> to vector<16xi32>
    %swap3A_755 = vector.shape_cast %add3A_749 : vector<16xi32> to vector<1x16xi32>
    tpu.vector_store %arg8[%swap3A_751, %swap3A_752], %swap3A_755 {strides = array<i32>} : memref<5x80xi32, #tpu.memory_space<vmem>>, vector<1x16xi32>,
    %dma_start3A_756 = arith.constant 4 : i32
    %dma_start3A_757 = arith.constant 4 : i32
    %dma_start3A_758 = arith.constant 0 : i32
    %dma_start3A_759 = arith.constant 0 : i32
    %dma_start3A_760 = tpu.memref_slice %arg6[%dma_start3A_756, %dma_start3A_758, %dma_start3A_759] : memref<5x80x128xf32, #tpu.memory_space<vmem>> -> memref<1x80x128xf32, #tpu.memory_space<vmem>>
    %dma_start3A_761 = tpu.memref_squeeze %dma_start3A_760 : memref<1x80x128xf32, #tpu.memory_space<vmem>> -> memref<80x128xf32, #tpu.memory_space<vmem>>
    %dma_start3A_762 = arith.constant 0 : i32
    %dma_start3A_763 = tpu.memref_slice %arg8[%dma_start3A_757, %dma_start3A_762] : memref<5x80xi32, #tpu.memory_space<vmem>> -> memref<1x80xi32, #tpu.memory_space<vmem>>
    %dma_start3A_764 = tpu.memref_squeeze %dma_start3A_763 : memref<1x80xi32, #tpu.memory_space<vmem>> -> memref<80xi32, #tpu.memory_space<vmem>>
    %dma_start3A_765 = arith.constant 0 : i32
    %dma_start3A_766 = arith.constant 0 : i32
    %dma_start3A_767 = tpu.memref_slice %arg11[%dma_start3A_765, %dma_start3A_766] : memref<64x128xf32, #tpu.memory_space<vmem_shared>> -> memref<64x128xf32, #tpu.memory_space<vmem_shared>>
    tpu.enqueue_indirect_dma source(%dma_start3A_761 : memref<80x128xf32, #tpu.memory_space<vmem>>) target(%dma_start3A_767 : memref<64x128xf32, #tpu.memory_space<vmem_shared>>) offsets(%dma_start3A_764 : memref<80xi32, #tpu.memory_space<vmem>>) semaphore(%arg22 : memref<!tpu.dma_semaphore, #tpu.memory_space<semaphore_mem>>) {add = true}
    %dma_wait3A_768 = arith.constant 4 : i32
    %dma_wait3A_769 = arith.constant 4 : i32
    %dma_wait3A_770 = arith.constant 0 : i32
    %dma_wait3A_771 = arith.constant 0 : i32
    %dma_wait3A_772 = tpu.memref_slice %arg6[%dma_wait3A_768, %dma_wait3A_770, %dma_wait3A_771] : memref<5x80x128xf32, #tpu.memory_space<vmem>> -> memref<1x80x128xf32, #tpu.memory_space<vmem>>
    %dma_wait3A_773 = tpu.memref_squeeze %dma_wait3A_772 : memref<1x80x128xf32, #tpu.memory_space<vmem>> -> memref<80x128xf32, #tpu.memory_space<vmem>>
    %dma_wait3A_774 = arith.constant 0 : i32
    %dma_wait3A_775 = tpu.memref_slice %arg8[%dma_wait3A_769, %dma_wait3A_774] : memref<5x80xi32, #tpu.memory_space<vmem>> -> memref<1x80xi32, #tpu.memory_space<vmem>>
    %dma_wait3A_776 = tpu.memref_squeeze %dma_wait3A_775 : memref<1x80xi32, #tpu.memory_space<vmem>> -> memref<80xi32, #tpu.memory_space<vmem>>
    %dma_wait3A_777 = arith.constant 0 : i32
    %dma_wait3A_778 = arith.constant 0 : i32
    %dma_wait3A_779 = tpu.memref_slice %arg11[%dma_wait3A_777, %dma_wait3A_778] : memref<64x128xf32, #tpu.memory_space<vmem_shared>> -> memref<64x128xf32, #tpu.memory_space<vmem_shared>>
    tpu.wait_indirect_dma semaphore(%arg22 : memref<!tpu.dma_semaphore, #tpu.memory_space<semaphore_mem>>) src(%dma_wait3A_773 : memref<80x128xf32, #tpu.memory_space<vmem>>) dst(%dma_wait3A_779 : memref<64x128xf32, #tpu.memory_space<vmem_shared>>)
    %mul3A_780 = arith.constant 4 : i32
    %mul3A_781 = arith.muli %add3A, %mul3A_780 : i32
    "tpu.region"() ({
      %run_scoped3A = tpu.sem_alloc : memref<!tpu.dma_semaphore, #tpu.memory_space<semaphore_mem>>
      %dma_start3A_784 = arith.constant 0 : i32
      %dma_start3A_785 = tpu.memref_slice %arg4[%mul3A_781, %dma_start3A_784] : memref<128x128xf32, #tpu.memory_space<hbm>> -> memref<4x128xf32, #tpu.memory_space<hbm>>
      %dma_start3A_786 = arith.constant 0 : i32
      %dma_start3A_787 = tpu.memref_slice %arg11[%mul3A_6, %dma_start3A_786] : memref<64x128xf32, #tpu.memory_space<vmem_shared>> -> memref<4x128xf32, #tpu.memory_space<vmem_shared>>
      tpu.enqueue_dma source(%dma_start3A_787 : memref<4x128xf32, #tpu.memory_space<vmem_shared>>) target(%dma_start3A_785 : memref<4x128xf32, #tpu.memory_space<hbm>>) target_semaphore(%run_scoped3A : memref<!tpu.dma_semaphore, #tpu.memory_space<semaphore_mem>>)
      %dma_wait3A_788 = arith.constant 0 : i32
      %dma_wait3A_789 = tpu.memref_slice %arg4[%mul3A_781, %dma_wait3A_788] : memref<128x128xf32, #tpu.memory_space<hbm>> -> memref<4x128xf32, #tpu.memory_space<hbm>>
      %dma_wait3A_790 = arith.constant 0 : i32
      %dma_wait3A_791 = tpu.memref_slice %arg11[%mul3A_6, %dma_wait3A_790] : memref<64x128xf32, #tpu.memory_space<vmem_shared>> -> memref<4x128xf32, #tpu.memory_space<vmem_shared>>
      tpu.wait_dma2 semaphore(%run_scoped3A : memref<!tpu.dma_semaphore, #tpu.memory_space<semaphore_mem>>) src(%dma_wait3A_791 : memref<4x128xf32, #tpu.memory_space<vmem_shared>>) dst(%dma_wait3A_789 : memref<4x128xf32, #tpu.memory_space<hbm>>)
      tpu.yield
    }) : () -> ()
    %mul3A_782 = arith.constant 4 : i32
    %mul3A_783 = arith.muli %add3A, %mul3A_782 : i32
    "tpu.region"() ({
      %run_scoped3A = tpu.sem_alloc : memref<!tpu.dma_semaphore, #tpu.memory_space<semaphore_mem>>
      %dma_start3A_784 = arith.constant 0 : i32
      %dma_start3A_785 = tpu.memref_slice %arg5[%mul3A_783, %dma_start3A_784] : memref<128x16xf32, #tpu.memory_space<hbm>> -> memref<4x16xf32, #tpu.memory_space<hbm>>
      %dma_start3A_786 = arith.constant 0 : i32
      %dma_start3A_787 = tpu.memref_slice %arg5[%mul3A_783, %dma_start3A_786] : memref<128x16xf32, #tpu.memory_space<hbm>> -> memref<4x16xf32, #tpu.memory_space<hbm>>
      tpu.enqueue_dma source(%arg10 : memref<4x16xf32, #tpu.memory_space<vmem>>) target(%dma_start3A_787 : memref<4x16xf32, #tpu.memory_space<hbm>>) target_semaphore(%run_scoped3A : memref<!tpu.dma_semaphore, #tpu.memory_space<semaphore_mem>>)
      %dma_wait3A_788 = arith.constant 0 : i32
      %dma_wait3A_789 = tpu.memref_slice %arg5[%mul3A_783, %dma_wait3A_788] : memref<128x16xf32, #tpu.memory_space<hbm>> -> memref<4x16xf32, #tpu.memory_space<hbm>>
      %dma_wait3A_790 = arith.constant 0 : i32
      %dma_wait3A_791 = tpu.memref_slice %arg5[%mul3A_783, %dma_wait3A_790] : memref<128x16xf32, #tpu.memory_space<hbm>> -> memref<4x16xf32, #tpu.memory_space<hbm>>
      tpu.wait_dma2 semaphore(%run_scoped3A : memref<!tpu.dma_semaphore, #tpu.memory_space<semaphore_mem>>) src(%arg10 : memref<4x16xf32, #tpu.memory_space<vmem>>) dst(%dma_wait3A_791 : memref<4x16xf32, #tpu.memory_space<hbm>>)
      tpu.yield
    }) : () -> ()
    return
  }
}

module attributes {stable_mosaic.version = 14 : i64} {
  func.func @_tc_part_body(%arg0: i32, %arg1: memref<1x1x3200xi32, #tpu.memory_space<vmem>>, %arg2: memref<3200x128xf32, #tpu.memory_space<vmem>>, %arg3: memref<4x128xf32, #tpu.memory_space<vmem>>, %arg4: memref<4x128xf32, #tpu.memory_space<vmem>>, %arg5: memref<4x128xf32, #tpu.memory_space<vmem>>, %arg6: memref<1x4xf32, #tpu.memory_space<smem>>) attributes {dimension_semantics = [#tpu.dimension_semantics<arbitrary>], iteration_bounds = array<i64: 44>, scalar_prefetch = 0 : i64, scratch_operands = 2 : i64, tpu.core_type = #tpu.core_type<tc>, window_params = [{transform_indices = @transform_0, window_bounds = array<i64: 1, 1, 3200>}, {transform_indices = @transform_1, window_bounds = array<i64: 3200, 128>}, {pipeline_mode = #tpu.pipeline_mode<synchronous>, transform_indices = @transform_2, window_bounds = array<i64: 4, 128>}, {pipeline_mode = #tpu.pipeline_mode<synchronous>, transform_indices = @transform_3, window_bounds = array<i64: 4, 128>}]} {
    %eq3A = arith.constant 0 : i32
    %eq3A_0 = arith.cmpi eq, %arg0, %eq3A : i32
    %convert_element_type3A = arith.extui %eq3A_0 : i1 to i32
    %cond3A = arith.constant 0 : i32
    %cond3A_1 = arith.cmpi ne, %convert_element_type3A, %cond3A : i32
    scf.if %cond3A_1 {
      %broadcast_in_dim3A_157 = arith.constant 0.000000e+00 : f32
      %broadcast_in_dim3A_158 = vector.broadcast %broadcast_in_dim3A_157 : f32 to vector<4x128xf32>
      %swap3A_159 = arith.constant 0 : index
      %swap3A_160 = arith.constant 0 : index
      %swap3A_161 = vector.load %arg5[%swap3A_159, %swap3A_160] : memref<4x128xf32, #tpu.memory_space<vmem>>, vector<4x128xf32>
      tpu.vector_store %arg5[%swap3A_159, %swap3A_160], %broadcast_in_dim3A_158 {strides = array<i32>} : memref<4x128xf32, #tpu.memory_space<vmem>>, vector<4x128xf32>,
      %swap3A_162 = arith.constant 0.000000e+00 : f32
      %swap3A_163 = arith.constant 0 : index
      %swap3A_164 = arith.constant 0 : index
      %swap3A_165 = memref.load %arg6[%swap3A_163, %swap3A_164] : memref<1x4xf32, #tpu.memory_space<smem>>
      memref.store %swap3A_162, %arg6[%swap3A_163, %swap3A_164] : memref<1x4xf32, #tpu.memory_space<smem>>
      %swap3A_166 = arith.constant 0.000000e+00 : f32
      %swap3A_167 = arith.constant 0 : index
      %swap3A_168 = arith.constant 1 : index
      %swap3A_169 = memref.load %arg6[%swap3A_167, %swap3A_168] : memref<1x4xf32, #tpu.memory_space<smem>>
      memref.store %swap3A_166, %arg6[%swap3A_167, %swap3A_168] : memref<1x4xf32, #tpu.memory_space<smem>>
      %swap3A_170 = arith.constant 0.000000e+00 : f32
      %swap3A_171 = arith.constant 0 : index
      %swap3A_172 = arith.constant 2 : index
      %swap3A_173 = memref.load %arg6[%swap3A_171, %swap3A_172] : memref<1x4xf32, #tpu.memory_space<smem>>
      memref.store %swap3A_170, %arg6[%swap3A_171, %swap3A_172] : memref<1x4xf32, #tpu.memory_space<smem>>
      %swap3A_174 = arith.constant 0.000000e+00 : f32
      %swap3A_175 = arith.constant 0 : index
      %swap3A_176 = arith.constant 3 : index
      %swap3A_177 = memref.load %arg6[%swap3A_175, %swap3A_176] : memref<1x4xf32, #tpu.memory_space<smem>>
      memref.store %swap3A_174, %arg6[%swap3A_175, %swap3A_176] : memref<1x4xf32, #tpu.memory_space<smem>>
    } else {
    }
    %get3A = arith.constant 0 : index
    %get3A_2 = arith.constant 0 : index
    %get3A_3 = arith.constant 0 : index
    %get3A_4 = vector.load %arg1[%get3A, %get3A_2, %get3A_3] : memref<1x1x3200xi32, #tpu.memory_space<vmem>>, vector<1x1x3200xi32>
    %get3A_5 = vector.shape_cast %get3A_4 : vector<1x1x3200xi32> to vector<3200xi32>
    %get3A_6 = arith.constant 0 : index
    %get3A_7 = arith.constant 0 : index
    %get3A_8 = vector.load %arg2[%get3A_6, %get3A_7] : memref<3200x128xf32, #tpu.memory_space<vmem>>, vector<3200x128xf32>
    %broadcast_in_dim3A = vector.shape_cast %get3A_5 : vector<3200xi32> to vector<3200x1xi32>
    %get3A_9 = arith.constant 0 : index
    %get3A_10 = arith.constant 0 : index
    %get3A_11 = vector.load %arg5[%get3A_9, %get3A_10] : memref<4x128xf32, #tpu.memory_space<vmem>>, vector<1x128xf32>
    %get3A_12 = vector.shape_cast %get3A_11 : vector<1x128xf32> to vector<128xf32>
    %eq3A_13 = arith.constant 0 : i32
    %eq3A_14 = vector.broadcast %eq3A_13 : i32 to vector<3200x1xi32>
    %eq3A_15 = arith.cmpi eq, %broadcast_in_dim3A, %eq3A_14 : vector<3200x1xi32>
    %jit3A = arith.constant 0.000000e+00 : f32
    %broadcast_in_dim3A_16 = vector.shape_cast %eq3A_15 : vector<3200x1xi1> to vector<3200x1xi1>
    %broadcast_in_dim3A_17 = vector.broadcast %broadcast_in_dim3A_16 : vector<3200x1xi1> to vector<3200x128xi1>
    %broadcast_in_dim3A_18 = vector.broadcast %jit3A : f32 to vector<3200x128xf32>
    %select_n3A = arith.select %broadcast_in_dim3A_17, %get3A_8, %broadcast_in_dim3A_18 : vector<3200x128xi1>, vector<3200x128xf32>
    %reduce_sum3A = arith.constant dense<0.000000e+00> : vector<128xf32>
    %reduce_sum3A_19 = vector.multi_reduction <add>, %select_n3A, %reduce_sum3A [0] : vector<3200x128xf32> to vector<128xf32>
    %add3A = arith.addf %get3A_12, %reduce_sum3A_19 : vector<128xf32>
    %swap3A = arith.constant 0 : index
    %swap3A_20 = arith.constant 0 : index
    %swap3A_21 = vector.load %arg5[%swap3A, %swap3A_20] : memref<4x128xf32, #tpu.memory_space<vmem>>, vector<1x128xf32>
    %swap3A_22 = vector.shape_cast %swap3A_21 : vector<1x128xf32> to vector<128xf32>
    %swap3A_23 = vector.shape_cast %add3A : vector<128xf32> to vector<1x128xf32>
    tpu.vector_store %arg5[%swap3A, %swap3A_20], %swap3A_23 {strides = array<i32>} : memref<4x128xf32, #tpu.memory_space<vmem>>, vector<1x128xf32>,
    %get3A_24 = arith.constant 0 : index
    %get3A_25 = arith.constant 0 : index
    %get3A_26 = memref.load %arg6[%get3A_24, %get3A_25] : memref<1x4xf32, #tpu.memory_space<smem>>
    %eq3A_27 = arith.constant 0 : i32
    %eq3A_28 = vector.broadcast %eq3A_27 : i32 to vector<3200xi32>
    %eq3A_29 = arith.cmpi eq, %get3A_5, %eq3A_28 : vector<3200xi32>
    %convert_element_type3A_30 = arith.extui %eq3A_29 : vector<3200xi1> to vector<3200xi32>
    %convert_element_type3A_31 = arith.sitofp %convert_element_type3A_30 : vector<3200xi32> to vector<3200xf32>
    %reduce_sum3A_32 = vector.shape_cast %convert_element_type3A_31 : vector<3200xf32> to vector<1x3200xf32>
    %reduce_sum3A_33 = arith.constant dense<0.000000e+00> : vector<1xf32>
    %reduce_sum3A_34 = vector.multi_reduction <add>, %reduce_sum3A_32, %reduce_sum3A_33 [1] : vector<1x3200xf32> to vector<1xf32>
    %reduce_sum3A_35 = vector.shape_cast %reduce_sum3A_34 : vector<1xf32> to vector<1x1xf32>
    %reduce_sum3A_36 = vector.extract %reduce_sum3A_35[0, 0] : f32 from vector<1x1xf32>
    %add3A_37 = arith.addf %get3A_26, %reduce_sum3A_36 : f32
    %swap3A_38 = arith.constant 0 : index
    %swap3A_39 = arith.constant 0 : index
    %swap3A_40 = memref.load %arg6[%swap3A_38, %swap3A_39] : memref<1x4xf32, #tpu.memory_space<smem>>
    memref.store %add3A_37, %arg6[%swap3A_38, %swap3A_39] : memref<1x4xf32, #tpu.memory_space<smem>>
    %get3A_41 = arith.constant 1 : index
    %get3A_42 = arith.constant 0 : index
    %get3A_43 = vector.load %arg5[%get3A_41, %get3A_42] : memref<4x128xf32, #tpu.memory_space<vmem>>, vector<1x128xf32>
    %get3A_44 = vector.shape_cast %get3A_43 : vector<1x128xf32> to vector<128xf32>
    %eq3A_45 = arith.constant 1 : i32
    %eq3A_46 = vector.broadcast %eq3A_45 : i32 to vector<3200x1xi32>
    %eq3A_47 = arith.cmpi eq, %broadcast_in_dim3A, %eq3A_46 : vector<3200x1xi32>
    %jit3A_48 = arith.constant 0.000000e+00 : f32
    %broadcast_in_dim3A_49 = vector.shape_cast %eq3A_47 : vector<3200x1xi1> to vector<3200x1xi1>
    %broadcast_in_dim3A_50 = vector.broadcast %broadcast_in_dim3A_49 : vector<3200x1xi1> to vector<3200x128xi1>
    %broadcast_in_dim3A_51 = vector.broadcast %jit3A_48 : f32 to vector<3200x128xf32>
    %select_n3A_52 = arith.select %broadcast_in_dim3A_50, %get3A_8, %broadcast_in_dim3A_51 : vector<3200x128xi1>, vector<3200x128xf32>
    %reduce_sum3A_53 = arith.constant dense<0.000000e+00> : vector<128xf32>
    %reduce_sum3A_54 = vector.multi_reduction <add>, %select_n3A_52, %reduce_sum3A_53 [0] : vector<3200x128xf32> to vector<128xf32>
    %add3A_55 = arith.addf %get3A_44, %reduce_sum3A_54 : vector<128xf32>
    %swap3A_56 = arith.constant 1 : index
    %swap3A_57 = arith.constant 0 : index
    %swap3A_58 = vector.load %arg5[%swap3A_56, %swap3A_57] : memref<4x128xf32, #tpu.memory_space<vmem>>, vector<1x128xf32>
    %swap3A_59 = vector.shape_cast %swap3A_58 : vector<1x128xf32> to vector<128xf32>
    %swap3A_60 = vector.shape_cast %add3A_55 : vector<128xf32> to vector<1x128xf32>
    tpu.vector_store %arg5[%swap3A_56, %swap3A_57], %swap3A_60 {strides = array<i32>} : memref<4x128xf32, #tpu.memory_space<vmem>>, vector<1x128xf32>,
    %get3A_61 = arith.constant 0 : index
    %get3A_62 = arith.constant 1 : index
    %get3A_63 = memref.load %arg6[%get3A_61, %get3A_62] : memref<1x4xf32, #tpu.memory_space<smem>>
    %eq3A_64 = arith.constant 1 : i32
    %eq3A_65 = vector.broadcast %eq3A_64 : i32 to vector<3200xi32>
    %eq3A_66 = arith.cmpi eq, %get3A_5, %eq3A_65 : vector<3200xi32>
    %convert_element_type3A_67 = arith.extui %eq3A_66 : vector<3200xi1> to vector<3200xi32>
    %convert_element_type3A_68 = arith.sitofp %convert_element_type3A_67 : vector<3200xi32> to vector<3200xf32>
    %reduce_sum3A_69 = vector.shape_cast %convert_element_type3A_68 : vector<3200xf32> to vector<1x3200xf32>
    %reduce_sum3A_70 = arith.constant dense<0.000000e+00> : vector<1xf32>
    %reduce_sum3A_71 = vector.multi_reduction <add>, %reduce_sum3A_69, %reduce_sum3A_70 [1] : vector<1x3200xf32> to vector<1xf32>
    %reduce_sum3A_72 = vector.shape_cast %reduce_sum3A_71 : vector<1xf32> to vector<1x1xf32>
    %reduce_sum3A_73 = vector.extract %reduce_sum3A_72[0, 0] : f32 from vector<1x1xf32>
    %add3A_74 = arith.addf %get3A_63, %reduce_sum3A_73 : f32
    %swap3A_75 = arith.constant 0 : index
    %swap3A_76 = arith.constant 1 : index
    %swap3A_77 = memref.load %arg6[%swap3A_75, %swap3A_76] : memref<1x4xf32, #tpu.memory_space<smem>>
    memref.store %add3A_74, %arg6[%swap3A_75, %swap3A_76] : memref<1x4xf32, #tpu.memory_space<smem>>
    %get3A_78 = arith.constant 2 : index
    %get3A_79 = arith.constant 0 : index
    %get3A_80 = vector.load %arg5[%get3A_78, %get3A_79] : memref<4x128xf32, #tpu.memory_space<vmem>>, vector<1x128xf32>
    %get3A_81 = vector.shape_cast %get3A_80 : vector<1x128xf32> to vector<128xf32>
    %eq3A_82 = arith.constant 2 : i32
    %eq3A_83 = vector.broadcast %eq3A_82 : i32 to vector<3200x1xi32>
    %eq3A_84 = arith.cmpi eq, %broadcast_in_dim3A, %eq3A_83 : vector<3200x1xi32>
    %jit3A_85 = arith.constant 0.000000e+00 : f32
    %broadcast_in_dim3A_86 = vector.shape_cast %eq3A_84 : vector<3200x1xi1> to vector<3200x1xi1>
    %broadcast_in_dim3A_87 = vector.broadcast %broadcast_in_dim3A_86 : vector<3200x1xi1> to vector<3200x128xi1>
    %broadcast_in_dim3A_88 = vector.broadcast %jit3A_85 : f32 to vector<3200x128xf32>
    %select_n3A_89 = arith.select %broadcast_in_dim3A_87, %get3A_8, %broadcast_in_dim3A_88 : vector<3200x128xi1>, vector<3200x128xf32>
    %reduce_sum3A_90 = arith.constant dense<0.000000e+00> : vector<128xf32>
    %reduce_sum3A_91 = vector.multi_reduction <add>, %select_n3A_89, %reduce_sum3A_90 [0] : vector<3200x128xf32> to vector<128xf32>
    %add3A_92 = arith.addf %get3A_81, %reduce_sum3A_91 : vector<128xf32>
    %swap3A_93 = arith.constant 2 : index
    %swap3A_94 = arith.constant 0 : index
    %swap3A_95 = vector.load %arg5[%swap3A_93, %swap3A_94] : memref<4x128xf32, #tpu.memory_space<vmem>>, vector<1x128xf32>
    %swap3A_96 = vector.shape_cast %swap3A_95 : vector<1x128xf32> to vector<128xf32>
    %swap3A_97 = vector.shape_cast %add3A_92 : vector<128xf32> to vector<1x128xf32>
    tpu.vector_store %arg5[%swap3A_93, %swap3A_94], %swap3A_97 {strides = array<i32>} : memref<4x128xf32, #tpu.memory_space<vmem>>, vector<1x128xf32>,
    %get3A_98 = arith.constant 0 : index
    %get3A_99 = arith.constant 2 : index
    %get3A_100 = memref.load %arg6[%get3A_98, %get3A_99] : memref<1x4xf32, #tpu.memory_space<smem>>
    %eq3A_101 = arith.constant 2 : i32
    %eq3A_102 = vector.broadcast %eq3A_101 : i32 to vector<3200xi32>
    %eq3A_103 = arith.cmpi eq, %get3A_5, %eq3A_102 : vector<3200xi32>
    %convert_element_type3A_104 = arith.extui %eq3A_103 : vector<3200xi1> to vector<3200xi32>
    %convert_element_type3A_105 = arith.sitofp %convert_element_type3A_104 : vector<3200xi32> to vector<3200xf32>
    %reduce_sum3A_106 = vector.shape_cast %convert_element_type3A_105 : vector<3200xf32> to vector<1x3200xf32>
    %reduce_sum3A_107 = arith.constant dense<0.000000e+00> : vector<1xf32>
    %reduce_sum3A_108 = vector.multi_reduction <add>, %reduce_sum3A_106, %reduce_sum3A_107 [1] : vector<1x3200xf32> to vector<1xf32>
    %reduce_sum3A_109 = vector.shape_cast %reduce_sum3A_108 : vector<1xf32> to vector<1x1xf32>
    %reduce_sum3A_110 = vector.extract %reduce_sum3A_109[0, 0] : f32 from vector<1x1xf32>
    %add3A_111 = arith.addf %get3A_100, %reduce_sum3A_110 : f32
    %swap3A_112 = arith.constant 0 : index
    %swap3A_113 = arith.constant 2 : index
    %swap3A_114 = memref.load %arg6[%swap3A_112, %swap3A_113] : memref<1x4xf32, #tpu.memory_space<smem>>
    memref.store %add3A_111, %arg6[%swap3A_112, %swap3A_113] : memref<1x4xf32, #tpu.memory_space<smem>>
    %get3A_115 = arith.constant 3 : index
    %get3A_116 = arith.constant 0 : index
    %get3A_117 = vector.load %arg5[%get3A_115, %get3A_116] : memref<4x128xf32, #tpu.memory_space<vmem>>, vector<1x128xf32>
    %get3A_118 = vector.shape_cast %get3A_117 : vector<1x128xf32> to vector<128xf32>
    %eq3A_119 = arith.constant 3 : i32
    %eq3A_120 = vector.broadcast %eq3A_119 : i32 to vector<3200x1xi32>
    %eq3A_121 = arith.cmpi eq, %broadcast_in_dim3A, %eq3A_120 : vector<3200x1xi32>
    %jit3A_122 = arith.constant 0.000000e+00 : f32
    %broadcast_in_dim3A_123 = vector.shape_cast %eq3A_121 : vector<3200x1xi1> to vector<3200x1xi1>
    %broadcast_in_dim3A_124 = vector.broadcast %broadcast_in_dim3A_123 : vector<3200x1xi1> to vector<3200x128xi1>
    %broadcast_in_dim3A_125 = vector.broadcast %jit3A_122 : f32 to vector<3200x128xf32>
    %select_n3A_126 = arith.select %broadcast_in_dim3A_124, %get3A_8, %broadcast_in_dim3A_125 : vector<3200x128xi1>, vector<3200x128xf32>
    %reduce_sum3A_127 = arith.constant dense<0.000000e+00> : vector<128xf32>
    %reduce_sum3A_128 = vector.multi_reduction <add>, %select_n3A_126, %reduce_sum3A_127 [0] : vector<3200x128xf32> to vector<128xf32>
    %add3A_129 = arith.addf %get3A_118, %reduce_sum3A_128 : vector<128xf32>
    %swap3A_130 = arith.constant 3 : index
    %swap3A_131 = arith.constant 0 : index
    %swap3A_132 = vector.load %arg5[%swap3A_130, %swap3A_131] : memref<4x128xf32, #tpu.memory_space<vmem>>, vector<1x128xf32>
    %swap3A_133 = vector.shape_cast %swap3A_132 : vector<1x128xf32> to vector<128xf32>
    %swap3A_134 = vector.shape_cast %add3A_129 : vector<128xf32> to vector<1x128xf32>
    tpu.vector_store %arg5[%swap3A_130, %swap3A_131], %swap3A_134 {strides = array<i32>} : memref<4x128xf32, #tpu.memory_space<vmem>>, vector<1x128xf32>,
    %get3A_135 = arith.constant 0 : index
    %get3A_136 = arith.constant 3 : index
    %get3A_137 = memref.load %arg6[%get3A_135, %get3A_136] : memref<1x4xf32, #tpu.memory_space<smem>>
    %eq3A_138 = arith.constant 3 : i32
    %eq3A_139 = vector.broadcast %eq3A_138 : i32 to vector<3200xi32>
    %eq3A_140 = arith.cmpi eq, %get3A_5, %eq3A_139 : vector<3200xi32>
    %convert_element_type3A_141 = arith.extui %eq3A_140 : vector<3200xi1> to vector<3200xi32>
    %convert_element_type3A_142 = arith.sitofp %convert_element_type3A_141 : vector<3200xi32> to vector<3200xf32>
    %reduce_sum3A_143 = vector.shape_cast %convert_element_type3A_142 : vector<3200xf32> to vector<1x3200xf32>
    %reduce_sum3A_144 = arith.constant dense<0.000000e+00> : vector<1xf32>
    %reduce_sum3A_145 = vector.multi_reduction <add>, %reduce_sum3A_143, %reduce_sum3A_144 [1] : vector<1x3200xf32> to vector<1xf32>
    %reduce_sum3A_146 = vector.shape_cast %reduce_sum3A_145 : vector<1xf32> to vector<1x1xf32>
    %reduce_sum3A_147 = vector.extract %reduce_sum3A_146[0, 0] : f32 from vector<1x1xf32>
    %add3A_148 = arith.addf %get3A_137, %reduce_sum3A_147 : f32
    %swap3A_149 = arith.constant 0 : index
    %swap3A_150 = arith.constant 3 : index
    %swap3A_151 = memref.load %arg6[%swap3A_149, %swap3A_150] : memref<1x4xf32, #tpu.memory_space<smem>>
    memref.store %add3A_148, %arg6[%swap3A_149, %swap3A_150] : memref<1x4xf32, #tpu.memory_space<smem>>
    %eq3A_152 = arith.constant 43 : i32
    %eq3A_153 = arith.cmpi eq, %arg0, %eq3A_152 : i32
    %convert_element_type3A_154 = arith.extui %eq3A_153 : i1 to i32
    %cond3A_155 = arith.constant 0 : i32
    %cond3A_156 = arith.cmpi ne, %convert_element_type3A_154, %cond3A_155 : i32
    scf.if %cond3A_156 {
      %get3A_157 = arith.constant 0 : index
      %get3A_158 = arith.constant 0 : index
      %get3A_159 = vector.load %arg5[%get3A_157, %get3A_158] : memref<4x128xf32, #tpu.memory_space<vmem>>, vector<4x128xf32>
      %swap3A_160 = arith.constant 0 : index
      %swap3A_161 = arith.constant 0 : index
      %swap3A_162 = vector.load %arg3[%swap3A_160, %swap3A_161] : memref<4x128xf32, #tpu.memory_space<vmem>>, vector<4x128xf32>
      tpu.vector_store %arg3[%swap3A_160, %swap3A_161], %get3A_159 {strides = array<i32>} : memref<4x128xf32, #tpu.memory_space<vmem>>, vector<4x128xf32>,
      %get3A_163 = arith.constant 0 : index
      %get3A_164 = arith.constant 0 : index
      %get3A_165 = memref.load %arg6[%get3A_163, %get3A_164] : memref<1x4xf32, #tpu.memory_space<smem>>
      %broadcast_in_dim3A_166 = vector.broadcast %get3A_165 : f32 to vector<128xf32>
      %swap3A_167 = arith.constant 0 : index
      %swap3A_168 = arith.constant 0 : index
      %swap3A_169 = vector.load %arg4[%swap3A_167, %swap3A_168] : memref<4x128xf32, #tpu.memory_space<vmem>>, vector<1x128xf32>
      %swap3A_170 = vector.shape_cast %swap3A_169 : vector<1x128xf32> to vector<128xf32>
      %swap3A_171 = vector.shape_cast %broadcast_in_dim3A_166 : vector<128xf32> to vector<1x128xf32>
      tpu.vector_store %arg4[%swap3A_167, %swap3A_168], %swap3A_171 {strides = array<i32>} : memref<4x128xf32, #tpu.memory_space<vmem>>, vector<1x128xf32>,
      %get3A_172 = arith.constant 0 : index
      %get3A_173 = arith.constant 1 : index
      %get3A_174 = memref.load %arg6[%get3A_172, %get3A_173] : memref<1x4xf32, #tpu.memory_space<smem>>
      %broadcast_in_dim3A_175 = vector.broadcast %get3A_174 : f32 to vector<128xf32>
      %swap3A_176 = arith.constant 1 : index
      %swap3A_177 = arith.constant 0 : index
      %swap3A_178 = vector.load %arg4[%swap3A_176, %swap3A_177] : memref<4x128xf32, #tpu.memory_space<vmem>>, vector<1x128xf32>
      %swap3A_179 = vector.shape_cast %swap3A_178 : vector<1x128xf32> to vector<128xf32>
      %swap3A_180 = vector.shape_cast %broadcast_in_dim3A_175 : vector<128xf32> to vector<1x128xf32>
      tpu.vector_store %arg4[%swap3A_176, %swap3A_177], %swap3A_180 {strides = array<i32>} : memref<4x128xf32, #tpu.memory_space<vmem>>, vector<1x128xf32>,
      %get3A_181 = arith.constant 0 : index
      %get3A_182 = arith.constant 2 : index
      %get3A_183 = memref.load %arg6[%get3A_181, %get3A_182] : memref<1x4xf32, #tpu.memory_space<smem>>
      %broadcast_in_dim3A_184 = vector.broadcast %get3A_183 : f32 to vector<128xf32>
      %swap3A_185 = arith.constant 2 : index
      %swap3A_186 = arith.constant 0 : index
      %swap3A_187 = vector.load %arg4[%swap3A_185, %swap3A_186] : memref<4x128xf32, #tpu.memory_space<vmem>>, vector<1x128xf32>
      %swap3A_188 = vector.shape_cast %swap3A_187 : vector<1x128xf32> to vector<128xf32>
      %swap3A_189 = vector.shape_cast %broadcast_in_dim3A_184 : vector<128xf32> to vector<1x128xf32>
      tpu.vector_store %arg4[%swap3A_185, %swap3A_186], %swap3A_189 {strides = array<i32>} : memref<4x128xf32, #tpu.memory_space<vmem>>, vector<1x128xf32>,
      %get3A_190 = arith.constant 0 : index
      %get3A_191 = arith.constant 3 : index
      %get3A_192 = memref.load %arg6[%get3A_190, %get3A_191] : memref<1x4xf32, #tpu.memory_space<smem>>
      %broadcast_in_dim3A_193 = vector.broadcast %get3A_192 : f32 to vector<128xf32>
      %swap3A_194 = arith.constant 3 : index
      %swap3A_195 = arith.constant 0 : index
      %swap3A_196 = vector.load %arg4[%swap3A_194, %swap3A_195] : memref<4x128xf32, #tpu.memory_space<vmem>>, vector<1x128xf32>
      %swap3A_197 = vector.shape_cast %swap3A_196 : vector<1x128xf32> to vector<128xf32>
      %swap3A_198 = vector.shape_cast %broadcast_in_dim3A_193 : vector<128xf32> to vector<1x128xf32>
      tpu.vector_store %arg4[%swap3A_194, %swap3A_195], %swap3A_198 {strides = array<i32>} : memref<4x128xf32, #tpu.memory_space<vmem>>, vector<1x128xf32>,
    } else {
    }
    return
  }
  func.func @transform_0(%arg0: i32) -> (i32, i32, i32) {
    %c0_i32 = arith.constant 0 : i32
    %c0_i32_0 = arith.constant 0 : i32
    %c0_i32_1 = arith.constant 0 : i32
    return %arg0, %c0_i32, %c0_i32_0 : i32, i32, i32
  }
  func.func @transform_1(%arg0: i32) -> (i32, i32) {
    %c0_i32 = arith.constant 0 : i32
    %c0_i32_0 = arith.constant 0 : i32
    return %arg0, %c0_i32 : i32, i32
  }
  func.func @transform_2(%arg0: i32) -> (i32, i32) {
    %c0_i32 = arith.constant 0 : i32
    %c0_i32_0 = arith.constant 0 : i32
    %c0_i32_1 = arith.constant 0 : i32
    return %c0_i32, %c0_i32_0 : i32, i32
  }
  func.func @transform_3(%arg0: i32) -> (i32, i32) {
    %c0_i32 = arith.constant 0 : i32
    %c0_i32_0 = arith.constant 0 : i32
    %c0_i32_1 = arith.constant 0 : i32
    return %c0_i32, %c0_i32_0 : i32, i32
  }
}

module attributes {stable_mosaic.version = 14 : i64} {
  func.func @_fin_body(%arg0: memref<128x128xf32, #tpu.memory_space<vmem>>, %arg1: memref<128x16xf32, #tpu.memory_space<vmem>>, %arg2: memref<4x128xf32, #tpu.memory_space<vmem>>, %arg3: memref<4x128xf32, #tpu.memory_space<vmem>>, %arg4: memref<4x128xf32, #tpu.memory_space<vmem>>) attributes {dimension_semantics = [], scalar_prefetch = 0 : i64, scratch_operands = 0 : i64, tpu.core_type = #tpu.core_type<tc>} {
    %get3A = arith.constant 0 : index
    %get3A_0 = arith.constant 0 : index
    %get3A_1 = vector.load %arg2[%get3A, %get3A_0] : memref<4x128xf32, #tpu.memory_space<vmem>>, vector<4x128xf32>
    %get3A_2 = arith.constant 0 : index
    %get3A_3 = arith.constant 0 : index
    %get3A_4 = vector.load %arg0[%get3A_2, %get3A_3] : memref<128x128xf32, #tpu.memory_space<vmem>>, vector<4x128xf32>
    %add3A = arith.addf %get3A_1, %get3A_4 : vector<4x128xf32>
    %get3A_5 = arith.constant 4 : index
    %get3A_6 = arith.constant 0 : index
    %get3A_7 = vector.load %arg0[%get3A_5, %get3A_6] : memref<128x128xf32, #tpu.memory_space<vmem>>, vector<4x128xf32>
    %add3A_8 = arith.addf %add3A, %get3A_7 : vector<4x128xf32>
    %get3A_9 = arith.constant 8 : index
    %get3A_10 = arith.constant 0 : index
    %get3A_11 = vector.load %arg0[%get3A_9, %get3A_10] : memref<128x128xf32, #tpu.memory_space<vmem>>, vector<4x128xf32>
    %add3A_12 = arith.addf %add3A_8, %get3A_11 : vector<4x128xf32>
    %get3A_13 = arith.constant 12 : index
    %get3A_14 = arith.constant 0 : index
    %get3A_15 = vector.load %arg0[%get3A_13, %get3A_14] : memref<128x128xf32, #tpu.memory_space<vmem>>, vector<4x128xf32>
    %add3A_16 = arith.addf %add3A_12, %get3A_15 : vector<4x128xf32>
    %get3A_17 = arith.constant 16 : index
    %get3A_18 = arith.constant 0 : index
    %get3A_19 = vector.load %arg0[%get3A_17, %get3A_18] : memref<128x128xf32, #tpu.memory_space<vmem>>, vector<4x128xf32>
    %add3A_20 = arith.addf %add3A_16, %get3A_19 : vector<4x128xf32>
    %get3A_21 = arith.constant 20 : index
    %get3A_22 = arith.constant 0 : index
    %get3A_23 = vector.load %arg0[%get3A_21, %get3A_22] : memref<128x128xf32, #tpu.memory_space<vmem>>, vector<4x128xf32>
    %add3A_24 = arith.addf %add3A_20, %get3A_23 : vector<4x128xf32>
    %get3A_25 = arith.constant 24 : index
    %get3A_26 = arith.constant 0 : index
    %get3A_27 = vector.load %arg0[%get3A_25, %get3A_26] : memref<128x128xf32, #tpu.memory_space<vmem>>, vector<4x128xf32>
    %add3A_28 = arith.addf %add3A_24, %get3A_27 : vector<4x128xf32>
    %get3A_29 = arith.constant 28 : index
    %get3A_30 = arith.constant 0 : index
    %get3A_31 = vector.load %arg0[%get3A_29, %get3A_30] : memref<128x128xf32, #tpu.memory_space<vmem>>, vector<4x128xf32>
    %add3A_32 = arith.addf %add3A_28, %get3A_31 : vector<4x128xf32>
    %get3A_33 = arith.constant 32 : index
    %get3A_34 = arith.constant 0 : index
    %get3A_35 = vector.load %arg0[%get3A_33, %get3A_34] : memref<128x128xf32, #tpu.memory_space<vmem>>, vector<4x128xf32>
    %add3A_36 = arith.addf %add3A_32, %get3A_35 : vector<4x128xf32>
    %get3A_37 = arith.constant 36 : index
    %get3A_38 = arith.constant 0 : index
    %get3A_39 = vector.load %arg0[%get3A_37, %get3A_38] : memref<128x128xf32, #tpu.memory_space<vmem>>, vector<4x128xf32>
    %add3A_40 = arith.addf %add3A_36, %get3A_39 : vector<4x128xf32>
    %get3A_41 = arith.constant 40 : index
    %get3A_42 = arith.constant 0 : index
    %get3A_43 = vector.load %arg0[%get3A_41, %get3A_42] : memref<128x128xf32, #tpu.memory_space<vmem>>, vector<4x128xf32>
    %add3A_44 = arith.addf %add3A_40, %get3A_43 : vector<4x128xf32>
    %get3A_45 = arith.constant 44 : index
    %get3A_46 = arith.constant 0 : index
    %get3A_47 = vector.load %arg0[%get3A_45, %get3A_46] : memref<128x128xf32, #tpu.memory_space<vmem>>, vector<4x128xf32>
    %add3A_48 = arith.addf %add3A_44, %get3A_47 : vector<4x128xf32>
    %get3A_49 = arith.constant 48 : index
    %get3A_50 = arith.constant 0 : index
    %get3A_51 = vector.load %arg0[%get3A_49, %get3A_50] : memref<128x128xf32, #tpu.memory_space<vmem>>, vector<4x128xf32>
    %add3A_52 = arith.addf %add3A_48, %get3A_51 : vector<4x128xf32>
    %get3A_53 = arith.constant 52 : index
    %get3A_54 = arith.constant 0 : index
    %get3A_55 = vector.load %arg0[%get3A_53, %get3A_54] : memref<128x128xf32, #tpu.memory_space<vmem>>, vector<4x128xf32>
    %add3A_56 = arith.addf %add3A_52, %get3A_55 : vector<4x128xf32>
    %get3A_57 = arith.constant 56 : index
    %get3A_58 = arith.constant 0 : index
    %get3A_59 = vector.load %arg0[%get3A_57, %get3A_58] : memref<128x128xf32, #tpu.memory_space<vmem>>, vector<4x128xf32>
    %add3A_60 = arith.addf %add3A_56, %get3A_59 : vector<4x128xf32>
    %get3A_61 = arith.constant 60 : index
    %get3A_62 = arith.constant 0 : index
    %get3A_63 = vector.load %arg0[%get3A_61, %get3A_62] : memref<128x128xf32, #tpu.memory_space<vmem>>, vector<4x128xf32>
    %add3A_64 = arith.addf %add3A_60, %get3A_63 : vector<4x128xf32>
    %get3A_65 = arith.constant 64 : index
    %get3A_66 = arith.constant 0 : index
    %get3A_67 = vector.load %arg0[%get3A_65, %get3A_66] : memref<128x128xf32, #tpu.memory_space<vmem>>, vector<4x128xf32>
    %add3A_68 = arith.addf %add3A_64, %get3A_67 : vector<4x128xf32>
    %get3A_69 = arith.constant 68 : index
    %get3A_70 = arith.constant 0 : index
    %get3A_71 = vector.load %arg0[%get3A_69, %get3A_70] : memref<128x128xf32, #tpu.memory_space<vmem>>, vector<4x128xf32>
    %add3A_72 = arith.addf %add3A_68, %get3A_71 : vector<4x128xf32>
    %get3A_73 = arith.constant 72 : index
    %get3A_74 = arith.constant 0 : index
    %get3A_75 = vector.load %arg0[%get3A_73, %get3A_74] : memref<128x128xf32, #tpu.memory_space<vmem>>, vector<4x128xf32>
    %add3A_76 = arith.addf %add3A_72, %get3A_75 : vector<4x128xf32>
    %get3A_77 = arith.constant 76 : index
    %get3A_78 = arith.constant 0 : index
    %get3A_79 = vector.load %arg0[%get3A_77, %get3A_78] : memref<128x128xf32, #tpu.memory_space<vmem>>, vector<4x128xf32>
    %add3A_80 = arith.addf %add3A_76, %get3A_79 : vector<4x128xf32>
    %get3A_81 = arith.constant 80 : index
    %get3A_82 = arith.constant 0 : index
    %get3A_83 = vector.load %arg0[%get3A_81, %get3A_82] : memref<128x128xf32, #tpu.memory_space<vmem>>, vector<4x128xf32>
    %add3A_84 = arith.addf %add3A_80, %get3A_83 : vector<4x128xf32>
    %get3A_85 = arith.constant 84 : index
    %get3A_86 = arith.constant 0 : index
    %get3A_87 = vector.load %arg0[%get3A_85, %get3A_86] : memref<128x128xf32, #tpu.memory_space<vmem>>, vector<4x128xf32>
    %add3A_88 = arith.addf %add3A_84, %get3A_87 : vector<4x128xf32>
    %get3A_89 = arith.constant 88 : index
    %get3A_90 = arith.constant 0 : index
    %get3A_91 = vector.load %arg0[%get3A_89, %get3A_90] : memref<128x128xf32, #tpu.memory_space<vmem>>, vector<4x128xf32>
    %add3A_92 = arith.addf %add3A_88, %get3A_91 : vector<4x128xf32>
    %get3A_93 = arith.constant 92 : index
    %get3A_94 = arith.constant 0 : index
    %get3A_95 = vector.load %arg0[%get3A_93, %get3A_94] : memref<128x128xf32, #tpu.memory_space<vmem>>, vector<4x128xf32>
    %add3A_96 = arith.addf %add3A_92, %get3A_95 : vector<4x128xf32>
    %get3A_97 = arith.constant 96 : index
    %get3A_98 = arith.constant 0 : index
    %get3A_99 = vector.load %arg0[%get3A_97, %get3A_98] : memref<128x128xf32, #tpu.memory_space<vmem>>, vector<4x128xf32>
    %add3A_100 = arith.addf %add3A_96, %get3A_99 : vector<4x128xf32>
    %get3A_101 = arith.constant 100 : index
    %get3A_102 = arith.constant 0 : index
    %get3A_103 = vector.load %arg0[%get3A_101, %get3A_102] : memref<128x128xf32, #tpu.memory_space<vmem>>, vector<4x128xf32>
    %add3A_104 = arith.addf %add3A_100, %get3A_103 : vector<4x128xf32>
    %get3A_105 = arith.constant 104 : index
    %get3A_106 = arith.constant 0 : index
    %get3A_107 = vector.load %arg0[%get3A_105, %get3A_106] : memref<128x128xf32, #tpu.memory_space<vmem>>, vector<4x128xf32>
    %add3A_108 = arith.addf %add3A_104, %get3A_107 : vector<4x128xf32>
    %get3A_109 = arith.constant 108 : index
    %get3A_110 = arith.constant 0 : index
    %get3A_111 = vector.load %arg0[%get3A_109, %get3A_110] : memref<128x128xf32, #tpu.memory_space<vmem>>, vector<4x128xf32>
    %add3A_112 = arith.addf %add3A_108, %get3A_111 : vector<4x128xf32>
    %get3A_113 = arith.constant 112 : index
    %get3A_114 = arith.constant 0 : index
    %get3A_115 = vector.load %arg0[%get3A_113, %get3A_114] : memref<128x128xf32, #tpu.memory_space<vmem>>, vector<4x128xf32>
    %add3A_116 = arith.addf %add3A_112, %get3A_115 : vector<4x128xf32>
    %get3A_117 = arith.constant 116 : index
    %get3A_118 = arith.constant 0 : index
    %get3A_119 = vector.load %arg0[%get3A_117, %get3A_118] : memref<128x128xf32, #tpu.memory_space<vmem>>, vector<4x128xf32>
    %add3A_120 = arith.addf %add3A_116, %get3A_119 : vector<4x128xf32>
    %get3A_121 = arith.constant 120 : index
    %get3A_122 = arith.constant 0 : index
    %get3A_123 = vector.load %arg0[%get3A_121, %get3A_122] : memref<128x128xf32, #tpu.memory_space<vmem>>, vector<4x128xf32>
    %add3A_124 = arith.addf %add3A_120, %get3A_123 : vector<4x128xf32>
    %get3A_125 = arith.constant 124 : index
    %get3A_126 = arith.constant 0 : index
    %get3A_127 = vector.load %arg0[%get3A_125, %get3A_126] : memref<128x128xf32, #tpu.memory_space<vmem>>, vector<4x128xf32>
    %add3A_128 = arith.addf %add3A_124, %get3A_127 : vector<4x128xf32>
    %get3A_129 = arith.constant 0 : index
    %get3A_130 = arith.constant 0 : index
    %get3A_131 = vector.load %arg1[%get3A_129, %get3A_130] : memref<128x16xf32, #tpu.memory_space<vmem>>, vector<4x16xf32>
    %get3A_132 = arith.constant 4 : index
    %get3A_133 = arith.constant 0 : index
    %get3A_134 = vector.load %arg1[%get3A_132, %get3A_133] : memref<128x16xf32, #tpu.memory_space<vmem>>, vector<4x16xf32>
    %add3A_135 = arith.addf %get3A_131, %get3A_134 : vector<4x16xf32>
    %get3A_136 = arith.constant 8 : index
    %get3A_137 = arith.constant 0 : index
    %get3A_138 = vector.load %arg1[%get3A_136, %get3A_137] : memref<128x16xf32, #tpu.memory_space<vmem>>, vector<4x16xf32>
    %add3A_139 = arith.addf %add3A_135, %get3A_138 : vector<4x16xf32>
    %get3A_140 = arith.constant 12 : index
    %get3A_141 = arith.constant 0 : index
    %get3A_142 = vector.load %arg1[%get3A_140, %get3A_141] : memref<128x16xf32, #tpu.memory_space<vmem>>, vector<4x16xf32>
    %add3A_143 = arith.addf %add3A_139, %get3A_142 : vector<4x16xf32>
    %get3A_144 = arith.constant 16 : index
    %get3A_145 = arith.constant 0 : index
    %get3A_146 = vector.load %arg1[%get3A_144, %get3A_145] : memref<128x16xf32, #tpu.memory_space<vmem>>, vector<4x16xf32>
    %add3A_147 = arith.addf %add3A_143, %get3A_146 : vector<4x16xf32>
    %get3A_148 = arith.constant 20 : index
    %get3A_149 = arith.constant 0 : index
    %get3A_150 = vector.load %arg1[%get3A_148, %get3A_149] : memref<128x16xf32, #tpu.memory_space<vmem>>, vector<4x16xf32>
    %add3A_151 = arith.addf %add3A_147, %get3A_150 : vector<4x16xf32>
    %get3A_152 = arith.constant 24 : index
    %get3A_153 = arith.constant 0 : index
    %get3A_154 = vector.load %arg1[%get3A_152, %get3A_153] : memref<128x16xf32, #tpu.memory_space<vmem>>, vector<4x16xf32>
    %add3A_155 = arith.addf %add3A_151, %get3A_154 : vector<4x16xf32>
    %get3A_156 = arith.constant 28 : index
    %get3A_157 = arith.constant 0 : index
    %get3A_158 = vector.load %arg1[%get3A_156, %get3A_157] : memref<128x16xf32, #tpu.memory_space<vmem>>, vector<4x16xf32>
    %add3A_159 = arith.addf %add3A_155, %get3A_158 : vector<4x16xf32>
    %get3A_160 = arith.constant 32 : index
    %get3A_161 = arith.constant 0 : index
    %get3A_162 = vector.load %arg1[%get3A_160, %get3A_161] : memref<128x16xf32, #tpu.memory_space<vmem>>, vector<4x16xf32>
    %add3A_163 = arith.addf %add3A_159, %get3A_162 : vector<4x16xf32>
    %get3A_164 = arith.constant 36 : index
    %get3A_165 = arith.constant 0 : index
    %get3A_166 = vector.load %arg1[%get3A_164, %get3A_165] : memref<128x16xf32, #tpu.memory_space<vmem>>, vector<4x16xf32>
    %add3A_167 = arith.addf %add3A_163, %get3A_166 : vector<4x16xf32>
    %get3A_168 = arith.constant 40 : index
    %get3A_169 = arith.constant 0 : index
    %get3A_170 = vector.load %arg1[%get3A_168, %get3A_169] : memref<128x16xf32, #tpu.memory_space<vmem>>, vector<4x16xf32>
    %add3A_171 = arith.addf %add3A_167, %get3A_170 : vector<4x16xf32>
    %get3A_172 = arith.constant 44 : index
    %get3A_173 = arith.constant 0 : index
    %get3A_174 = vector.load %arg1[%get3A_172, %get3A_173] : memref<128x16xf32, #tpu.memory_space<vmem>>, vector<4x16xf32>
    %add3A_175 = arith.addf %add3A_171, %get3A_174 : vector<4x16xf32>
    %get3A_176 = arith.constant 48 : index
    %get3A_177 = arith.constant 0 : index
    %get3A_178 = vector.load %arg1[%get3A_176, %get3A_177] : memref<128x16xf32, #tpu.memory_space<vmem>>, vector<4x16xf32>
    %add3A_179 = arith.addf %add3A_175, %get3A_178 : vector<4x16xf32>
    %get3A_180 = arith.constant 52 : index
    %get3A_181 = arith.constant 0 : index
    %get3A_182 = vector.load %arg1[%get3A_180, %get3A_181] : memref<128x16xf32, #tpu.memory_space<vmem>>, vector<4x16xf32>
    %add3A_183 = arith.addf %add3A_179, %get3A_182 : vector<4x16xf32>
    %get3A_184 = arith.constant 56 : index
    %get3A_185 = arith.constant 0 : index
    %get3A_186 = vector.load %arg1[%get3A_184, %get3A_185] : memref<128x16xf32, #tpu.memory_space<vmem>>, vector<4x16xf32>
    %add3A_187 = arith.addf %add3A_183, %get3A_186 : vector<4x16xf32>
    %get3A_188 = arith.constant 60 : index
    %get3A_189 = arith.constant 0 : index
    %get3A_190 = vector.load %arg1[%get3A_188, %get3A_189] : memref<128x16xf32, #tpu.memory_space<vmem>>, vector<4x16xf32>
    %add3A_191 = arith.addf %add3A_187, %get3A_190 : vector<4x16xf32>
    %get3A_192 = arith.constant 64 : index
    %get3A_193 = arith.constant 0 : index
    %get3A_194 = vector.load %arg1[%get3A_192, %get3A_193] : memref<128x16xf32, #tpu.memory_space<vmem>>, vector<4x16xf32>
    %add3A_195 = arith.addf %add3A_191, %get3A_194 : vector<4x16xf32>
    %get3A_196 = arith.constant 68 : index
    %get3A_197 = arith.constant 0 : index
    %get3A_198 = vector.load %arg1[%get3A_196, %get3A_197] : memref<128x16xf32, #tpu.memory_space<vmem>>, vector<4x16xf32>
    %add3A_199 = arith.addf %add3A_195, %get3A_198 : vector<4x16xf32>
    %get3A_200 = arith.constant 72 : index
    %get3A_201 = arith.constant 0 : index
    %get3A_202 = vector.load %arg1[%get3A_200, %get3A_201] : memref<128x16xf32, #tpu.memory_space<vmem>>, vector<4x16xf32>
    %add3A_203 = arith.addf %add3A_199, %get3A_202 : vector<4x16xf32>
    %get3A_204 = arith.constant 76 : index
    %get3A_205 = arith.constant 0 : index
    %get3A_206 = vector.load %arg1[%get3A_204, %get3A_205] : memref<128x16xf32, #tpu.memory_space<vmem>>, vector<4x16xf32>
    %add3A_207 = arith.addf %add3A_203, %get3A_206 : vector<4x16xf32>
    %get3A_208 = arith.constant 80 : index
    %get3A_209 = arith.constant 0 : index
    %get3A_210 = vector.load %arg1[%get3A_208, %get3A_209] : memref<128x16xf32, #tpu.memory_space<vmem>>, vector<4x16xf32>
    %add3A_211 = arith.addf %add3A_207, %get3A_210 : vector<4x16xf32>
    %get3A_212 = arith.constant 84 : index
    %get3A_213 = arith.constant 0 : index
    %get3A_214 = vector.load %arg1[%get3A_212, %get3A_213] : memref<128x16xf32, #tpu.memory_space<vmem>>, vector<4x16xf32>
    %add3A_215 = arith.addf %add3A_211, %get3A_214 : vector<4x16xf32>
    %get3A_216 = arith.constant 88 : index
    %get3A_217 = arith.constant 0 : index
    %get3A_218 = vector.load %arg1[%get3A_216, %get3A_217] : memref<128x16xf32, #tpu.memory_space<vmem>>, vector<4x16xf32>
    %add3A_219 = arith.addf %add3A_215, %get3A_218 : vector<4x16xf32>
    %get3A_220 = arith.constant 92 : index
    %get3A_221 = arith.constant 0 : index
    %get3A_222 = vector.load %arg1[%get3A_220, %get3A_221] : memref<128x16xf32, #tpu.memory_space<vmem>>, vector<4x16xf32>
    %add3A_223 = arith.addf %add3A_219, %get3A_222 : vector<4x16xf32>
    %get3A_224 = arith.constant 96 : index
    %get3A_225 = arith.constant 0 : index
    %get3A_226 = vector.load %arg1[%get3A_224, %get3A_225] : memref<128x16xf32, #tpu.memory_space<vmem>>, vector<4x16xf32>
    %add3A_227 = arith.addf %add3A_223, %get3A_226 : vector<4x16xf32>
    %get3A_228 = arith.constant 100 : index
    %get3A_229 = arith.constant 0 : index
    %get3A_230 = vector.load %arg1[%get3A_228, %get3A_229] : memref<128x16xf32, #tpu.memory_space<vmem>>, vector<4x16xf32>
    %add3A_231 = arith.addf %add3A_227, %get3A_230 : vector<4x16xf32>
    %get3A_232 = arith.constant 104 : index
    %get3A_233 = arith.constant 0 : index
    %get3A_234 = vector.load %arg1[%get3A_232, %get3A_233] : memref<128x16xf32, #tpu.memory_space<vmem>>, vector<4x16xf32>
    %add3A_235 = arith.addf %add3A_231, %get3A_234 : vector<4x16xf32>
    %get3A_236 = arith.constant 108 : index
    %get3A_237 = arith.constant 0 : index
    %get3A_238 = vector.load %arg1[%get3A_236, %get3A_237] : memref<128x16xf32, #tpu.memory_space<vmem>>, vector<4x16xf32>
    %add3A_239 = arith.addf %add3A_235, %get3A_238 : vector<4x16xf32>
    %get3A_240 = arith.constant 112 : index
    %get3A_241 = arith.constant 0 : index
    %get3A_242 = vector.load %arg1[%get3A_240, %get3A_241] : memref<128x16xf32, #tpu.memory_space<vmem>>, vector<4x16xf32>
    %add3A_243 = arith.addf %add3A_239, %get3A_242 : vector<4x16xf32>
    %get3A_244 = arith.constant 116 : index
    %get3A_245 = arith.constant 0 : index
    %get3A_246 = vector.load %arg1[%get3A_244, %get3A_245] : memref<128x16xf32, #tpu.memory_space<vmem>>, vector<4x16xf32>
    %add3A_247 = arith.addf %add3A_243, %get3A_246 : vector<4x16xf32>
    %get3A_248 = arith.constant 120 : index
    %get3A_249 = arith.constant 0 : index
    %get3A_250 = vector.load %arg1[%get3A_248, %get3A_249] : memref<128x16xf32, #tpu.memory_space<vmem>>, vector<4x16xf32>
    %add3A_251 = arith.addf %add3A_247, %get3A_250 : vector<4x16xf32>
    %get3A_252 = arith.constant 124 : index
    %get3A_253 = arith.constant 0 : index
    %get3A_254 = vector.load %arg1[%get3A_252, %get3A_253] : memref<128x16xf32, #tpu.memory_space<vmem>>, vector<4x16xf32>
    %add3A_255 = arith.addf %add3A_251, %get3A_254 : vector<4x16xf32>
    %slice3A = vector.extract_strided_slice %add3A_255 {offsets = [0, 0], sizes = [1, 16], strides = [1, 1]} : vector<4x16xf32> to vector<1x16xf32>
    %squeeze3A = vector.shape_cast %slice3A : vector<1x16xf32> to vector<16xf32>
    %reduce_sum3A = vector.shape_cast %squeeze3A : vector<16xf32> to vector<1x16xf32>
    %reduce_sum3A_256 = arith.constant dense<0.000000e+00> : vector<1xf32>
    %reduce_sum3A_257 = vector.multi_reduction <add>, %reduce_sum3A, %reduce_sum3A_256 [1] : vector<1x16xf32> to vector<1xf32>
    %reduce_sum3A_258 = vector.shape_cast %reduce_sum3A_257 : vector<1xf32> to vector<1x1xf32>
    %reduce_sum3A_259 = vector.extract %reduce_sum3A_258[0, 0] : f32 from vector<1x1xf32>
    %get3A_260 = arith.constant 0 : index
    %get3A_261 = arith.constant 0 : index
    %get3A_262 = vector.load %arg3[%get3A_260, %get3A_261] : memref<4x128xf32, #tpu.memory_space<vmem>>, vector<1x1xf32>
    %get3A_263 = vector.extract %get3A_262[0, 0] : f32 from vector<1x1xf32>
    %add3A_264 = arith.addf %reduce_sum3A_259, %get3A_263 : f32
    %slice3A_265 = vector.extract_strided_slice %add3A_128 {offsets = [0, 0], sizes = [1, 128], strides = [1, 1]} : vector<4x128xf32> to vector<1x128xf32>
    %squeeze3A_266 = vector.shape_cast %slice3A_265 : vector<1x128xf32> to vector<128xf32>
    %max3A = arith.constant 1.000000e+00 : f32
    %max3A_267 = arith.maximumf %add3A_264, %max3A : f32
    %div3A = vector.broadcast %max3A_267 : f32 to vector<128xf32>
    %div3A_268 = arith.divf %squeeze3A_266, %div3A : vector<128xf32>
    %mul3A = arith.mulf %div3A_268, %div3A_268 : vector<128xf32>
    %reduce_sum3A_269 = vector.shape_cast %mul3A : vector<128xf32> to vector<1x128xf32>
    %reduce_sum3A_270 = arith.constant dense<0.000000e+00> : vector<1xf32>
    %reduce_sum3A_271 = vector.multi_reduction <add>, %reduce_sum3A_269, %reduce_sum3A_270 [1] : vector<1x128xf32> to vector<1xf32>
    %reduce_sum3A_272 = vector.shape_cast %reduce_sum3A_271 : vector<1xf32> to vector<1x1xf32>
    %reduce_sum3A_273 = vector.extract %reduce_sum3A_272[0, 0] : f32 from vector<1x1xf32>
    %sqrt3A = math.sqrt %reduce_sum3A_273 : f32
    %max3A_274 = arith.constant 9.99999996E-13 : f32
    %max3A_275 = arith.maximumf %sqrt3A, %max3A_274 : f32
    %div3A_276 = vector.broadcast %max3A_275 : f32 to vector<128xf32>
    %div3A_277 = arith.divf %div3A_268, %div3A_276 : vector<128xf32>
    %swap3A = arith.constant 0 : index
    %swap3A_278 = arith.constant 0 : index
    %swap3A_279 = vector.load %arg4[%swap3A, %swap3A_278] : memref<4x128xf32, #tpu.memory_space<vmem>>, vector<1x128xf32>
    %swap3A_280 = vector.shape_cast %swap3A_279 : vector<1x128xf32> to vector<128xf32>
    %swap3A_281 = vector.shape_cast %div3A_277 : vector<128xf32> to vector<1x128xf32>
    tpu.vector_store %arg4[%swap3A, %swap3A_278], %swap3A_281 {strides = array<i32>} : memref<4x128xf32, #tpu.memory_space<vmem>>, vector<1x128xf32>,
    %slice3A_282 = vector.extract_strided_slice %add3A_255 {offsets = [1, 0], sizes = [1, 16], strides = [1, 1]} : vector<4x16xf32> to vector<1x16xf32>
    %squeeze3A_283 = vector.shape_cast %slice3A_282 : vector<1x16xf32> to vector<16xf32>
    %reduce_sum3A_284 = vector.shape_cast %squeeze3A_283 : vector<16xf32> to vector<1x16xf32>
    %reduce_sum3A_285 = arith.constant dense<0.000000e+00> : vector<1xf32>
    %reduce_sum3A_286 = vector.multi_reduction <add>, %reduce_sum3A_284, %reduce_sum3A_285 [1] : vector<1x16xf32> to vector<1xf32>
    %reduce_sum3A_287 = vector.shape_cast %reduce_sum3A_286 : vector<1xf32> to vector<1x1xf32>
    %reduce_sum3A_288 = vector.extract %reduce_sum3A_287[0, 0] : f32 from vector<1x1xf32>
    %get3A_289 = arith.constant 1 : index
    %get3A_290 = arith.constant 0 : index
    %get3A_291 = vector.load %arg3[%get3A_289, %get3A_290] : memref<4x128xf32, #tpu.memory_space<vmem>>, vector<1x1xf32>
    %get3A_292 = vector.extract %get3A_291[0, 0] : f32 from vector<1x1xf32>
    %add3A_293 = arith.addf %reduce_sum3A_288, %get3A_292 : f32
    %slice3A_294 = vector.extract_strided_slice %add3A_128 {offsets = [1, 0], sizes = [1, 128], strides = [1, 1]} : vector<4x128xf32> to vector<1x128xf32>
    %squeeze3A_295 = vector.shape_cast %slice3A_294 : vector<1x128xf32> to vector<128xf32>
    %max3A_296 = arith.constant 1.000000e+00 : f32
    %max3A_297 = arith.maximumf %add3A_293, %max3A_296 : f32
    %div3A_298 = vector.broadcast %max3A_297 : f32 to vector<128xf32>
    %div3A_299 = arith.divf %squeeze3A_295, %div3A_298 : vector<128xf32>
    %mul3A_300 = arith.mulf %div3A_299, %div3A_299 : vector<128xf32>
    %reduce_sum3A_301 = vector.shape_cast %mul3A_300 : vector<128xf32> to vector<1x128xf32>
    %reduce_sum3A_302 = arith.constant dense<0.000000e+00> : vector<1xf32>
    %reduce_sum3A_303 = vector.multi_reduction <add>, %reduce_sum3A_301, %reduce_sum3A_302 [1] : vector<1x128xf32> to vector<1xf32>
    %reduce_sum3A_304 = vector.shape_cast %reduce_sum3A_303 : vector<1xf32> to vector<1x1xf32>
    %reduce_sum3A_305 = vector.extract %reduce_sum3A_304[0, 0] : f32 from vector<1x1xf32>
    %sqrt3A_306 = math.sqrt %reduce_sum3A_305 : f32
    %max3A_307 = arith.constant 9.99999996E-13 : f32
    %max3A_308 = arith.maximumf %sqrt3A_306, %max3A_307 : f32
    %div3A_309 = vector.broadcast %max3A_308 : f32 to vector<128xf32>
    %div3A_310 = arith.divf %div3A_299, %div3A_309 : vector<128xf32>
    %swap3A_311 = arith.constant 1 : index
    %swap3A_312 = arith.constant 0 : index
    %swap3A_313 = vector.load %arg4[%swap3A_311, %swap3A_312] : memref<4x128xf32, #tpu.memory_space<vmem>>, vector<1x128xf32>
    %swap3A_314 = vector.shape_cast %swap3A_313 : vector<1x128xf32> to vector<128xf32>
    %swap3A_315 = vector.shape_cast %div3A_310 : vector<128xf32> to vector<1x128xf32>
    tpu.vector_store %arg4[%swap3A_311, %swap3A_312], %swap3A_315 {strides = array<i32>} : memref<4x128xf32, #tpu.memory_space<vmem>>, vector<1x128xf32>,
    %slice3A_316 = vector.extract_strided_slice %add3A_255 {offsets = [2, 0], sizes = [1, 16], strides = [1, 1]} : vector<4x16xf32> to vector<1x16xf32>
    %squeeze3A_317 = vector.shape_cast %slice3A_316 : vector<1x16xf32> to vector<16xf32>
    %reduce_sum3A_318 = vector.shape_cast %squeeze3A_317 : vector<16xf32> to vector<1x16xf32>
    %reduce_sum3A_319 = arith.constant dense<0.000000e+00> : vector<1xf32>
    %reduce_sum3A_320 = vector.multi_reduction <add>, %reduce_sum3A_318, %reduce_sum3A_319 [1] : vector<1x16xf32> to vector<1xf32>
    %reduce_sum3A_321 = vector.shape_cast %reduce_sum3A_320 : vector<1xf32> to vector<1x1xf32>
    %reduce_sum3A_322 = vector.extract %reduce_sum3A_321[0, 0] : f32 from vector<1x1xf32>
    %get3A_323 = arith.constant 2 : index
    %get3A_324 = arith.constant 0 : index
    %get3A_325 = vector.load %arg3[%get3A_323, %get3A_324] : memref<4x128xf32, #tpu.memory_space<vmem>>, vector<1x1xf32>
    %get3A_326 = vector.extract %get3A_325[0, 0] : f32 from vector<1x1xf32>
    %add3A_327 = arith.addf %reduce_sum3A_322, %get3A_326 : f32
    %slice3A_328 = vector.extract_strided_slice %add3A_128 {offsets = [2, 0], sizes = [1, 128], strides = [1, 1]} : vector<4x128xf32> to vector<1x128xf32>
    %squeeze3A_329 = vector.shape_cast %slice3A_328 : vector<1x128xf32> to vector<128xf32>
    %max3A_330 = arith.constant 1.000000e+00 : f32
    %max3A_331 = arith.maximumf %add3A_327, %max3A_330 : f32
    %div3A_332 = vector.broadcast %max3A_331 : f32 to vector<128xf32>
    %div3A_333 = arith.divf %squeeze3A_329, %div3A_332 : vector<128xf32>
    %mul3A_334 = arith.mulf %div3A_333, %div3A_333 : vector<128xf32>
    %reduce_sum3A_335 = vector.shape_cast %mul3A_334 : vector<128xf32> to vector<1x128xf32>
    %reduce_sum3A_336 = arith.constant dense<0.000000e+00> : vector<1xf32>
    %reduce_sum3A_337 = vector.multi_reduction <add>, %reduce_sum3A_335, %reduce_sum3A_336 [1] : vector<1x128xf32> to vector<1xf32>
    %reduce_sum3A_338 = vector.shape_cast %reduce_sum3A_337 : vector<1xf32> to vector<1x1xf32>
    %reduce_sum3A_339 = vector.extract %reduce_sum3A_338[0, 0] : f32 from vector<1x1xf32>
    %sqrt3A_340 = math.sqrt %reduce_sum3A_339 : f32
    %max3A_341 = arith.constant 9.99999996E-13 : f32
    %max3A_342 = arith.maximumf %sqrt3A_340, %max3A_341 : f32
    %div3A_343 = vector.broadcast %max3A_342 : f32 to vector<128xf32>
    %div3A_344 = arith.divf %div3A_333, %div3A_343 : vector<128xf32>
    %swap3A_345 = arith.constant 2 : index
    %swap3A_346 = arith.constant 0 : index
    %swap3A_347 = vector.load %arg4[%swap3A_345, %swap3A_346] : memref<4x128xf32, #tpu.memory_space<vmem>>, vector<1x128xf32>
    %swap3A_348 = vector.shape_cast %swap3A_347 : vector<1x128xf32> to vector<128xf32>
    %swap3A_349 = vector.shape_cast %div3A_344 : vector<128xf32> to vector<1x128xf32>
    tpu.vector_store %arg4[%swap3A_345, %swap3A_346], %swap3A_349 {strides = array<i32>} : memref<4x128xf32, #tpu.memory_space<vmem>>, vector<1x128xf32>,
    %slice3A_350 = vector.extract_strided_slice %add3A_255 {offsets = [3, 0], sizes = [1, 16], strides = [1, 1]} : vector<4x16xf32> to vector<1x16xf32>
    %squeeze3A_351 = vector.shape_cast %slice3A_350 : vector<1x16xf32> to vector<16xf32>
    %reduce_sum3A_352 = vector.shape_cast %squeeze3A_351 : vector<16xf32> to vector<1x16xf32>
    %reduce_sum3A_353 = arith.constant dense<0.000000e+00> : vector<1xf32>
    %reduce_sum3A_354 = vector.multi_reduction <add>, %reduce_sum3A_352, %reduce_sum3A_353 [1] : vector<1x16xf32> to vector<1xf32>
    %reduce_sum3A_355 = vector.shape_cast %reduce_sum3A_354 : vector<1xf32> to vector<1x1xf32>
    %reduce_sum3A_356 = vector.extract %reduce_sum3A_355[0, 0] : f32 from vector<1x1xf32>
    %get3A_357 = arith.constant 3 : index
    %get3A_358 = arith.constant 0 : index
    %get3A_359 = vector.load %arg3[%get3A_357, %get3A_358] : memref<4x128xf32, #tpu.memory_space<vmem>>, vector<1x1xf32>
    %get3A_360 = vector.extract %get3A_359[0, 0] : f32 from vector<1x1xf32>
    %add3A_361 = arith.addf %reduce_sum3A_356, %get3A_360 : f32
    %slice3A_362 = vector.extract_strided_slice %add3A_128 {offsets = [3, 0], sizes = [1, 128], strides = [1, 1]} : vector<4x128xf32> to vector<1x128xf32>
    %squeeze3A_363 = vector.shape_cast %slice3A_362 : vector<1x128xf32> to vector<128xf32>
    %max3A_364 = arith.constant 1.000000e+00 : f32
    %max3A_365 = arith.maximumf %add3A_361, %max3A_364 : f32
    %div3A_366 = vector.broadcast %max3A_365 : f32 to vector<128xf32>
    %div3A_367 = arith.divf %squeeze3A_363, %div3A_366 : vector<128xf32>
    %mul3A_368 = arith.mulf %div3A_367, %div3A_367 : vector<128xf32>
    %reduce_sum3A_369 = vector.shape_cast %mul3A_368 : vector<128xf32> to vector<1x128xf32>
    %reduce_sum3A_370 = arith.constant dense<0.000000e+00> : vector<1xf32>
    %reduce_sum3A_371 = vector.multi_reduction <add>, %reduce_sum3A_369, %reduce_sum3A_370 [1] : vector<1x128xf32> to vector<1xf32>
    %reduce_sum3A_372 = vector.shape_cast %reduce_sum3A_371 : vector<1xf32> to vector<1x1xf32>
    %reduce_sum3A_373 = vector.extract %reduce_sum3A_372[0, 0] : f32 from vector<1x1xf32>
    %sqrt3A_374 = math.sqrt %reduce_sum3A_373 : f32
    %max3A_375 = arith.constant 9.99999996E-13 : f32
    %max3A_376 = arith.maximumf %sqrt3A_374, %max3A_375 : f32
    %div3A_377 = vector.broadcast %max3A_376 : f32 to vector<128xf32>
    %div3A_378 = arith.divf %div3A_367, %div3A_377 : vector<128xf32>
    %swap3A_379 = arith.constant 3 : index
    %swap3A_380 = arith.constant 0 : index
    %swap3A_381 = vector.load %arg4[%swap3A_379, %swap3A_380] : memref<4x128xf32, #tpu.memory_space<vmem>>, vector<1x128xf32>
    %swap3A_382 = vector.shape_cast %swap3A_381 : vector<1x128xf32> to vector<128xf32>
    %swap3A_383 = vector.shape_cast %div3A_378 : vector<128xf32> to vector<1x128xf32>
    tpu.vector_store %arg4[%swap3A_379, %swap3A_380], %swap3A_383 {strides = array<i32>} : memref<4x128xf32, #tpu.memory_space<vmem>>, vector<1x128xf32>,
    return
  }
}

</mosaic_0001>

<sc_bundles>
// kernel: kernel.5.cloned.1.call-start
scs
__scs_entry_jumppad:
0x0: {  	(pc) =	sbr.rel $0x88, $3  }
0x1: {  	(tag) =	ssettag $0x0;
	lr =	simm.s32 $0x1  }
0x2: {  	[smem:$0x3F9F] =	sst lr;
	_ =	strace $0xD0000000  }
0x3: {  	_ = 	snop  }
0x4: {  	_ = 	snop  }
0x5: {  	_ = 	snop  }
0x6: {  	_ = 	snop  }
0x7: {  	_ = 	snop  }
__scs_overlays_trampoline_lowered:
0x8: {  	[smem:$0x3FAE] =	sst s0  }
0x9: {  	[smem:$0x3FAF] =	sst s1  }
0xa: {  	[smem:$0x3FB0] =	sst s2  }
0xb: {  	[smem:$0x3FB1] =	sst s3  }
0xc: {  	[smem:$0x3FB2] =	sst s4  }
0xd: {  	[smem:$0x3FB3] =	sst s5  }
0xe: {  	[smem:$0x3FB4] =	sst s6  }
0xf: {  	[smem:$0x3FB5] =	sst s7  }
0x10: {  	[smem:$0x3FB6] =	sst s8  }
0x11: {  	[smem:$0x3FB7] =	sst s9;
	s0 =	simm.s32 @!p0 $0x0  }
0x12: {  	s1 =	sld [smem:$0x3F9D];
	s0 =	simm.s32 @p0 $0x1  }
0x13: {  	[smem:$0x3FB8] =	sst s0;
	s0 =	simm.s32 @!p1 $0x0  }
0x14: {  	s2 =	sld [smem:$0x3F9C];
	s0 =	simm.s32 @p1 $0x1  }
0x15: {  	[smem:$0x3FB9] =	sst s0;
	s0 =	simm.s32 @!p2 $0x0  }
0x16: {  	s3 =	sld [smem:$0x3FDB];
	s0 =	simm.s32 @p2 $0x1  }
0x17: {  	s4 =	simm.s32 $0x1BF5;
	[smem:$0x3FBB] =	sst s0  }
0x18: {  	s0 =	sld [smem:$0x3F9E];
	_ =	swait.ge [sflag:s4], $0x0  }
0x19: {  	s7 =	sld [smem:$0x3F9F]  }
0x1a: {  	s8 =	sadd.s32 $0xFFFFE003, lr  }
0x1b: {  	s9 =	sadd.s32 $0xFFFFFEF7, lr;
	s5 =	simm.s32 $0xFFFFFFFF;
	p2 =	slt.u32 s8, $0xFFFFF086  }
0x1c: {  	p1 =	slt.u32 s9, $0xF7A;
	s5 =	simm.s32 @!p2 $0x0  }
0x1d: {  	s5 =	simm.s32 @p1 $0x1;
	p0 =	seq.s32 s7, s2  }
0x1e: {  	s7 =	smul.u32 @!p0 $0xF7A, s2;
	p2 =	seq.s32 @!p0 s5, $0x0  }
0x1f: {  	s9 =	smul.u32 $0xF7A, s1;
	s8 =	simm.s32 @!p0 $0x1BF5;
	p2 =	por !p2, p0  }
0x20: {  	[sflag:s8] =	ssyncset.s32 @!p0 $0xFFFFF086;
	s6 =	sadd.s32 @!p0 s3, s7;
	s7 =	simm.s32 @!p0 $0x108  }
0x21: {  	s3 =	sadd.s32 s3, s9;
	s6 =	sadd.s32 @!p0 $0x88, s6;
	s7 =	simm.s32 @p2 $0x1082  }
0x22: {  	[simem:s7], [sflag:s8] =	dma.local @!p0 [hbm:s6], $0xF7A  }
0x23: {  	s9 =	sor.u32 $0xD0000000, s2;
	s6 =	simm.s32 $0x108;
	_ =	swait.ge @!p0 [sflag:s8], $0x0  }
0x24: {  	s3 =	sadd.s32 $0x88, s3;
	s6 =	simm.s32 @!p1 $0x1082;
	[sflag:s4] =	ssyncset.s32 $0xFFFFF086  }
0x25: {  	[simem:s6], [sflag:s4] =	dma.local [hbm:s3], $0xF7A  }
0x26: {  	[smem:$0x3F9F] =	sst s1;
	(tag) =	ssettag s2;
	_ =	strace s9  }
0x27: {  	s1 =	sld [smem:$0x3FAF]  }
0x28: {  	s2 =	sld [smem:$0x3FB0]  }
0x29: {  	s4 =	sld [smem:$0x3FB2]  }
0x2a: {  	p0 =	seq.s32 s5, $0x0;
	s5 =	sld [smem:$0x3FB3]  }
0x2b: {  	s6 =	sld [smem:$0x3FB4]  }
0x2c: {  	s7 =	sld [smem:$0x3FB5]  }
0x2d: {  	s3 =	simm.s32 $0x108;
	s8 =	sld [smem:$0x3FB6]  }
0x2e: {  	s3 =	simm.s32 @!p0 $0x1082;
	s9 =	sld [smem:$0x3FB7]  }
0x2f: {  	lr =	sadd.s32 s0, s3;
	s0 =	sld [smem:$0x3FAE]  }
0x30: {  	s3 =	sld [smem:$0x3FB1]  }
0x31: {  	[smem:$0x3FBA] =	sst s10  }
0x32: {  	s10 =	sld [smem:$0x3FB8];
	_ =	sdelay $0x3  }
0x33: {  	p0 =	seq.s32 s10, $0x1;
	s10 =	sld [smem:$0x3FBA];
	_ =	sdelay $0x3  }
0x34: {  	[smem:$0x3FBA] =	sst s10  }
0x35: {  	s10 =	sld [smem:$0x3FB9];
	_ =	sdelay $0x3  }
0x36: {  	p1 =	seq.s32 s10, $0x1;
	s10 =	sld [smem:$0x3FBA];
	_ =	sdelay $0x3  }
0x37: {  	[smem:$0x3FBA] =	sst s10  }
0x38: {  	s10 =	sld [smem:$0x3FBB]  }
0x39: {  	_ = 	snop;
	(pc) =	sbr.ind lr, $3  }
0x3a: {  	_ = 	snop  }
0x3b: {  	_ = 	snop  }
0x3c: {  	p2 =	seq.s32 s10, $0x1;
	s10 =	sld [smem:$0x3FBA]  }
0x3d: {  	_ =	shalt  }
0x3e: {  	_ =	shalt  }
0x3f: {  	_ =	shalt  }
0x40: {  	_ =	shalt  }
0x41: {  	_ =	shalt  }
0x42: {  	_ =	shalt  }
0x43: {  	_ =	shalt  }
0x44: {  	_ =	shalt  }
0x45: {  	_ =	shalt  }
0x46: {  	_ =	shalt  }
0x47: {  	_ =	shalt  }
0x48: {  	_ =	shalt  }
0x49: {  	_ =	shalt  }
0x4a: {  	_ =	shalt  }
0x4b: {  	_ =	shalt  }
0x4c: {  	_ =	shalt  }
0x4d: {  	_ =	shalt  }
0x4e: {  	_ =	shalt  }
0x4f: {  	_ =	shalt  }
0x50: {  	_ =	shalt  }
0x51: {  	_ =	shalt  }
0x52: {  	_ =	shalt  }
0x53: {  	_ =	shalt  }
0x54: {  	_ =	shalt  }
0x55: {  	_ =	shalt  }
0x56: {  	_ =	shalt  }
0x57: {  	_ =	shalt  }
0x58: {  	_ =	shalt  }
0x59: {  	_ =	shalt  }
0x5a: {  	_ =	shalt  }
0x5b: {  	_ =	shalt  }
0x5c: {  	_ =	shalt  }
0x5d: {  	_ =	shalt  }
0x5e: {  	_ =	shalt  }
0x5f: {  	_ =	shalt  }
0x60: {  	_ =	shalt  }
0x61: {  	_ =	shalt  }
0x62: {  	_ =	shalt  }
0x63: {  	_ =	shalt  }
0x64: {  	_ =	shalt  }
0x65: {  	_ =	shalt  }
0x66: {  	_ =	shalt  }
0x67: {  	_ =	shalt  }
0x68: {  	_ =	shalt  }
0x69: {  	_ =	shalt  }
0x6a: {  	_ =	shalt  }
0x6b: {  	_ =	shalt  }
0x6c: {  	_ =	shalt  }
0x6d: {  	_ =	shalt  }
0x6e: {  	_ =	shalt  }
0x6f: {  	_ =	shalt  }
0x70: {  	_ =	shalt  }
0x71: {  	_ =	shalt  }
0x72: {  	_ =	shalt  }
0x73: {  	_ =	shalt  }
0x74: {  	_ =	shalt  }
0x75: {  	_ =	shalt  }
0x76: {  	_ =	shalt  }
0x77: {  	_ =	shalt  }
0x78: {  	_ =	shalt  }
0x79: {  	_ =	shalt  }
0x7a: {  	_ =	shalt  }
0x7b: {  	_ =	shalt  }
0x7c: {  	_ =	shalt  }
0x7d: {  	_ =	shalt  }
0x7e: {  	_ =	shalt  }
0x7f: {  	_ =	shalt  }
0x80: {  	_ =	shalt  }
0x81: {  	_ =	shalt  }
0x82: {  	_ =	shalt  }
0x83: {  	_ =	shalt  }
0x84: {  	_ =	shalt  }
0x85: {  	_ =	shalt  }
0x86: {  	_ =	shalt  }
0x87: {  	_ =	shalt  }
.Lfunc_end0:
.L_simem_size_0:
called_computation_lowered:
.L_overlay_start_0:
0x88: {  	s2 =	sld [smem:$0x3FD9]  }
0x89: {  	s3 =	sld [smem:$0x3FFE];
	_ =	sdelay $0x1  }
0x8a: {  	s1 =	srdreg.scid  }
0x8b: {  	s0 =	sand.u32 $0x1, s1  }
0x8c: {  	s17 =	sshll.u32 s0, $0xA;
	s2 =	sadd.s32 s3, s2  }
0x8d: {  	s2 =	sadd.s32 s2, s17  }
0x8e: {  	[smem:$0x3FC6] =	sst s2  }
0x8f: {  	_ = 	snop  }
0x90: {  	s2 =	sld [smem:$0x3FC9]  }
0x91: {  	s18 =	sld [smem:$0x3FC8];
	(tm) =	ssettm $0x1  }
0x92: {  	s4 =	sld [smem:$0x3FFB];
	_ =	sdelay $0x3  }
0x93: {  	_ =	strace s4  }
0x94: {  	s4 =	sld [smem:$0x3FFC];
	_ =	sdelay $0x3  }
0x95: {  	_ =	strace s4  }
0x96: {  	s4 =	sld [smem:$0x3FFD];
	_ =	sdelay $0x3  }
0x97: {  	_ =	strace s4  }
0x98: {  	_ =	strace $0x8FFFFFFF  }
0x99: {  	s19 =	sld [smem:$0x3FDB];
	_ =	sdelay $0x1  }
0x9a: {  	s5 =	simm.s32 $_scs_section_size  }
0x9b: {  	s6 =	simm.s32 $_size__tile_overlayer_lowered;
	s7 =	simm.s32 $_tile_overlayer_lowered  }
0x9c: {  	s22 =	simm.s32 $0x1BFF;
	s21 =	sshll.u32 s7, $0x1;
	s4 =	sadd.s32 s5, s19  }
0x9d: {  	s8 =	simm.s32 $0x0;
	s20 =	sshll.u32 s6, $0x1;
	s6 =	sadd.s32 s21, s4  }
0x9e: {  	[timem:s8], [sflag:s22] =	dma.local [hbm:s6], s20  }
0x9f: {  	_ =	swait.ge [sflag:s22], s20  }
0xa0: {  	s5 =	ssub.s32 $0x0, s20;
	[sflag:s22] =	ssyncset.done $0x0  }
0xa1: {  	[sflag:s22] =	ssyncadd.s32 s5;
	_ =	sdelay $0x1  }
0xa2: {  	s23 =	simm.s32 $0x1B8B  }
0xa3: {  	_ =	swait.ge [sflag:s23], $0x1  }
0xa4: {  	[sflag:s23] =	ssyncset.done $0x0  }
0xa5: {  	s25 =	simm.s32 $0x1B8E;
	s24 =	sld [smem:$0x3FFE];
	[sflag:s23] =	ssyncadd.s32 $0xFFFFFFFF  }
0xa6: {  	s26 =	simm.s32 $execute0_lowered;
	[smem:$0x3FD2] =	sst s25  }
0xa7: {  	s6 =	sshll.u32 s26, $0x1;
	_ =	strace $0x80000046;
	[dreg:$0x1] =	wrdreg $0xFFFFFFFF  }
0xa8: {  	s28 =	simm.s32 $_size_execute0_lowered;
	s4 =	sadd.s32 s4, s6;
	[dreg:$0x0] =	wrdreg $0x0  }
0xa9: {  	s6 =	sshll.u32 s28, $0x1;
	[dreg:$0x2] =	wrdreg s4  }
0xaa: {  	[dreg:$0x3] =	wrdreg s6  }
0xab: {  	[dreg:$0x4] =	wrdreg $0xC0  }
0xac: {  	_ =	task [dreg:s8], $0x5FFFF  }
0xad: {  	[dreg:$0x1] =	wrdreg $0xFFFFFFFF  }
0xae: {  	[dreg:$0x0] =	wrdreg $0x60  }
0xaf: {  	[dreg:$0x2] =	wrdreg s2  }
0xb0: {  	[dreg:$0x3] =	wrdreg s18  }
0xb1: {  	[dreg:$0x4] =	wrdreg s24  }
0xb2: {  	[dreg:$0x5] =	wrdreg $0xE6000  }
0xb3: {  	[dreg:$0x6] =	wrdreg $0x9  }
0xb4: {  	_ =	task.clear_ibuf [dreg:s8], $0x7FFFF;
	_ =	strace $0x90000046  }
0xb5: {  	s29 =	simm.s32 $0x9;
	_ =	strace $0x80000048  }
0xb6: {  	_ =	swait.ge [sflag:s29], $0x1  }
0xb7: {  	[sflag:s29] =	ssyncadd.s32 $0xFFFFFFFF  }
0xb8: {  	_ =	strace $0x90000048  }
0xb9: {  	_ =	sfence  }
0xba: {  	s30 =	sld [smem:$0x0];
	_ =	sdelay $0x2  }
0xbb: {  	s31 =	sshll.u32 s1, $0xD;
	s1 =	sshrl.u32 s1, $0x2  }
0xbc: {  	s3 =	sand.u32 $0x4000, s31;
	s1 =	sadd.s32 s1, s30  }
0xbd: {  	s0 =	sor.u32 s3, s0;
	s1 =	sshll.u32 s1, $0x11  }
0xbe: {  	s0 =	sor.u32 s1, s0  }
0xbf: {  	s0 =	sadd.s32 $0x8F2B, s0  }
0xc0: {  	[sflag:s0] =	ssyncadd.remote.s32 $0x1  }
0xc1: {  	_ =	sfence.sel $0xFFFF  }
0xc2: {  	[dreg:$0x0] =	wrdreg $0xFFFFFFFF;
	(pc) =	sbr.abs _section_cstart, $3  }
0xc3: {  	[dreg:$0x1] =	wrdreg $0xFFFFFFFF  }
0xc4: {  	_ =	task.clear_ibuf [dreg:s8], $0x2FFFF;
	_ =	strace $0x9FFFFFFF  }
0xc5: {  	(tm) =	ssettm $0x7FFFFFFF  }
tec
execute0_lowered:
.L_overlay_start_1:
0x0: {  	(tag) =	ssettag $0x1  }
0x1: {  	s0 =	rddreg [dreg:$0x0]  }
0x2: {  	s4 =	rddreg [dreg:$0x1]  }
0x3: {  	s1 =	srdreg.scid;
	s5 =	rddreg [dreg:$0x2]  }
0x4: {  	s13 =	stileid.u32;
	s2 =	rddreg [dreg:$0x3]  }
0x5: {  	s28 =	simm.s32 $0x7800;
	s29 =	simm.s32 $0x4;
	s30 =	simm.s32 $0x8  }
0x6: {  	s31 =	simm.s32 $0xDF00;
	s1 =	sand.u32 $0x1, s1;
	s8 =	sshll.u32 s13, $0x6  }
0x7: {  	s18 =	sshll.u32 s13, $0x2;
	s11 =	sshll.u32 s13, $0x9;
	s22 =	smul.u32 $0x15E00, s13  }
0x8: {  	s3 =	sshll.u32 s1, $0x4;
	[dreg:$0x6] =	wrdreg s8;
	s8 =	sand.u32 $0x40, s8  }
0x9: {  	s9 =	ssub.s32 $0x2, s1;
	s11 =	sadd.s32 s11, s2;
	s1 =	smul.u32 $0x15E000, s1  }
0xa: {  	s6 =	sor.u32 s13, s3;
	s3 =	simm.s32 $0x0;
	s15 =	sshrl.u32 s9, $0x1  }
0xb: {  	s7 =	sshll.u32 s6, $0x6;
	[smem:$0x7FF] =	sst s3;
	s10 =	smul.u32 $0x15E0, s6  }
0xc: {  	s6 =	smul.u32 $0xAF000, s6;
	s16 =	ssub.s32 s9, s15;
	s15 =	simm.s32 $0x9  }
0xd: {  	s9 =	simm.s32 $0xB;
	s7 =	sand.u32 $0x780, s7;
	_ =	strace $0x80000047  }
0xe: {  	s26 =	smax.u32 s16, $0x1;
	s16 =	simm.s32 $0xDF80;
	[dreg:$0x8] =	wrdreg s11  }
0xf: {  	s7 =	sor.u32 s8, s7;
	s17 =	sadd.s32 $0x22600, s10;
	s6 =	sshrl.u32 s6, $0x3  }
0x10: {  	[dreg:$0x10] =	wrdreg s26;
	s26 =	simm.s32 $0xDE80;
	s10 =	sshrl.u32 s17, $0x3  }
0x11: {  	s8 =	simm.s32 $0xE000;
	s12 =	sadd.s32 s0, s6;
	s4 =	sadd.s32 s4, s10  }
0x12: {  	s5 =	sadd.s32 s7, s5;
	s19 =	sadd.s32 $0x226500, s12;
	[dreg:$0x7] =	wrdreg s4  }
0x13: {  	s20 =	sshll.u32 s17, $0x4;
	s6 =	sadd.s32 $0x226A00, s12;
	[dreg:$0x9] =	wrdreg s19  }
0x14: {  	s17 =	simm.s32 $0xC;
	s21 =	sadd.s32 $0x226F00, s12;
	[dreg:$0xa] =	wrdreg s6  }
0x15: {  	s7 =	simm.s32 $0xA;
	s23 =	sadd.s32 $0x23B900, s12;
	[dreg:$0xc] =	wrdreg s21  }
0x16: {  	s24 =	sadd.s32 $0xE00, s5;
	s25 =	sadd.s32 $0x1600, s5;
	[dreg:$0xd] =	wrdreg s23  }
0x17: {  	s5 =	simm.s32 $0x6;
	s10 =	simm.s32 $0x0;
	[dreg:$0xe] =	wrdreg s24  }
0x18: {  	s4 =	sadd.s32 s0, s20;
	s0 =	sadd.s32 s1, s0;
	[dreg:$0xf] =	wrdreg s25  }
0x19: {  	s19 =	simm.s32 $0x2800;
	s20 =	simm.s32 $0x2;
	s21 =	simm.s32 $0x50  }
0x1a: {  	s23 =	simm.s32 $0x5000;
	s24 =	simm.s32 $0x3;
	s25 =	simm.s32 $0x7  }
0x1b: {  	s1 =	simm.s32 $0xA000;
	[dreg:$0xb] =	wrdreg s4;
	s0 =	sadd.s32 s22, s0  }
0x1c: {  	v1 =	vimm.f32 $0.0e+00;
	v0 =	vmov s18;
	s22 =	simm.s32 $0xDE00;
	[dreg:$0x5] =	wrdreg s0;
	s0 =	simm.s32 $0x5  }
.LBB2_1:
0x1d: {  	s4 =	rddreg [dreg:$0x7];
	s6 =	simm.s32 $0xC800  }
0x1e: {  	[tilespmem:s6], [sflag:$0x1] =	stream.linear.gather [hbm4b:s4+s3], $0x15E0, $0x38;
	[tilespmem:$0xE800] =	vst v63  }
0x1f: {  	[tilespmem:$0xE200] =	vst v1  }
0x20: {  	[tilespmem:$0xE210] =	vst v1  }
0x21: {  	[tilespmem:$0xE220] =	vst v1  }
0x22: {  	[tilespmem:$0xE230] =	vst v1  }
0x23: {  	[tilespmem:$0xE240] =	vst v1  }
0x24: {  	[tilespmem:$0xE250] =	vst v1  }
0x25: {  	[tilespmem:$0xE260] =	vst v1  }
0x26: {  	[tilespmem:$0xE270] =	vst v1  }
0x27: {  	[tilespmem:$0xE400] =	vst v1  }
0x28: {  	[tilespmem:$0xE280] =	vst v1  }
0x29: {  	[tilespmem:$0xE290] =	vst v1  }
0x2a: {  	[tilespmem:$0xE2A0] =	vst v1  }
0x2b: {  	[tilespmem:$0xE2B0] =	vst v1  }
0x2c: {  	[tilespmem:$0xE2C0] =	vst v1  }
0x2d: {  	[tilespmem:$0xE2D0] =	vst v1  }
0x2e: {  	[tilespmem:$0xE2E0] =	vst v1  }
0x2f: {  	[tilespmem:$0xE2F0] =	vst v1  }
0x30: {  	[tilespmem:$0xE480] =	vst v1  }
0x31: {  	[tilespmem:$0xE300] =	vst v1  }
0x32: {  	[tilespmem:$0xE310] =	vst v1  }
0x33: {  	[tilespmem:$0xE320] =	vst v1  }
0x34: {  	[tilespmem:$0xE330] =	vst v1  }
0x35: {  	[tilespmem:$0xE340] =	vst v1  }
0x36: {  	[tilespmem:$0xE350] =	vst v1  }
0x37: {  	[tilespmem:$0xE360] =	vst v1  }
0x38: {  	[tilespmem:$0xE370] =	vst v1  }
0x39: {  	[tilespmem:$0xE500] =	vst v1  }
0x3a: {  	[tilespmem:$0xE380] =	vst v1  }
0x3b: {  	[tilespmem:$0xE390] =	vst v1  }
0x3c: {  	[tilespmem:$0xE3A0] =	vst v1  }
0x3d: {  	[tilespmem:$0xE3B0] =	vst v1  }
0x3e: {  	[tilespmem:$0xE3C0] =	vst v1  }
0x3f: {  	[tilespmem:$0xE3D0] =	vst v1  }
0x40: {  	[tilespmem:$0xE3E0] =	vst v1  }
0x41: {  	[tilespmem:$0xE3F0] =	vst v1  }
0x42: {  	s13 =	simm.s32 $0xE200;
	[tilespmem:$0xE580] =	vst v1  }
0x43: {  	[spmem:s11] =	stream.linear.scatter [tilespmem:s13], [sflag:$0xC], $0x200, $0x38;
	[tilespmem:$0xE800] =	vst v63  }
0x44: {  	_ =	swait.ge [sflag:s17], $0x200  }
0x45: {  	[sflag:s17] =	ssyncset.done $0x0  }
0x46: {  	s14 =	simm.s32 $0x1;
	[sflag:s17] =	ssyncadd.s32 $0xFFFFFE00  }
0x47: {  	_ =	swait.ge [sflag:s14], $0x15E0  }
0x48: {  	[sflag:s14] =	ssyncset.done $0x0  }
0x49: {  	s4 =	simm.s32 $0x0;
	s18 =	rddreg [dreg:$0xb];
	[sflag:s14] =	ssyncadd.s32 $0xFFFFEA20  }
0x4a: {  	[tilespmem:s3], [sflag:$0x2] =	stream.linear.gather [hbm4b:s18+s3], $0x2800, $0x38;
	[tilespmem:$0xE800] =	vst v63  }
0x4b: {  	v2 =	vld [tilespmem:s4+$0xC800];
	_ =	sdelay $0x1  }
0x4c: {  	v3 =	vld [tilespmem:$0xE400]  }
0x4d: {  	v4 =	vld [tilespmem:$0xE500]  }
0x4e: {  	v5 =	vld [tilespmem:$0xE580]  }
0x4f: {  	v6 =	vld [tilespmem:$0xE480];
	vm0 =	veq.s32 v2, $0x0  }
0x50: {  	vm1 =	veq.s32 v2, $0x2;
	v7 =	vsel vm0, $0x3F800000, v1  }
0x51: {  	vm15 =	veq.s32 v2, $0x3;
	v3 =	vadd.f32 v7, v3;
	v7 =	vsel vm1, $0x3F800000, v1  }
0x52: {  	vm4 =	veq.s32 v2, $0x1;
	v2 =	vadd.f32 v4, v7;
	v4 =	vsel vm15, $0x3F800000, v1  }
0x53: {  	v7 =	vsel vm4, $0x3F800000, v1;
	[tilespmem:$0xE400] =	vst v3;
	v4 =	vadd.f32 v5, v4  }
0x54: {  	v5 =	vadd.f32 v6, v7;
	[tilespmem:$0xE500] =	vst v2  }
0x55: {  	[tilespmem:$0xE580] =	vst v4  }
0x56: {  	[tilespmem:$0xE480] =	vst v5  }
0x57: {  	v6 =	vld [tilespmem:s4+$0xC810];
	_ =	sdelay $0x4  }
0x58: {  	vm5 =	veq.s32 v6, $0x0  }
0x59: {  	vm6 =	veq.s32 v6, $0x3;
	vm7 =	veq.s32 v6, $0x2;
	v7 =	vsel vm5, $0x3F800000, v1  }
0x5a: {  	vm8 =	veq.s32 v6, $0x1;
	v6 =	vsel vm7, $0x3F800000, v1;
	v3 =	vadd.f32 v7, v3  }
0x5b: {  	v7 =	vsel vm6, $0x3F800000, v1;
	v2 =	vadd.f32 v6, v2  }
0x5c: {  	v4 =	vadd.f32 v7, v4;
	v7 =	vsel vm8, $0x3F800000, v1;
	[tilespmem:$0xE400] =	vst v3  }
0x5d: {  	v5 =	vadd.f32 v7, v5;
	[tilespmem:$0xE500] =	vst v2  }
0x5e: {  	[tilespmem:$0xE580] =	vst v4  }
0x5f: {  	[tilespmem:$0xE480] =	vst v5  }
0x60: {  	v6 =	vld [tilespmem:s4+$0xC820];
	_ =	sdelay $0x4  }
0x61: {  	vm9 =	veq.s32 v6, $0x1  }
0x62: {  	vm11 =	veq.s32 v6, $0x0;
	v7 =	vsel vm9, $0x3F800000, v1  }
0x63: {  	vm10 =	veq.s32 v6, $0x2;
	v8 =	vsel vm11, $0x3F800000, v1;
	v5 =	vadd.f32 v7, v5  }
0x64: {  	vm12 =	veq.s32 v6, $0x3;
	v7 =	vsel vm10, $0x3F800000, v1;
	v3 =	vadd.f32 v8, v3  }
0x65: {  	v6 =	vadd.f32 v7, v2;
	v2 =	vsel vm12, $0x3F800000, v1;
	[tilespmem:$0xE480] =	vst v5  }
0x66: {  	v2 =	vadd.f32 v2, v4;
	[tilespmem:$0xE400] =	vst v3  }
0x67: {  	[tilespmem:$0xE500] =	vst v6  }
0x68: {  	[tilespmem:$0xE580] =	vst v2  }
0x69: {  	v4 =	vld [tilespmem:s4+$0xC830];
	_ =	sdelay $0x4  }
0x6a: {  	vm13 =	veq.s32 v4, $0x0  }
0x6b: {  	vm14 =	veq.s32 v4, $0x1;
	vm15 =	veq.s32 v4, $0x3;
	v7 =	vsel vm13, $0x3F800000, v1  }
0x6c: {  	vm2 =	veq.s32 v4, $0x2;
	v9 =	vsel vm15, $0x3F800000, v1;
	v4 =	vadd.f32 v7, v3  }
0x6d: {  	v63 =	vsel vm14, $0x3F800000, v1;
	v7 =	vsel vm2, $0x3F800000, v1;
	v2 =	vadd.f32 v9, v2  }
0x6e: {  	s11 =	simm.s32 $0x140;
	v3 =	vadd.f32 v63, v5;
	v5 =	vadd.f32 v7, v6;
	[tilespmem:$0xE400] =	vst v4  }
.LBB2_2:
0x6f: {  	p0 =	sne.s32 s11, $0x5640;
	[tilespmem:$0xE580] =	vst v2;
	s12 =	smov.u32 s11;
	s11 =	sadd.s32 $0x140, s11  }
0x70: {  	[tilespmem:$0xE500] =	vst v5  }
0x71: {  	[tilespmem:$0xE480] =	vst v3  }
0x72: {  	v6 =	vld [tilespmem:s4+$0xC840];
	_ =	sdelay $0x4  }
0x73: {  	vm0 =	veq.s32 v6, $0x0;
	vm1 =	veq.s32 v6, $0x1;
	vm2 =	veq.s32 v6, $0x2  }
0x74: {  	v7 =	vsel vm0, $0x3F800000, v1;
	v8 =	vsel vm1, $0x3F800000, v1;
	vm0 =	veq.s32 v6, $0x3  }
0x75: {  	v6 =	vsel vm2, $0x3F800000, v1;
	v4 =	vadd.f32 v7, v4;
	v3 =	vadd.f32 v8, v3  }
0x76: {  	v5 =	vadd.f32 v6, v5;
	v6 =	vsel vm0, $0x3F800000, v1  }
0x77: {  	v2 =	vadd.f32 v6, v2;
	[tilespmem:$0xE400] =	vst v4  }
0x78: {  	[tilespmem:$0xE500] =	vst v5  }
0x79: {  	[tilespmem:$0xE580] =	vst v2  }
0x7a: {  	s4 =	sshra.s32 s12, $0x2;
	[tilespmem:$0xE480] =	vst v3  }
0x7b: {  	v6 =	vld [tilespmem:s4+$0xC800];
	_ =	sdelay $0x4  }
0x7c: {  	vm0 =	veq.s32 v6, $0x0;
	vm1 =	veq.s32 v6, $0x1;
	vm2 =	veq.s32 v6, $0x2  }
0x7d: {  	v7 =	vsel vm0, $0x3F800000, v1;
	v8 =	vsel vm1, $0x3F800000, v1;
	vm0 =	veq.s32 v6, $0x3  }
0x7e: {  	v6 =	vsel vm2, $0x3F800000, v1;
	v4 =	vadd.f32 v7, v4;
	v3 =	vadd.f32 v3, v8  }
0x7f: {  	v5 =	vadd.f32 v5, v6;
	v6 =	vsel vm0, $0x3F800000, v1  }
0x80: {  	v2 =	vadd.f32 v2, v6;
	[tilespmem:$0xE400] =	vst v4  }
0x81: {  	[tilespmem:$0xE500] =	vst v5  }
0x82: {  	[tilespmem:$0xE580] =	vst v2  }
0x83: {  	[tilespmem:$0xE480] =	vst v3  }
0x84: {  	v6 =	vld [tilespmem:s4+$0xC810];
	_ =	sdelay $0x4  }
0x85: {  	vm0 =	veq.s32 v6, $0x0;
	vm1 =	veq.s32 v6, $0x1;
	vm2 =	veq.s32 v6, $0x2  }
0x86: {  	v7 =	vsel vm0, $0x3F800000, v1;
	v8 =	vsel vm1, $0x3F800000, v1;
	vm0 =	veq.s32 v6, $0x3  }
0x87: {  	v6 =	vsel vm2, $0x3F800000, v1;
	v4 =	vadd.f32 v7, v4;
	v7 =	vsel vm0, $0x3F800000, v1  }
0x88: {  	v3 =	vadd.f32 v8, v3;
	v2 =	vadd.f32 v7, v2  }
0x89: {  	v5 =	vadd.f32 v6, v5;
	[tilespmem:$0xE400] =	vst v4  }
0x8a: {  	[tilespmem:$0xE580] =	vst v2  }
0x8b: {  	[tilespmem:$0xE500] =	vst v5  }
0x8c: {  	[tilespmem:$0xE480] =	vst v3  }
0x8d: {  	v6 =	vld [tilespmem:s4+$0xC820];
	_ =	sdelay $0x4  }
0x8e: {  	vm0 =	veq.s32 v6, $0x0;
	vm1 =	veq.s32 v6, $0x1;
	vm2 =	veq.s32 v6, $0x2  }
0x8f: {  	v7 =	vsel vm0, $0x3F800000, v1;
	v8 =	vsel vm1, $0x3F800000, v1;
	vm0 =	veq.s32 v6, $0x3  }
0x90: {  	v6 =	vsel vm2, $0x3F800000, v1;
	v3 =	vadd.f32 v8, v3;
	v8 =	vsel vm0, $0x3F800000, v1  }
0x91: {  	v5 =	vadd.f32 v6, v5;
	v2 =	vadd.f32 v8, v2  }
0x92: {  	v4 =	vadd.f32 v7, v4;
	[tilespmem:$0xE480] =	vst v3  }
0x93: {  	[tilespmem:$0xE500] =	vst v5  }
0x94: {  	[tilespmem:$0xE400] =	vst v4  }
0x95: {  	[tilespmem:$0xE580] =	vst v2  }
0x96: {  	v6 =	vld [tilespmem:s4+$0xC830];
	_ =	sdelay $0x4  }
.Ltmp0:
0x97: {  	vm0 =	veq.s32 v6, $0x0;
	vm1 =	veq.s32 v6, $0x1;
	vm2 =	veq.s32 v6, $0x2;
	(pc) =	sbr.rel @p0 .LBB2_2-.Ltmp0, $4  }
0x98: {  	v7 =	vsel vm0, $0x3F800000, v1;
	v8 =	vsel vm1, $0x3F800000, v1;
	vm0 =	veq.s32 v6, $0x3  }
0x99: {  	v6 =	vsel vm2, $0x3F800000, v1;
	v4 =	vadd.f32 v7, v4;
	v7 =	vsel vm0, $0x3F800000, v1  }
0x9a: {  	v3 =	vadd.f32 v8, v3;
	v2 =	vadd.f32 v7, v2  }
0x9b: {  	v5 =	vadd.f32 v6, v5;
	[tilespmem:$0xE400] =	vst v4  }
0x9c: {  	[tilespmem:$0xE580] =	vst v2  }
0x9d: {  	[tilespmem:$0xE480] =	vst v3  }
0x9e: {  	[tilespmem:$0xE500] =	vst v5  }
0x9f: {  	v6 =	vld [tilespmem:s4+$0xC840];
	_ =	sdelay $0x4  }
0xa0: {  	vm0 =	veq.s32 v6, $0x0  }
0xa1: {  	vm1 =	veq.s32 v6, $0x2;
	v7 =	vsel vm0, $0x3F800000, v1  }
0xa2: {  	vm14 =	veq.s32 v6, $0x3;
	v51 =	vsel vm1, $0x3F800000, v1;
	v4 =	vadd.f32 v7, v4  }
0xa3: {  	vm15 =	veq.s32 v6, $0x1;
	v53 =	vsel vm14, $0x3F800000, v1;
	v52 =	vadd.f32 v51, v5  }
0xa4: {  	v54 =	vsel vm15, $0x3F800000, v1;
	v2 =	vadd.f32 v53, v2;
	[tilespmem:$0xE400] =	vst v4  }
0xa5: {  	v3 =	vadd.f32 v54, v3;
	[tilespmem:$0xE500] =	vst v52  }
0xa6: {  	[tilespmem:$0xE580] =	vst v2  }
0xa7: {  	s12 =	simm.s32 $0x0;
	s18 =	rddreg [dreg:$0x9];
	[tilespmem:$0xE480] =	vst v3  }
0xa8: {  	[tilespmem:s19], [sflag:$0x3] =	stream.linear.gather [hbm4b:s18+s12], $0x2800, $0x38;
	[tilespmem:$0xE800] =	vst v63  }
0xa9: {  	_ =	swait.ge [sflag:s20], $0x2800  }
0xaa: {  	[sflag:s20] =	ssyncset.done $0x0  }
0xab: {  	[sflag:s20] =	ssyncadd.s32 $0xFFFFD800  }
0xac: {  	v2 =	vld [tilespmem:$0xC800]  }
0xad: {  	v3 =	vld [tilespmem:$0xC810]  }
0xae: {  	v55 =	vld [tilespmem:$0xC820]  }
0xaf: {  	v56 =	vld [tilespmem:$0xC830]  }
0xb0: {  	v57 =	vld [tilespmem:$0xC840]  }
0xb1: {  	v2 =	vadd.s32 v0, v2  }
0xb2: {  	[tilespmem:$0xDE00] =	vst v2;
	v2 =	vadd.s32 v0, v3  }
0xb3: {  	[tilespmem:$0xDE10] =	vst v2;
	v2 =	vadd.s32 v0, v55  }
0xb4: {  	[tilespmem:$0xDE20] =	vst v2;
	v2 =	vadd.s32 v0, v56  }
0xb5: {  	[tilespmem:$0xDE30] =	vst v2;
	v2 =	vadd.s32 v0, v57  }
0xb6: {  	[tilespmem:$0xDE40] =	vst v2  }
0xb7: {  	[spmem:s2] =	stream.indirect.scatter.add.f32 [tilespmem:s12], [sflag:$0x7], $0x80, s22, s21, $0xb8;
	[tilespmem:$0xE800] =	vst v63  }
0xb8: {  	s6 =	rddreg [dreg:$0xa]  }
0xb9: {  	[tilespmem:s23], [sflag:$0x4] =	stream.linear.gather [hbm4b:s6+s12], $0x2800, $0x38;
	[tilespmem:$0xE800] =	vst v63  }
0xba: {  	_ =	swait.ge [sflag:s24], $0x2800  }
0xbb: {  	[sflag:s24] =	ssyncset.done $0x0  }
0xbc: {  	[sflag:s24] =	ssyncadd.s32 $0xFFFFD800  }
0xbd: {  	_ =	swait.ge [sflag:s25], $0x2800  }
0xbe: {  	[sflag:s25] =	ssyncset.done $0x0  }
0xbf: {  	[sflag:s25] =	ssyncadd.s32 $0xFFFFD800  }
0xc0: {  	v2 =	vld [tilespmem:$0xC850]  }
0xc1: {  	v3 =	vld [tilespmem:$0xC860]  }
0xc2: {  	v58 =	vld [tilespmem:$0xC870]  }
0xc3: {  	v59 =	vld [tilespmem:$0xC880]  }
0xc4: {  	v60 =	vld [tilespmem:$0xC890]  }
0xc5: {  	v2 =	vadd.s32 v0, v2  }
0xc6: {  	[tilespmem:$0xDE80] =	vst v2;
	v2 =	vadd.s32 v0, v3  }
0xc7: {  	[tilespmem:$0xDE90] =	vst v2;
	v2 =	vadd.s32 v0, v58  }
0xc8: {  	[tilespmem:$0xDEA0] =	vst v2;
	v2 =	vadd.s32 v0, v59  }
0xc9: {  	[tilespmem:$0xDEB0] =	vst v2;
	v2 =	vadd.s32 v0, v60  }
0xca: {  	[tilespmem:$0xDEC0] =	vst v2  }
0xcb: {  	[spmem:s2] =	stream.indirect.scatter.add.f32 [tilespmem:s19], [sflag:$0x8], $0x80, s26, s21, $0xb8;
	[tilespmem:$0xE800] =	vst v63  }
0xcc: {  	s11 =	rddreg [dreg:$0xc]  }
0xcd: {  	[tilespmem:s28], [sflag:$0x5] =	stream.linear.gather [hbm4b:s11+s12], $0x2800, $0x38;
	[tilespmem:$0xE800] =	vst v63  }
0xce: {  	_ =	swait.ge [sflag:s29], $0x2800  }
0xcf: {  	[sflag:s29] =	ssyncset.done $0x0  }
0xd0: {  	[sflag:s29] =	ssyncadd.s32 $0xFFFFD800  }
0xd1: {  	_ =	swait.ge [sflag:s30], $0x2800  }
0xd2: {  	[sflag:s30] =	ssyncset.done $0x0  }
0xd3: {  	[sflag:s30] =	ssyncadd.s32 $0xFFFFD800  }
0xd4: {  	v2 =	vld [tilespmem:$0xC8A0]  }
0xd5: {  	v3 =	vld [tilespmem:$0xC8B0]  }
0xd6: {  	v61 =	vld [tilespmem:$0xC8C0]  }
0xd7: {  	v62 =	vld [tilespmem:$0xC8D0]  }
0xd8: {  	v63 =	vld [tilespmem:$0xC8E0]  }
0xd9: {  	v2 =	vadd.s32 v0, v2  }
0xda: {  	[tilespmem:$0xDF00] =	vst v2;
	v2 =	vadd.s32 v0, v3  }
0xdb: {  	[tilespmem:$0xDF10] =	vst v2;
	v2 =	vadd.s32 v0, v61  }
0xdc: {  	[tilespmem:$0xDF20] =	vst v2;
	v2 =	vadd.s32 v0, v62  }
0xdd: {  	s13 =	rddreg [dreg:$0x5];
	[tilespmem:$0xDF30] =	vst v2;
	v2 =	vadd.s32 v0, v63  }
0xde: {  	s4 =	sadd.s32 $0x0, s13;
	[tilespmem:$0xDF40] =	vst v2  }
0xdf: {  	[spmem:s2] =	stream.indirect.scatter.add.f32 [tilespmem:s23], [sflag:$0x9], $0x80, s31, s21, $0xb8;
	[tilespmem:$0xE800] =	vst v63  }
0xe0: {  	s11 =	sadd.s32 $0x227400, s4  }
0xe1: {  	[tilespmem:s1], [sflag:$0x6] =	stream.linear.gather [hbm4b:s11+s3], $0x2800, $0x38;
	[tilespmem:$0xE800] =	vst v63  }
0xe2: {  	_ =	swait.ge [sflag:s0], $0x2800  }
0xe3: {  	[sflag:s0] =	ssyncset.done $0x0  }
0xe4: {  	[sflag:s0] =	ssyncadd.s32 $0xFFFFD800  }
0xe5: {  	_ =	swait.ge [sflag:s15], $0x2800  }
0xe6: {  	[sflag:s15] =	ssyncset.done $0x0  }
0xe7: {  	s11 =	simm.s32 $0xC940;
	[sflag:s15] =	ssyncadd.s32 $0xFFFFD800  }
0xe8: {  	v2 =	vld [tilespmem:s11+$0xFFFFFFB0];
	_ =	sdelay $0x4  }
0xe9: {  	v2 =	vadd.s32 v0, v2  }
0xea: {  	s12 =	sand.u32 $0x1FF0, s12;
	[tilespmem:$0xDF80] =	vst v2  }
0xeb: {  	v2 =	vld [tilespmem:s12+$0xC900];
	_ =	sdelay $0x4  }
0xec: {  	v2 =	vadd.s32 v0, v2  }
0xed: {  	[tilespmem:$0xDF90] =	vst v2  }
0xee: {  	v2 =	vld [tilespmem:s11+$0xFFFFFFD0];
	_ =	sdelay $0x4  }
0xef: {  	v2 =	vadd.s32 v0, v2  }
0xf0: {  	[tilespmem:$0xDFA0] =	vst v2  }
0xf1: {  	v2 =	vld [tilespmem:s11+$0xFFFFFFE0];
	_ =	sdelay $0x4  }
0xf2: {  	v2 =	vadd.s32 v0, v2  }
0xf3: {  	[tilespmem:$0xDFB0] =	vst v2  }
0xf4: {  	v2 =	vld [tilespmem:s11+$0xFFFFFFF0];
	_ =	sdelay $0x4  }
0xf5: {  	v2 =	vadd.s32 v0, v2  }
0xf6: {  	[tilespmem:$0xDFC0] =	vst v2  }
0xf7: {  	[spmem:s2] =	stream.indirect.scatter.add.f32 [tilespmem:s28], [sflag:$0xA], $0x80, s16, s21, $0xb8;
	[tilespmem:$0xE800] =	vst v63  }
0xf8: {  	s13 =	sadd.s32 $0x227900, s4  }
0xf9: {  	[tilespmem:s3], [sflag:$0x2] =	stream.linear.gather [hbm4b:s13+s3], $0x2800, $0x38;
	[tilespmem:$0xE800] =	vst v63  }
0xfa: {  	_ =	swait.ge [sflag:s5], $0x2800  }
0xfb: {  	[sflag:s5] =	ssyncset.done $0x0  }
0xfc: {  	[sflag:s5] =	ssyncadd.s32 $0xFFFFD800  }
0xfd: {  	_ =	swait.ge [sflag:s7], $0x2800  }
0xfe: {  	[sflag:s7] =	ssyncset.done $0x0  }
0xff: {  	[sflag:s7] =	ssyncadd.s32 $0xFFFFD800  }
0x100: {  	v2 =	vld [tilespmem:s11+$0x0];
	_ =	sdelay $0x4  }
0x101: {  	v2 =	vadd.s32 v0, v2  }
0x102: {  	[tilespmem:$0xE000] =	vst v2  }
0x103: {  	v2 =	vld [tilespmem:s11+$0x10];
	_ =	sdelay $0x4  }
0x104: {  	v2 =	vadd.s32 v0, v2  }
0x105: {  	[tilespmem:$0xE010] =	vst v2  }
0x106: {  	v2 =	vld [tilespmem:s11+$0x20];
	_ =	sdelay $0x4  }
0x107: {  	v2 =	vadd.s32 v0, v2  }
0x108: {  	[tilespmem:$0xE020] =	vst v2  }
0x109: {  	v2 =	vld [tilespmem:s11+$0x30];
	_ =	sdelay $0x4  }
0x10a: {  	v2 =	vadd.s32 v0, v2  }
0x10b: {  	[tilespmem:$0xE030] =	vst v2  }
0x10c: {  	v2 =	vld [tilespmem:s12+$0xC980];
	_ =	sdelay $0x4  }
0x10d: {  	v2 =	vadd.s32 v0, v2  }
0x10e: {  	[tilespmem:$0xE040] =	vst v2  }
0x10f: {  	[spmem:s2] =	stream.indirect.scatter.add.f32 [tilespmem:s1], [sflag:$0xB], $0x80, s8, s21, $0xb8;
	[tilespmem:$0xE800] =	vst v63  }
0x110: {  	s14 =	sadd.s32 $0x227E00, s4  }
0x111: {  	[tilespmem:s19], [sflag:$0x3] =	stream.linear.gather [hbm4b:s14+s3], $0x2800, $0x38;
	[tilespmem:$0xE800] =	vst v63  }
0x112: {  	_ =	swait.ge [sflag:s20], $0x2800  }
0x113: {  	[sflag:s20] =	ssyncset.done $0x0  }
0x114: {  	[sflag:s20] =	ssyncadd.s32 $0xFFFFD800  }
0x115: {  	_ =	swait.ge [sflag:s9], $0x2800  }
0x116: {  	[sflag:s9] =	ssyncset.done $0x0  }
0x117: {  	[sflag:s9] =	ssyncadd.s32 $0xFFFFD800  }
0x118: {  	v2 =	vld [tilespmem:s11+$0x50];
	_ =	sdelay $0x4  }
0x119: {  	v2 =	vadd.s32 v0, v2  }
0x11a: {  	[tilespmem:$0xDE00] =	vst v2  }
0x11b: {  	v2 =	vld [tilespmem:s11+$0x60];
	_ =	sdelay $0x4  }
0x11c: {  	v2 =	vadd.s32 v0, v2  }
0x11d: {  	[tilespmem:$0xDE10] =	vst v2  }
0x11e: {  	v2 =	vld [tilespmem:s11+$0x70];
	_ =	sdelay $0x4  }
0x11f: {  	v2 =	vadd.s32 v0, v2  }
0x120: {  	[tilespmem:$0xDE20] =	vst v2  }
0x121: {  	v2 =	vld [tilespmem:s11+$0x80];
	_ =	sdelay $0x4  }
0x122: {  	v2 =	vadd.s32 v0, v2  }
0x123: {  	[tilespmem:$0xDE30] =	vst v2  }
0x124: {  	v2 =	vld [tilespmem:s11+$0x90];
	_ =	sdelay $0x4  }
0x125: {  	v2 =	vadd.s32 v0, v2  }
0x126: {  	[tilespmem:$0xDE40] =	vst v2  }
0x127: {  	[spmem:s2] =	stream.indirect.scatter.add.f32 [tilespmem:s3], [sflag:$0x7], $0x80, s22, s21, $0xb8;
	[tilespmem:$0xE800] =	vst v63  }
0x128: {  	s18 =	sadd.s32 $0x228300, s4  }
0x129: {  	[tilespmem:s23], [sflag:$0x4] =	stream.linear.gather [hbm4b:s18+s3], $0x2800, $0x38;
	[tilespmem:$0xE800] =	vst v63  }
0x12a: {  	_ =	swait.ge [sflag:s24], $0x2800  }
0x12b: {  	[sflag:s24] =	ssyncset.done $0x0  }
0x12c: {  	[sflag:s24] =	ssyncadd.s32 $0xFFFFD800  }
0x12d: {  	_ =	swait.ge [sflag:s25], $0x2800  }
0x12e: {  	[sflag:s25] =	ssyncset.done $0x0  }
0x12f: {  	[sflag:s25] =	ssyncadd.s32 $0xFFFFD800  }
0x130: {  	v2 =	vld [tilespmem:s11+$0xA0];
	_ =	sdelay $0x4  }
0x131: {  	v2 =	vadd.s32 v0, v2  }
0x132: {  	[tilespmem:$0xDE80] =	vst v2  }
0x133: {  	v2 =	vld [tilespmem:s11+$0xB0];
	_ =	sdelay $0x4  }
0x134: {  	v2 =	vadd.s32 v0, v2  }
0x135: {  	[tilespmem:$0xDE90] =	vst v2  }
0x136: {  	v2 =	vld [tilespmem:s12+$0xCA00];
	_ =	sdelay $0x4  }
0x137: {  	v2 =	vadd.s32 v0, v2  }
0x138: {  	[tilespmem:$0xDEA0] =	vst v2  }
0x139: {  	v2 =	vld [tilespmem:s11+$0xD0];
	_ =	sdelay $0x4  }
0x13a: {  	v2 =	vadd.s32 v0, v2  }
0x13b: {  	[tilespmem:$0xDEB0] =	vst v2  }
0x13c: {  	v2 =	vld [tilespmem:s11+$0xE0];
	_ =	sdelay $0x4  }
0x13d: {  	v2 =	vadd.s32 v0, v2  }
0x13e: {  	[tilespmem:$0xDEC0] =	vst v2  }
0x13f: {  	[spmem:s2] =	stream.indirect.scatter.add.f32 [tilespmem:s19], [sflag:$0x8], $0x80, s26, s21, $0xb8;
	[tilespmem:$0xE800] =	vst v63  }
0x140: {  	s4 =	sadd.s32 $0x228800, s4  }
0x141: {  	[tilespmem:s28], [sflag:$0x5] =	stream.linear.gather [hbm4b:s4+s3], $0x2800, $0x38;
	[tilespmem:$0xE800] =	vst v63  }
0x142: {  	_ =	swait.ge [sflag:s29], $0x2800  }
0x143: {  	[sflag:s29] =	ssyncset.done $0x0  }
0x144: {  	[sflag:s29] =	ssyncadd.s32 $0xFFFFD800  }
0x145: {  	_ =	swait.ge [sflag:s30], $0x2800  }
0x146: {  	[sflag:s30] =	ssyncset.done $0x0  }
0x147: {  	[sflag:s30] =	ssyncadd.s32 $0xFFFFD800  }
0x148: {  	v2 =	vld [tilespmem:s11+$0xF0];
	_ =	sdelay $0x4  }
0x149: {  	v2 =	vadd.s32 v0, v2  }
0x14a: {  	[tilespmem:$0xDF00] =	vst v2  }
0x14b: {  	v2 =	vld [tilespmem:s11+$0x100];
	_ =	sdelay $0x4  }
0x14c: {  	v2 =	vadd.s32 v0, v2  }
0x14d: {  	[tilespmem:$0xDF10] =	vst v2  }
0x14e: {  	v2 =	vld [tilespmem:s11+$0x110];
	_ =	sdelay $0x4  }
0x14f: {  	v2 =	vadd.s32 v0, v2  }
0x150: {  	[tilespmem:$0xDF20] =	vst v2  }
0x151: {  	v2 =	vld [tilespmem:s11+$0x120];
	_ =	sdelay $0x4  }
0x152: {  	v2 =	vadd.s32 v0, v2  }
0x153: {  	[tilespmem:$0xDF30] =	vst v2  }
0x154: {  	v2 =	vld [tilespmem:s11+$0x130];
	_ =	sdelay $0x3  }
0x155: {  	s13 =	simm.s32 $0x1900  }
0x156: {  	s18 =	simm.s32 $0x3200;
	s12 =	simm.s32 $0x190;
	s4 =	rddreg [dreg:$0x5];
	v2 =	vadd.s32 v0, v2  }
.LBB2_4:
0x157: {  	s4 =	sadd.s32 s13, s4;
	[tilespmem:$0xDF40] =	vst v2  }
0x158: {  	[spmem:s2] =	stream.indirect.scatter.add.f32 [tilespmem:s23], [sflag:$0x9], $0x80, s31, s21, $0xb8;
	[tilespmem:$0xE800] =	vst v63  }
0x159: {  	s6 =	sadd.s32 $0x227400, s4  }
0x15a: {  	[tilespmem:s1], [sflag:$0x6] =	stream.linear.gather [hbm4b:s6+s3], $0x2800, $0x38;
	[tilespmem:$0xE800] =	vst v63  }
0x15b: {  	_ =	swait.ge [sflag:s0], $0x2800  }
0x15c: {  	[sflag:s0] =	ssyncset.done $0x0  }
0x15d: {  	[sflag:s0] =	ssyncadd.s32 $0xFFFFD800  }
0x15e: {  	_ =	swait.ge [sflag:s15], $0x2800  }
0x15f: {  	[sflag:s15] =	ssyncset.done $0x0  }
0x160: {  	s11 =	sadd.s32 $0x190, s11;
	[sflag:s15] =	ssyncadd.s32 $0xFFFFD800  }
0x161: {  	v2 =	vld [tilespmem:s11+$0xFFFFFFB0];
	_ =	sdelay $0x4  }
0x162: {  	s13 =	smov.u32 s18;
	v2 =	vadd.s32 v0, v2  }
0x163: {  	s14 =	sadd.s32 $0x1900, s18;
	p0 =	sne.s32 s18, $0x12C00;
	s18 =	sand.u32 $0x1FF0, s12;
	[tilespmem:$0xDF80] =	vst v2  }
0x164: {  	v2 =	vld [tilespmem:s18+$0xC900];
	_ =	sdelay $0x4  }
0x165: {  	v2 =	vadd.s32 v0, v2  }
0x166: {  	[tilespmem:$0xDF90] =	vst v2  }
0x167: {  	v2 =	vld [tilespmem:s11+$0xFFFFFFD0];
	_ =	sdelay $0x4  }
0x168: {  	v2 =	vadd.s32 v0, v2  }
0x169: {  	[tilespmem:$0xDFA0] =	vst v2  }
0x16a: {  	v2 =	vld [tilespmem:s11+$0xFFFFFFE0];
	_ =	sdelay $0x4  }
0x16b: {  	v2 =	vadd.s32 v0, v2  }
0x16c: {  	[tilespmem:$0xDFB0] =	vst v2  }
0x16d: {  	v2 =	vld [tilespmem:s11+$0xFFFFFFF0];
	_ =	sdelay $0x4  }
0x16e: {  	v2 =	vadd.s32 v0, v2  }
0x16f: {  	[tilespmem:$0xDFC0] =	vst v2  }
0x170: {  	[spmem:s2] =	stream.indirect.scatter.add.f32 [tilespmem:s28], [sflag:$0xA], $0x80, s16, s21, $0xb8;
	[tilespmem:$0xE800] =	vst v63  }
0x171: {  	s6 =	sadd.s32 $0x227900, s4  }
0x172: {  	[tilespmem:s3], [sflag:$0x2] =	stream.linear.gather [hbm4b:s6+s3], $0x2800, $0x38;
	[tilespmem:$0xE800] =	vst v63  }
0x173: {  	_ =	swait.ge [sflag:s5], $0x2800  }
0x174: {  	[sflag:s5] =	ssyncset.done $0x0  }
0x175: {  	[sflag:s5] =	ssyncadd.s32 $0xFFFFD800  }
0x176: {  	_ =	swait.ge [sflag:s7], $0x2800  }
0x177: {  	[sflag:s7] =	ssyncset.done $0x0  }
0x178: {  	[sflag:s7] =	ssyncadd.s32 $0xFFFFD800  }
0x179: {  	v2 =	vld [tilespmem:s11+$0x0];
	_ =	sdelay $0x4  }
0x17a: {  	v2 =	vadd.s32 v0, v2  }
0x17b: {  	[tilespmem:$0xE000] =	vst v2  }
0x17c: {  	v2 =	vld [tilespmem:s11+$0x10];
	_ =	sdelay $0x4  }
0x17d: {  	v2 =	vadd.s32 v0, v2  }
0x17e: {  	[tilespmem:$0xE010] =	vst v2  }
0x17f: {  	v2 =	vld [tilespmem:s11+$0x20];
	_ =	sdelay $0x4  }
0x180: {  	v2 =	vadd.s32 v0, v2  }
0x181: {  	[tilespmem:$0xE020] =	vst v2  }
0x182: {  	v2 =	vld [tilespmem:s11+$0x30];
	_ =	sdelay $0x4  }
0x183: {  	v2 =	vadd.s32 v0, v2  }
0x184: {  	[tilespmem:$0xE030] =	vst v2  }
0x185: {  	v2 =	vld [tilespmem:s18+$0xC980];
	_ =	sdelay $0x4  }
0x186: {  	v2 =	vadd.s32 v0, v2  }
0x187: {  	[tilespmem:$0xE040] =	vst v2  }
0x188: {  	[spmem:s2] =	stream.indirect.scatter.add.f32 [tilespmem:s1], [sflag:$0xB], $0x80, s8, s21, $0xb8;
	[tilespmem:$0xE800] =	vst v63  }
0x189: {  	s6 =	sadd.s32 $0x227E00, s4  }
0x18a: {  	[tilespmem:s19], [sflag:$0x3] =	stream.linear.gather [hbm4b:s6+s3], $0x2800, $0x38;
	[tilespmem:$0xE800] =	vst v63  }
0x18b: {  	_ =	swait.ge [sflag:s20], $0x2800  }
0x18c: {  	[sflag:s20] =	ssyncset.done $0x0  }
0x18d: {  	[sflag:s20] =	ssyncadd.s32 $0xFFFFD800  }
0x18e: {  	_ =	swait.ge [sflag:s9], $0x2800  }
0x18f: {  	[sflag:s9] =	ssyncset.done $0x0  }
0x190: {  	[sflag:s9] =	ssyncadd.s32 $0xFFFFD800  }
0x191: {  	v2 =	vld [tilespmem:s11+$0x50];
	_ =	sdelay $0x4  }
0x192: {  	v2 =	vadd.s32 v0, v2  }
0x193: {  	[tilespmem:$0xDE00] =	vst v2  }
0x194: {  	v2 =	vld [tilespmem:s11+$0x60];
	_ =	sdelay $0x4  }
0x195: {  	v2 =	vadd.s32 v0, v2  }
0x196: {  	[tilespmem:$0xDE10] =	vst v2  }
0x197: {  	v2 =	vld [tilespmem:s11+$0x70];
	_ =	sdelay $0x4  }
0x198: {  	v2 =	vadd.s32 v0, v2  }
0x199: {  	[tilespmem:$0xDE20] =	vst v2  }
0x19a: {  	v2 =	vld [tilespmem:s11+$0x80];
	_ =	sdelay $0x4  }
0x19b: {  	v2 =	vadd.s32 v0, v2  }
0x19c: {  	[tilespmem:$0xDE30] =	vst v2  }
0x19d: {  	v2 =	vld [tilespmem:s11+$0x90];
	_ =	sdelay $0x4  }
0x19e: {  	v2 =	vadd.s32 v0, v2  }
0x19f: {  	[tilespmem:$0xDE40] =	vst v2  }
0x1a0: {  	[spmem:s2] =	stream.indirect.scatter.add.f32 [tilespmem:s3], [sflag:$0x7], $0x80, s22, s21, $0xb8;
	[tilespmem:$0xE800] =	vst v63  }
0x1a1: {  	s6 =	sadd.s32 $0x228300, s4  }
0x1a2: {  	[tilespmem:s23], [sflag:$0x4] =	stream.linear.gather [hbm4b:s6+s3], $0x2800, $0x38;
	[tilespmem:$0xE800] =	vst v63  }
0x1a3: {  	_ =	swait.ge [sflag:s24], $0x2800  }
0x1a4: {  	[sflag:s24] =	ssyncset.done $0x0  }
0x1a5: {  	[sflag:s24] =	ssyncadd.s32 $0xFFFFD800  }
0x1a6: {  	_ =	swait.ge [sflag:s25], $0x2800  }
0x1a7: {  	[sflag:s25] =	ssyncset.done $0x0  }
0x1a8: {  	[sflag:s25] =	ssyncadd.s32 $0xFFFFD800  }
0x1a9: {  	v2 =	vld [tilespmem:s11+$0xA0];
	_ =	sdelay $0x4  }
0x1aa: {  	v2 =	vadd.s32 v0, v2  }
0x1ab: {  	[tilespmem:$0xDE80] =	vst v2  }
0x1ac: {  	v2 =	vld [tilespmem:s11+$0xB0];
	_ =	sdelay $0x4  }
0x1ad: {  	v2 =	vadd.s32 v0, v2  }
0x1ae: {  	[tilespmem:$0xDE90] =	vst v2  }
0x1af: {  	v2 =	vld [tilespmem:s18+$0xCA00];
	_ =	sdelay $0x4  }
0x1b0: {  	v2 =	vadd.s32 v0, v2  }
0x1b1: {  	[tilespmem:$0xDEA0] =	vst v2  }
0x1b2: {  	v2 =	vld [tilespmem:s11+$0xD0];
	_ =	sdelay $0x4  }
0x1b3: {  	v2 =	vadd.s32 v0, v2  }
0x1b4: {  	[tilespmem:$0xDEB0] =	vst v2  }
0x1b5: {  	v2 =	vld [tilespmem:s11+$0xE0];
	_ =	sdelay $0x4  }
0x1b6: {  	v2 =	vadd.s32 v0, v2  }
0x1b7: {  	[tilespmem:$0xDEC0] =	vst v2  }
0x1b8: {  	[spmem:s2] =	stream.indirect.scatter.add.f32 [tilespmem:s19], [sflag:$0x8], $0x80, s26, s21, $0xb8;
	[tilespmem:$0xE800] =	vst v63  }
0x1b9: {  	s4 =	sadd.s32 $0x228800, s4  }
0x1ba: {  	[tilespmem:s28], [sflag:$0x5] =	stream.linear.gather [hbm4b:s4+s3], $0x2800, $0x38;
	[tilespmem:$0xE800] =	vst v63  }
0x1bb: {  	_ =	swait.ge [sflag:s29], $0x2800  }
0x1bc: {  	[sflag:s29] =	ssyncset.done $0x0  }
0x1bd: {  	[sflag:s29] =	ssyncadd.s32 $0xFFFFD800  }
0x1be: {  	_ =	swait.ge [sflag:s30], $0x2800  }
0x1bf: {  	[sflag:s30] =	ssyncset.done $0x0  }
0x1c0: {  	[sflag:s30] =	ssyncadd.s32 $0xFFFFD800  }
0x1c1: {  	v2 =	vld [tilespmem:s11+$0xF0];
	_ =	sdelay $0x4  }
0x1c2: {  	v2 =	vadd.s32 v0, v2  }
0x1c3: {  	[tilespmem:$0xDF00] =	vst v2  }
0x1c4: {  	v2 =	vld [tilespmem:s11+$0x100];
	_ =	sdelay $0x4  }
0x1c5: {  	v2 =	vadd.s32 v0, v2  }
0x1c6: {  	[tilespmem:$0xDF10] =	vst v2  }
0x1c7: {  	v2 =	vld [tilespmem:s11+$0x110];
	_ =	sdelay $0x4  }
0x1c8: {  	v2 =	vadd.s32 v0, v2  }
0x1c9: {  	[tilespmem:$0xDF20] =	vst v2  }
0x1ca: {  	v2 =	vld [tilespmem:s11+$0x120];
	_ =	sdelay $0x4  }
0x1cb: {  	v2 =	vadd.s32 v0, v2  }
0x1cc: {  	[tilespmem:$0xDF30] =	vst v2  }
0x1cd: {  	v2 =	vld [tilespmem:s11+$0x130]  }
.Ltmp1:
0x1ce: {  	_ = 	snop;
	(pc) =	sbr.rel @p0 .LBB2_4-.Ltmp1, $2  }
0x1cf: {  	_ =	sdelay $0x2  }
0x1d0: {  	s12 =	sadd.s32 $0x190, s12;
	s18 =	smov.u32 s14;
	s4 =	rddreg [dreg:$0x5];
	v2 =	vadd.s32 v0, v2  }
0x1d1: {  	s13 =	sadd.s32 s13, s4;
	[tilespmem:$0xDF40] =	vst v2  }
0x1d2: {  	[spmem:s2] =	stream.indirect.scatter.add.f32 [tilespmem:s23], [sflag:$0x9], $0x80, s31, s21, $0xb8;
	[tilespmem:$0xE800] =	vst v63  }
0x1d3: {  	s4 =	sadd.s32 $0x227400, s13  }
0x1d4: {  	[tilespmem:s1], [sflag:$0x6] =	stream.linear.gather [hbm4b:s4+s3], $0x2800, $0x38;
	[tilespmem:$0xE800] =	vst v63  }
0x1d5: {  	_ =	swait.ge [sflag:s0], $0x2800  }
0x1d6: {  	[sflag:s0] =	ssyncset.done $0x0  }
0x1d7: {  	[sflag:s0] =	ssyncadd.s32 $0xFFFFD800  }
0x1d8: {  	_ =	swait.ge [sflag:s15], $0x2800  }
0x1d9: {  	[sflag:s15] =	ssyncset.done $0x0  }
0x1da: {  	s4 =	sadd.s32 $0x190, s11;
	[sflag:s15] =	ssyncadd.s32 $0xFFFFD800  }
0x1db: {  	v2 =	vld [tilespmem:s4+$0xFFFFFFB0];
	_ =	sdelay $0x4  }
0x1dc: {  	v2 =	vadd.s32 v0, v2  }
0x1dd: {  	s12 =	sand.u32 $0x1FF0, s12;
	[tilespmem:$0xDF80] =	vst v2  }
0x1de: {  	v2 =	vld [tilespmem:s12+$0xC900];
	_ =	sdelay $0x4  }
0x1df: {  	v2 =	vadd.s32 v0, v2  }
0x1e0: {  	[tilespmem:$0xDF90] =	vst v2  }
0x1e1: {  	v2 =	vld [tilespmem:s4+$0xFFFFFFD0];
	_ =	sdelay $0x4  }
0x1e2: {  	v2 =	vadd.s32 v0, v2  }
0x1e3: {  	[tilespmem:$0xDFA0] =	vst v2  }
0x1e4: {  	v2 =	vld [tilespmem:s4+$0xFFFFFFE0];
	_ =	sdelay $0x4  }
0x1e5: {  	v2 =	vadd.s32 v0, v2  }
0x1e6: {  	[tilespmem:$0xDFB0] =	vst v2  }
0x1e7: {  	v2 =	vld [tilespmem:s4+$0xFFFFFFF0];
	_ =	sdelay $0x4  }
0x1e8: {  	v2 =	vadd.s32 v0, v2  }
0x1e9: {  	[tilespmem:$0xDFC0] =	vst v2  }
0x1ea: {  	[spmem:s2] =	stream.indirect.scatter.add.f32 [tilespmem:s28], [sflag:$0xA], $0x80, s16, s21, $0xb8;
	[tilespmem:$0xE800] =	vst v63  }
0x1eb: {  	s6 =	sadd.s32 $0x227900, s13  }
0x1ec: {  	[tilespmem:s3], [sflag:$0x2] =	stream.linear.gather [hbm4b:s6+s3], $0x2800, $0x38;
	[tilespmem:$0xE800] =	vst v63  }
0x1ed: {  	_ =	swait.ge [sflag:s5], $0x2800  }
0x1ee: {  	[sflag:s5] =	ssyncset.done $0x0  }
0x1ef: {  	[sflag:s5] =	ssyncadd.s32 $0xFFFFD800  }
0x1f0: {  	_ =	swait.ge [sflag:s7], $0x2800  }
0x1f1: {  	[sflag:s7] =	ssyncset.done $0x0  }
0x1f2: {  	[sflag:s7] =	ssyncadd.s32 $0xFFFFD800  }
0x1f3: {  	v2 =	vld [tilespmem:s4+$0x0];
	_ =	sdelay $0x4  }
0x1f4: {  	v2 =	vadd.s32 v0, v2  }
0x1f5: {  	[tilespmem:$0xE000] =	vst v2  }
0x1f6: {  	v2 =	vld [tilespmem:s4+$0x10];
	_ =	sdelay $0x4  }
0x1f7: {  	v2 =	vadd.s32 v0, v2  }
0x1f8: {  	[tilespmem:$0xE010] =	vst v2  }
0x1f9: {  	v2 =	vld [tilespmem:s4+$0x20];
	_ =	sdelay $0x4  }
0x1fa: {  	v2 =	vadd.s32 v0, v2  }
0x1fb: {  	[tilespmem:$0xE020] =	vst v2  }
0x1fc: {  	v2 =	vld [tilespmem:s4+$0x30];
	_ =	sdelay $0x4  }
0x1fd: {  	v2 =	vadd.s32 v0, v2  }
0x1fe: {  	[tilespmem:$0xE030] =	vst v2  }
0x1ff: {  	v2 =	vld [tilespmem:s12+$0xC980];
	_ =	sdelay $0x4  }
0x200: {  	v2 =	vadd.s32 v0, v2  }
0x201: {  	[tilespmem:$0xE040] =	vst v2  }
0x202: {  	[spmem:s2] =	stream.indirect.scatter.add.f32 [tilespmem:s1], [sflag:$0xB], $0x80, s8, s21, $0xb8;
	[tilespmem:$0xE800] =	vst v63  }
0x203: {  	s14 =	sadd.s32 $0x227E00, s13  }
0x204: {  	[tilespmem:s19], [sflag:$0x3] =	stream.linear.gather [hbm4b:s14+s3], $0x2800, $0x38;
	[tilespmem:$0xE800] =	vst v63  }
0x205: {  	_ =	swait.ge [sflag:s20], $0x2800  }
0x206: {  	[sflag:s20] =	ssyncset.done $0x0  }
0x207: {  	[sflag:s20] =	ssyncadd.s32 $0xFFFFD800  }
0x208: {  	_ =	swait.ge [sflag:s9], $0x2800  }
0x209: {  	[sflag:s9] =	ssyncset.done $0x0  }
0x20a: {  	[sflag:s9] =	ssyncadd.s32 $0xFFFFD800  }
0x20b: {  	v2 =	vld [tilespmem:s4+$0x50];
	_ =	sdelay $0x4  }
0x20c: {  	v2 =	vadd.s32 v0, v2  }
0x20d: {  	[tilespmem:$0xDE00] =	vst v2  }
0x20e: {  	v2 =	vld [tilespmem:s4+$0x60];
	_ =	sdelay $0x4  }
0x20f: {  	v2 =	vadd.s32 v0, v2  }
0x210: {  	[tilespmem:$0xDE10] =	vst v2  }
0x211: {  	v2 =	vld [tilespmem:s4+$0x70];
	_ =	sdelay $0x4  }
0x212: {  	v2 =	vadd.s32 v0, v2  }
0x213: {  	[tilespmem:$0xDE20] =	vst v2  }
0x214: {  	v2 =	vld [tilespmem:s4+$0x80];
	_ =	sdelay $0x4  }
0x215: {  	v2 =	vadd.s32 v0, v2  }
0x216: {  	[tilespmem:$0xDE30] =	vst v2  }
0x217: {  	v2 =	vld [tilespmem:s4+$0x90];
	_ =	sdelay $0x4  }
0x218: {  	v2 =	vadd.s32 v0, v2  }
0x219: {  	[tilespmem:$0xDE40] =	vst v2  }
0x21a: {  	[spmem:s2] =	stream.indirect.scatter.add.f32 [tilespmem:s3], [sflag:$0x7], $0x80, s22, s21, $0xb8;
	[tilespmem:$0xE800] =	vst v63  }
0x21b: {  	s18 =	sadd.s32 $0x228300, s13  }
0x21c: {  	[tilespmem:s23], [sflag:$0x4] =	stream.linear.gather [hbm4b:s18+s3], $0x2800, $0x38;
	[tilespmem:$0xE800] =	vst v63  }
0x21d: {  	_ =	swait.ge [sflag:s24], $0x2800  }
0x21e: {  	[sflag:s24] =	ssyncset.done $0x0  }
0x21f: {  	[sflag:s24] =	ssyncadd.s32 $0xFFFFD800  }
0x220: {  	_ =	swait.ge [sflag:s25], $0x2800  }
0x221: {  	[sflag:s25] =	ssyncset.done $0x0  }
0x222: {  	[sflag:s25] =	ssyncadd.s32 $0xFFFFD800  }
0x223: {  	v2 =	vld [tilespmem:s4+$0xA0];
	_ =	sdelay $0x4  }
0x224: {  	v2 =	vadd.s32 v0, v2  }
0x225: {  	[tilespmem:$0xDE80] =	vst v2  }
0x226: {  	v2 =	vld [tilespmem:s4+$0xB0];
	_ =	sdelay $0x4  }
0x227: {  	v2 =	vadd.s32 v0, v2  }
0x228: {  	[tilespmem:$0xDE90] =	vst v2  }
0x229: {  	v2 =	vld [tilespmem:s12+$0xCA00];
	_ =	sdelay $0x4  }
0x22a: {  	v2 =	vadd.s32 v0, v2  }
0x22b: {  	[tilespmem:$0xDEA0] =	vst v2  }
0x22c: {  	v2 =	vld [tilespmem:s4+$0xD0];
	_ =	sdelay $0x4  }
0x22d: {  	v2 =	vadd.s32 v0, v2  }
0x22e: {  	[tilespmem:$0xDEB0] =	vst v2  }
0x22f: {  	v2 =	vld [tilespmem:s4+$0xE0];
	_ =	sdelay $0x4  }
0x230: {  	v2 =	vadd.s32 v0, v2  }
0x231: {  	[tilespmem:$0xDEC0] =	vst v2  }
0x232: {  	[spmem:s2] =	stream.indirect.scatter.add.f32 [tilespmem:s19], [sflag:$0x8], $0x80, s26, s21, $0xb8;
	[tilespmem:$0xE800] =	vst v63  }
0x233: {  	s11 =	sadd.s32 $0x228800, s13  }
0x234: {  	[tilespmem:s28], [sflag:$0x5] =	stream.linear.gather [hbm4b:s11+s3], $0x2800, $0x38;
	[tilespmem:$0xE800] =	vst v63  }
0x235: {  	_ =	swait.ge [sflag:s29], $0x2800  }
0x236: {  	[sflag:s29] =	ssyncset.done $0x0  }
0x237: {  	[sflag:s29] =	ssyncadd.s32 $0xFFFFD800  }
0x238: {  	_ =	swait.ge [sflag:s30], $0x2800  }
0x239: {  	[sflag:s30] =	ssyncset.done $0x0  }
0x23a: {  	[sflag:s30] =	ssyncadd.s32 $0xFFFFD800  }
0x23b: {  	v2 =	vld [tilespmem:s4+$0xF0];
	_ =	sdelay $0x4  }
0x23c: {  	v2 =	vadd.s32 v0, v2  }
0x23d: {  	[tilespmem:$0xDF00] =	vst v2  }
0x23e: {  	v2 =	vld [tilespmem:s4+$0x100];
	_ =	sdelay $0x4  }
0x23f: {  	v2 =	vadd.s32 v0, v2  }
0x240: {  	[tilespmem:$0xDF10] =	vst v2  }
0x241: {  	v2 =	vld [tilespmem:s4+$0x110];
	_ =	sdelay $0x4  }
0x242: {  	v2 =	vadd.s32 v0, v2  }
0x243: {  	[tilespmem:$0xDF20] =	vst v2  }
0x244: {  	v2 =	vld [tilespmem:s4+$0x120];
	_ =	sdelay $0x4  }
0x245: {  	v2 =	vadd.s32 v0, v2  }
0x246: {  	[tilespmem:$0xDF30] =	vst v2  }
0x247: {  	v2 =	vld [tilespmem:s4+$0x130];
	_ =	sdelay $0x4  }
0x248: {  	v2 =	vadd.s32 v0, v2  }
0x249: {  	[tilespmem:$0xDF40] =	vst v2  }
0x24a: {  	[spmem:s2] =	stream.indirect.scatter.add.f32 [tilespmem:s23], [sflag:$0x9], $0x80, s31, s21, $0xb8;
	[tilespmem:$0xE800] =	vst v63  }
0x24b: {  	s12 =	rddreg [dreg:$0xd]  }
0x24c: {  	[tilespmem:s1], [sflag:$0x6] =	stream.linear.gather [hbm4b:s12+s3], $0x2800, $0x38;
	[tilespmem:$0xE800] =	vst v63  }
0x24d: {  	_ =	swait.ge [sflag:s0], $0x2800  }
0x24e: {  	[sflag:s0] =	ssyncset.done $0x0  }
0x24f: {  	[sflag:s0] =	ssyncadd.s32 $0xFFFFD800  }
0x250: {  	_ =	swait.ge [sflag:s15], $0x2800  }
0x251: {  	[sflag:s15] =	ssyncset.done $0x0  }
0x252: {  	[sflag:s15] =	ssyncadd.s32 $0xFFFFD800  }
0x253: {  	v2 =	vld [tilespmem:$0xDD40]  }
0x254: {  	v3 =	vld [tilespmem:$0xDD50]  }
0x255: {  	v4 =	vld [tilespmem:$0xDD60]  }
0x256: {  	v5 =	vld [tilespmem:$0xDD70]  }
0x257: {  	v6 =	vld [tilespmem:$0xDD80]  }
0x258: {  	v2 =	vadd.s32 v0, v2  }
0x259: {  	[tilespmem:$0xDF80] =	vst v2;
	v2 =	vadd.s32 v0, v3  }
0x25a: {  	[tilespmem:$0xDF90] =	vst v2;
	v2 =	vadd.s32 v0, v4  }
0x25b: {  	[tilespmem:$0xDFA0] =	vst v2;
	v2 =	vadd.s32 v0, v5  }
0x25c: {  	[tilespmem:$0xDFB0] =	vst v2;
	v2 =	vadd.s32 v0, v6  }
0x25d: {  	[tilespmem:$0xDFC0] =	vst v2  }
0x25e: {  	[spmem:s2] =	stream.indirect.scatter.add.f32 [tilespmem:s28], [sflag:$0xA], $0x80, s16, s21, $0xb8;
	[tilespmem:$0xE800] =	vst v63  }
0x25f: {  	_ =	swait.ge [sflag:s5], $0x2800  }
0x260: {  	[sflag:s5] =	ssyncset.done $0x0  }
0x261: {  	[sflag:s5] =	ssyncadd.s32 $0xFFFFD800  }
0x262: {  	_ =	swait.ge [sflag:s7], $0x2800  }
0x263: {  	[sflag:s7] =	ssyncset.done $0x0  }
0x264: {  	[sflag:s7] =	ssyncadd.s32 $0xFFFFD800  }
0x265: {  	v2 =	vld [tilespmem:$0xDD90]  }
0x266: {  	v3 =	vld [tilespmem:$0xDDA0]  }
0x267: {  	v61 =	vld [tilespmem:$0xDDB0]  }
0x268: {  	v62 =	vld [tilespmem:$0xDDC0]  }
0x269: {  	v63 =	vld [tilespmem:$0xDDD0]  }
0x26a: {  	v2 =	vadd.s32 v0, v2  }
0x26b: {  	[tilespmem:$0xE000] =	vst v2;
	v2 =	vadd.s32 v0, v3  }
0x26c: {  	[tilespmem:$0xE010] =	vst v2;
	v2 =	vadd.s32 v0, v61  }
0x26d: {  	[tilespmem:$0xE020] =	vst v2;
	v2 =	vadd.s32 v0, v62  }
0x26e: {  	[tilespmem:$0xE030] =	vst v2;
	v2 =	vadd.s32 v0, v63  }
0x26f: {  	[tilespmem:$0xE040] =	vst v2  }
0x270: {  	[spmem:s2] =	stream.indirect.scatter.add.f32 [tilespmem:s1], [sflag:$0xB], $0x80, s8, s21, $0xb8;
	[tilespmem:$0xE800] =	vst v63  }
0x271: {  	_ =	swait.ge [sflag:s9], $0x2800  }
0x272: {  	s13 =	rddreg [dreg:$0x6]  }
0x273: {  	s11 =	rddreg [dreg:$0x8]  }
0x274: {  	[sflag:s9] =	ssyncset.done $0x0;
	s18 =	rddreg [dreg:$0xe]  }
0x275: {  	[sflag:s9] =	ssyncadd.s32 $0xFFFFD800;
	s4 =	sor.u32 $0x1C0C, s13;
	s14 =	sshrl.u32 s11, $0x3  }
0x276: {  	[hbm:s18], [sflag:s4] =	dma.local [spmem:s14], $0x40  }
0x277: {  	_ =	swait.ge [sflag:s17], $0x40  }
0x278: {  	[sflag:s17] =	ssyncset.done $0x0  }
0x279: {  	s14 =	simm.s32 $0xE400;
	s13 =	rddreg [dreg:$0xf];
	[sflag:s17] =	ssyncadd.s32 $0xFFFFFFC0  }
0x27a: {  	[hbm4b:s13+s3] =	stream.linear.scatter [tilespmem:s14], [sflag:$0xC], $0x200, $0x38;
	[tilespmem:$0xE800] =	vst v63  }
0x27b: {  	_ =	swait.ge [sflag:s17], $0x200  }
0x27c: {  	s10 =	sadd.s32 $0x1, s10;
	s18 =	rddreg [dreg:$0x10]  }
0x27d: {  	p0 =	sne.s32 s10, s18  }
.Ltmp2:
0x27e: {  	_ = 	snop;
	(pc) =	sbr.rel @p0 .LBB2_1-.Ltmp2, $3  }
0x27f: {  	_ =	sdelay $0x1  }
0x280: {  	[sflag:s17] =	ssyncset.done $0x0  }
0x281: {  	[sflag:s17] =	ssyncadd.s32 $0xFFFFFE00  }
0x282: {  	_ =	sfence.sel $0x180000  }
0x283: {  	[bflag:$0x0] =	sbarrier.arrive $0xFFFF  }
0x284: {  	_ =	strace $0x90000047  }
0x285: {  	s0 =	stileid.u32;
	[bflag:$0x2] =	sbarrier.arrive $0xFFFF  }
0x286: {  	p0 =	sne.s32 s0, $0x0;
	s0 =	rddreg [dreg:$0x4]  }
0x287: {  	s0 =	sadd.s32 @!p0 $0x100000, s0  }
0x288: {  	[sflag:s0] =	ssyncadd.tile.s32 @!p0 $0x1;
	_ =	shalt  }
.Lfunc_end2:
_tile_overlayer_lowered:
.L_overlay_start_2:
0x289: {  	(tag) =	ssettag $0x2  }
0x28a: {  	s0 =	rddreg [dreg:$0x0];
	s2 =	stileid.u32  }
0x28b: {  	s1 =	rddreg [dreg:$0x1];
	p0 =	sne.s32 s2, $0x0  }
0x28c: {  	s3 =	rddreg [dreg:$0x2];
	[bflag:$0x3] =	sbarrier.arrive $0xFFFF;
	s2 =	simm.s32 @!p0 $0x1C0C  }
0x28d: {  	[timem:s3], [sflag:s2] =	dma.local @!p0 [hbm:s0], s1  }
0x28e: {  	s0 =	simm.s32 @!p0 $0xC  }
0x28f: {  	_ =	swait.ge @!p0 [sflag:s0], s1  }
0x290: {  	s1 =	ssub.s32 @!p0 $0x0, s1;
	[sflag:s0] =	ssyncset.done @!p0 $0x0  }
0x291: {  	[sflag:s0] =	ssyncadd.s32 @!p0 s1  }
0x292: {  	[bflag:$0x3] =	sbarrier.arrive $0xFFFF  }
0x293: {  	_ =	shalt  }

</sc_bundles>
